<compile_context>
chip_gen: v7x
topology: tpu7x:2x2x1
jax: 0.10.2.dev20260603
libtpu: 0.0.44.dev20260713+nightly
codegen_flags: <defaults>
</compile_context>

<pallas_src>
import functools

import jax
import jax.numpy as jnp
from jax import lax
from jax.experimental import pallas as pl
from jax.experimental.pallas import tpu as pltpu
from jax.experimental.pallas import tpu_sc as plsc

NUM_FIELDS = 26
FIELD_SIZE = 40000
EMB_DIM = 16
BATCH = 16384
TOTAL = BATCH * NUM_FIELDS
TOTAL_VOCAB = NUM_FIELDS * FIELD_SIZE

NUM_CORES = 2
NUM_SUBCORES = 16
NUM_WORKERS = NUM_CORES * NUM_SUBCORES
PER_WORKER = TOTAL // NUM_WORKERS

GATHER_W = 128
CHUNK_ROWS = 13
CHUNK = GATHER_W * CHUNK_ROWS
BTILE = 128
CHUNKS_PER_TILE = BTILE * NUM_FIELDS // CHUNK
TILES_PER_WORKER = PER_WORKER // (BTILE * NUM_FIELDS)


TGROUP = 13 * 128
NUM_TGROUPS = TOTAL_VOCAB // TGROUP
TG_PER_WORKER = -(-NUM_TGROUPS // NUM_WORKERS)


def _table_transpose(table_t):
    mesh = plsc.VectorSubcoreMesh(core_axis_name="c", subcore_axis_name="s")

    @functools.partial(
        pl.kernel,
        out_type=jax.ShapeDtypeStruct((TOTAL_VOCAB * EMB_DIM,), jnp.float32),
        mesh=mesh,
        scratch_types=[
            pltpu.VMEM((EMB_DIM, TGROUP), jnp.float32),
            pltpu.VMEM((EMB_DIM, TGROUP), jnp.float32),
            pltpu.VMEM((EMB_DIM * TGROUP,), jnp.float32),
            pltpu.VMEM((EMB_DIM * TGROUP,), jnp.float32),
            pltpu.SemaphoreType.DMA,
            pltpu.SemaphoreType.DMA,
        ],
        compiler_params=pltpu.CompilerParams(
            use_tc_tiling_on_sc=True, needs_layout_passes=False
        ),
    )
    def k(tab_hbm, out_hbm, in_v0, in_v1, o_v0, o_v1, sem, osem):
        wid = lax.axis_index("s") * NUM_CORES + lax.axis_index("c")
        lane = lax.iota(jnp.int32, 16)
        ins = (in_v0, in_v1)
        outs = (o_v0, o_v1)
        gsz = EMB_DIM * TGROUP

        def start_in(g, buf):
            pltpu.async_copy(tab_hbm.at[:, pl.ds(g * TGROUP, TGROUP)], buf, sem)

        start_in(wid, in_v0)
        start_in(wid + NUM_WORKERS, in_v1)

        @pl.loop(0, TG_PER_WORKER // 2)
        def _(s):
            for p in range(2):
                i = 2 * s + p
                g = wid + i * NUM_WORKERS

                @pl.when(g < NUM_TGROUPS)
                def _(p=p, i=i, g=g):
                    @pl.when(i >= 2)
                    def _():
                        pltpu.make_async_copy(
                            out_hbm.at[pl.ds(0, gsz)], outs[p], osem
                        ).wait()

                    pltpu.make_async_copy(
                        tab_hbm.at[:, pl.ds(0, TGROUP)], ins[p], sem
                    ).wait()

                    @pl.loop(0, TGROUP, step=16)
                    def _(lb):
                        base = (lb + lane) * EMB_DIM
                        for kk in range(EMB_DIM):
                            plsc.store_scatter(
                                outs[p], [base + kk],
                                ins[p][kk, pl.ds(lb, 16)],
                            )

                    @pl.when(g + 2 * NUM_WORKERS < NUM_TGROUPS)
                    def _():
                        start_in(g + 2 * NUM_WORKERS, ins[p])

                    pltpu.async_copy(
                        outs[p], out_hbm.at[pl.ds(g * gsz, gsz)], osem
                    )

        pltpu.make_async_copy(out_hbm.at[pl.ds(0, gsz)], o_v0, osem).wait()
        pltpu.make_async_copy(out_hbm.at[pl.ds(0, gsz)], o_v1, osem).wait()

    return k(table_t)


def _emb_gather(x_flat, offs, table):
    mesh = plsc.VectorSubcoreMesh(core_axis_name="c", subcore_axis_name="s")

    @functools.partial(
        pl.kernel,
        out_type=jax.ShapeDtypeStruct(
            (NUM_FIELDS * 2, BATCH // BTILE, 8 * BTILE), jnp.float32
        ),
        mesh=mesh,
        scratch_types=[
            pltpu.VMEM((CHUNK,), jnp.int32),
            pltpu.VMEM((CHUNK,), jnp.int32),
            pltpu.VMEM((CHUNK,), jnp.int32),
            pltpu.VMEM((CHUNK, EMB_DIM), jnp.float32),
            pltpu.VMEM((CHUNK, EMB_DIM), jnp.float32),
            pltpu.VMEM((NUM_FIELDS * 2, 8 * BTILE), jnp.float32),
            pltpu.SemaphoreType.DMA,
            pltpu.SemaphoreType.DMA,
        ],
        compiler_params=pltpu.CompilerParams(
            use_tc_tiling_on_sc=False, needs_layout_passes=False
        ),
    )
    def k(x_hbm, off_hbm, table_hbm, out_hbm, idx_v0, idx_v1, off_v,
          rows_v0, rows_v1, t_v, sem, osem):
        wid = lax.axis_index("s") * NUM_CORES + lax.axis_index("c")
        base = wid * PER_WORKER
        pltpu.sync_copy(off_hbm, off_v)
        lane = lax.iota(jnp.int32, 16)
        gvec = lane // 8
        slvec = lane % 8 * BTILE
        jgs = [gvec + 2 * j for j in range(NUM_FIELDS)]
        idxs = (idx_v0, idx_v1)
        rows = (rows_v0, rows_v1)

        def launch_chunk(start, p):
            pltpu.sync_copy(x_hbm.at[pl.ds(start, CHUNK)], idxs[p])

            @pl.loop(0, CHUNK, step=16)
            def _(g):
                sl = pl.ds(g, 16)
                idxs[p][sl] = idxs[p][sl] + off_v[sl]

            for r in range(CHUNK_ROWS):
                pltpu.async_copy(
                    table_hbm.at[idxs[p].at[pl.ds(r * GATHER_W, GATHER_W)]],
                    rows[p].at[pl.ds(r * GATHER_W, GATHER_W)],
                    sem,
                )

        def drain_rows(p):
            pltpu.make_async_copy(
                table_hbm.at[pl.ds(0, CHUNK)], rows[p], sem
            ).wait()

        def scatter_rows(p, l0):
            @pl.loop(0, CHUNK // NUM_FIELDS)
            def _(bi):
                sll = slvec + (l0 + bi)
                row0 = bi * NUM_FIELDS
                for j in range(NUM_FIELDS):
                    plsc.store_scatter(
                        t_v, [jgs[j], sll], rows[p][row0 + j, :]
                    )

        launch_chunk(base, 0)

        @pl.loop(0, TILES_PER_WORKER)
        def _(ct):
            tile_start = base + ct * (BTILE * NUM_FIELDS)
            launch_chunk(tile_start + CHUNK, 1)
            drain_rows(0)

            @pl.when(ct > 0)
            def _():
                pltpu.make_async_copy(out_hbm.at[:, 0], t_v, osem).wait()

            scatter_rows(0, 0)

            @pl.when(ct + 1 < TILES_PER_WORKER)
            def _():
                launch_chunk(tile_start + BTILE * NUM_FIELDS, 0)

            drain_rows(1)
            scatter_rows(1, CHUNK // NUM_FIELDS)
            pltpu.async_copy(t_v, out_hbm.at[:, wid * TILES_PER_WORKER + ct],
                             osem)

        pltpu.make_async_copy(out_hbm.at[:, 0], t_v, osem).wait()

    return k(x_flat, offs, table)


def kernel(x, table):
    x_flat = x.reshape(TOTAL).astype(jnp.int32)
    offs = jnp.arange(CHUNK, dtype=jnp.int32) % NUM_FIELDS * FIELD_SIZE
    table_lin = _table_transpose(table.T)
    out4 = _emb_gather(
        x_flat, offs, table_lin.reshape(TOTAL_VOCAB, EMB_DIM)
    )
    out5 = out4.reshape(NUM_FIELDS, 2, BATCH // BTILE, 8, BTILE)
    return out5.transpose(2, 4, 0, 1, 3).reshape(BATCH, NUM_FIELDS, EMB_DIM)

# --- scband reference (transcript-rebuilt; emitter-appended) ---
"""Pipeline reference for scband-feature-embedding-1529008357553 (READ-ONLY COPY).

The authoritative reference and input builder live on the scoring server;
editing this copy changes nothing except your own understanding.
"""

import jax, jax.numpy as jnp
import numpy as np

FIELD_DIMS = [40000] * 26
EMB_DIM = 16
TOTAL_VOCAB = sum(FIELD_DIMS)  # 1,040,000
BATCH = 16384

def setup_inputs(seed: int = 0) -> dict:
    key = jax.random.key(seed)
    k1, k2 = jax.random.split(key)
    x = jax.random.randint(k1, (BATCH, len(FIELD_DIMS)), 0, FIELD_DIMS[0], dtype=jnp.int64) if jax.config.read('jax_enable_x64') else jax.random.randint(k1, (BATCH, len(FIELD_DIMS)), 0, FIELD_DIMS[0], dtype=jnp.int32)
    table = jax.random.normal(k2, (TOTAL_VOCAB, EMB_DIM), dtype=jnp.float32) * 0.01
    return {"x": x, "table": table}

def reference(x, table):
    # offsets = (0, *cumsum(field_dims)[:-1])
    offsets = jnp.asarray(np.array((0, *np.cumsum(FIELD_DIMS)[:-1]), dtype=np.int64), dtype=x.dtype)
    idx = x + offsets[None, :]
    # embedding lookup: gather rows from the table
    out = jnp.take(table, idx, axis=0)  # [BATCH, 26, EMB_DIM]
    return out

if __name__ == "__main__":
    import jax
    _d = setup_inputs()
    print(jax.jit(kernel)(*tuple(_d.values())))

</pallas_src>

<mosaic_0001>
#map = affine_map<(d0, d1) -> (0, 0)>
#map1 = affine_map<(d0, d1) -> (0)>
module attributes {stable_mosaic.version = 14 : i64} {
  func.func @k(%arg0: i32, %arg1: i32, %arg2: memref<16x1040000xf32, #tpu.memory_space<hbm>>, %arg3: memref<16640000xf32, #tpu.memory_space<hbm>>, %arg4: memref<16x1664xf32, #tpu.memory_space<vmem>>, %arg5: memref<16x1664xf32, #tpu.memory_space<vmem>>, %arg6: memref<26624xf32, #tpu.memory_space<vmem>>, %arg7: memref<26624xf32, #tpu.memory_space<vmem>>, %arg8: memref<!tpu.dma_semaphore, #tpu.memory_space<semaphore_mem>>, %arg9: memref<!tpu.dma_semaphore, #tpu.memory_space<semaphore_mem>>) attributes {dimension_semantics = [#tpu.dimension_semantics<core_parallel>, #tpu.dimension_semantics<subcore_parallel>], iteration_bounds = array<i64: 2, 16>, scalar_prefetch = 0 : i64, scratch_operands = 6 : i64, tpu.core_type = #tpu.core_type<sc_vector_subcore>, window_params = [{transform_indices = #map}, {transform_indices = #map1}]} {
    %mul3A = arith.constant 2 : i32
    %mul3A_0 = arith.muli %arg1, %mul3A : i32
    %add3A = arith.addi %mul3A_0, %arg0 : i32
    %iota3A = tpu.iota {dimensions = array<i32: 0>} : vector<16xi32>
    %mul3A_1 = arith.constant 1664 : i32
    %mul3A_2 = arith.muli %add3A, %mul3A_1 : i32
    %dma_start3A = arith.constant 0 : i32
    %dma_start3A_3 = tpu.memref_slice %arg2[%dma_start3A, %mul3A_2] : memref<16x1040000xf32, #tpu.memory_space<hbm>> -> memref<16x1664xf32, #tpu.memory_space<hbm>>
    %dma_start3A_4 = arith.constant 0 : i32
    %dma_start3A_5 = tpu.memref_slice %arg2[%dma_start3A_4, %mul3A_2] : memref<16x1040000xf32, #tpu.memory_space<hbm>> -> memref<16x1664xf32, #tpu.memory_space<hbm>>
    tpu.enqueue_dma source(%dma_start3A_5 : memref<16x1664xf32, #tpu.memory_space<hbm>>) target(%arg4 : memref<16x1664xf32, #tpu.memory_space<vmem>>) target_semaphore(%arg8 : memref<!tpu.dma_semaphore, #tpu.memory_space<semaphore_mem>>)
    %add3A_6 = arith.constant 32 : i32
    %add3A_7 = arith.addi %add3A, %add3A_6 : i32
    %mul3A_8 = arith.constant 1664 : i32
    %mul3A_9 = arith.muli %add3A_7, %mul3A_8 : i32
    %dma_start3A_10 = arith.constant 0 : i32
    %dma_start3A_11 = tpu.memref_slice %arg2[%dma_start3A_10, %mul3A_9] : memref<16x1040000xf32, #tpu.memory_space<hbm>> -> memref<16x1664xf32, #tpu.memory_space<hbm>>
    %dma_start3A_12 = arith.constant 0 : i32
    %dma_start3A_13 = tpu.memref_slice %arg2[%dma_start3A_12, %mul3A_9] : memref<16x1040000xf32, #tpu.memory_space<hbm>> -> memref<16x1664xf32, #tpu.memory_space<hbm>>
    tpu.enqueue_dma source(%dma_start3A_13 : memref<16x1664xf32, #tpu.memory_space<hbm>>) target(%arg5 : memref<16x1664xf32, #tpu.memory_space<vmem>>) target_semaphore(%arg8 : memref<!tpu.dma_semaphore, #tpu.memory_space<semaphore_mem>>)
    %scan3A = arith.constant 0 : i32
    %scan3A_14 = arith.constant 10 : i32
    %scan3A_15 = arith.addi %scan3A, %scan3A_14 : i32
    %scan3A_16 = arith.constant 1 : i32
    scf.for %scan3A_25 = %scan3A to %scan3A_15 step %scan3A_16  : i32 {
      %mul3A_26 = arith.constant 1 : i32
      %mul3A_27 = arith.muli %scan3A_25, %mul3A_26 : i32
      %add3A_28 = arith.constant 0 : i32
      %add3A_29 = arith.addi %add3A_28, %mul3A_27 : i32
      %mul3A_30 = arith.constant 2 : i32
      %mul3A_31 = arith.muli %mul3A_30, %add3A_29 : i32
      %add3A_32 = arith.constant 0 : i32
      %add3A_33 = arith.addi %mul3A_31, %add3A_32 : i32
      %mul3A_34 = arith.constant 32 : i32
      %mul3A_35 = arith.muli %add3A_33, %mul3A_34 : i32
      %add3A_36 = arith.addi %add3A, %mul3A_35 : i32
      %lt3A = arith.constant 625 : i32
      %lt3A_37 = arith.cmpi slt, %add3A_36, %lt3A : i32
      %convert_element_type3A = arith.extui %lt3A_37 : i1 to i32
      %cond3A = arith.constant 0 : i32
      %cond3A_38 = arith.cmpi ne, %convert_element_type3A, %cond3A : i32
      scf.if %cond3A_38 {
        %ge3A = arith.constant 2 : i32
        %ge3A_51 = arith.cmpi sge, %add3A_33, %ge3A : i32
        %convert_element_type3A_52 = arith.extui %ge3A_51 : i1 to i32
        %cond3A_53 = arith.constant 0 : i32
        %cond3A_54 = arith.cmpi ne, %convert_element_type3A_52, %cond3A_53 : i32
        scf.if %cond3A_54 {
          %dma_wait3A_77 = arith.constant 0 : i32
          %dma_wait3A_78 = tpu.memref_slice %arg3[%dma_wait3A_77] : memref<16640000xf32, #tpu.memory_space<hbm>> -> memref<26624xf32, #tpu.memory_space<hbm>>
          %dma_wait3A_79 = arith.constant 0 : i32
          %dma_wait3A_80 = tpu.memref_slice %arg3[%dma_wait3A_79] : memref<16640000xf32, #tpu.memory_space<hbm>> -> memref<26624xf32, #tpu.memory_space<hbm>>
          tpu.wait_dma2 semaphore(%arg9 : memref<!tpu.dma_semaphore, #tpu.memory_space<semaphore_mem>>) src(%dma_wait3A_80 : memref<26624xf32, #tpu.memory_space<hbm>>) dst(%arg6 : memref<26624xf32, #tpu.memory_space<vmem>>)
        } else {
        }
        %dma_wait3A_55 = arith.constant 0 : i32
        %dma_wait3A_56 = arith.constant 0 : i32
        %dma_wait3A_57 = tpu.memref_slice %arg2[%dma_wait3A_55, %dma_wait3A_56] : memref<16x1040000xf32, #tpu.memory_space<hbm>> -> memref<16x1664xf32, #tpu.memory_space<hbm>>
        %dma_wait3A_58 = arith.constant 0 : i32
        %dma_wait3A_59 = arith.constant 0 : i32
        %dma_wait3A_60 = tpu.memref_slice %arg2[%dma_wait3A_58, %dma_wait3A_59] : memref<16x1040000xf32, #tpu.memory_space<hbm>> -> memref<16x1664xf32, #tpu.memory_space<hbm>>
        tpu.wait_dma2 semaphore(%arg8 : memref<!tpu.dma_semaphore, #tpu.memory_space<semaphore_mem>>) src(%dma_wait3A_60 : memref<16x1664xf32, #tpu.memory_space<hbm>>) dst(%arg4 : memref<16x1664xf32, #tpu.memory_space<vmem>>)
        %scan3A_61 = arith.constant 0 : i32
        %scan3A_62 = arith.constant 104 : i32
        %scan3A_63 = arith.addi %scan3A_61, %scan3A_62 : i32
        %scan3A_64 = arith.constant 1 : i32
        scf.for %scan3A_77 = %scan3A_61 to %scan3A_63 step %scan3A_64  : i32 {
          %mul3A_78 = arith.constant 16 : i32
          %mul3A_79 = arith.muli %scan3A_77, %mul3A_78 : i32
          %add3A_80 = arith.constant 0 : i32
          %add3A_81 = arith.addi %add3A_80, %mul3A_79 : i32
          %add3A_82 = vector.broadcast %add3A_81 : i32 to vector<16xi32>
          %add3A_83 = arith.addi %add3A_82, %iota3A : vector<16xi32>
          %mul3A_84 = arith.constant 16 : i32
          %mul3A_85 = vector.broadcast %mul3A_84 : i32 to vector<16xi32>
          %mul3A_86 = arith.muli %add3A_83, %mul3A_85 : vector<16xi32>
          %add3A_87 = arith.constant 0 : i32
          %add3A_88 = vector.broadcast %add3A_87 : i32 to vector<16xi32>
          %add3A_89 = arith.addi %mul3A_86, %add3A_88 : vector<16xi32>
          %get3A = arith.constant 0 : i32
          %get3A_90 = arith.index_cast %get3A : i32 to index
          %get3A_91 = arith.index_cast %add3A_81 : i32 to index
          %get3A_92 = tpu.vector_load %arg4[%get3A_90, %get3A_91] {strides = array<i32>} : memref<16x1664xf32, #tpu.memory_space<vmem>>, vector<16xf32>,
          tpu.vector_store_idx %arg6[%add3A_89], %get3A_92 : memref<26624xf32, #tpu.memory_space<vmem>>[vector<16xi32>], vector<16xf32>,
          %add3A_93 = arith.constant 1 : i32
          %add3A_94 = vector.broadcast %add3A_93 : i32 to vector<16xi32>
          %add3A_95 = arith.addi %mul3A_86, %add3A_94 : vector<16xi32>
          %get3A_96 = arith.constant 1 : i32
          %get3A_97 = arith.index_cast %get3A_96 : i32 to index
          %get3A_98 = arith.index_cast %add3A_81 : i32 to index
          %get3A_99 = tpu.vector_load %arg4[%get3A_97, %get3A_98] {strides = array<i32>} : memref<16x1664xf32, #tpu.memory_space<vmem>>, vector<16xf32>,
          tpu.vector_store_idx %arg6[%add3A_95], %get3A_99 : memref<26624xf32, #tpu.memory_space<vmem>>[vector<16xi32>], vector<16xf32>,
          %add3A_100 = arith.constant 2 : i32
          %add3A_101 = vector.broadcast %add3A_100 : i32 to vector<16xi32>
          %add3A_102 = arith.addi %mul3A_86, %add3A_101 : vector<16xi32>
          %get3A_103 = arith.constant 2 : i32
          %get3A_104 = arith.index_cast %get3A_103 : i32 to index
          %get3A_105 = arith.index_cast %add3A_81 : i32 to index
          %get3A_106 = tpu.vector_load %arg4[%get3A_104, %get3A_105] {strides = array<i32>} : memref<16x1664xf32, #tpu.memory_space<vmem>>, vector<16xf32>,
          tpu.vector_store_idx %arg6[%add3A_102], %get3A_106 : memref<26624xf32, #tpu.memory_space<vmem>>[vector<16xi32>], vector<16xf32>,
          %add3A_107 = arith.constant 3 : i32
          %add3A_108 = vector.broadcast %add3A_107 : i32 to vector<16xi32>
          %add3A_109 = arith.addi %mul3A_86, %add3A_108 : vector<16xi32>
          %get3A_110 = arith.constant 3 : i32
          %get3A_111 = arith.index_cast %get3A_110 : i32 to index
          %get3A_112 = arith.index_cast %add3A_81 : i32 to index
          %get3A_113 = tpu.vector_load %arg4[%get3A_111, %get3A_112] {strides = array<i32>} : memref<16x1664xf32, #tpu.memory_space<vmem>>, vector<16xf32>,
          tpu.vector_store_idx %arg6[%add3A_109], %get3A_113 : memref<26624xf32, #tpu.memory_space<vmem>>[vector<16xi32>], vector<16xf32>,
          %add3A_114 = arith.constant 4 : i32
          %add3A_115 = vector.broadcast %add3A_114 : i32 to vector<16xi32>
          %add3A_116 = arith.addi %mul3A_86, %add3A_115 : vector<16xi32>
          %get3A_117 = arith.constant 4 : i32
          %get3A_118 = arith.index_cast %get3A_117 : i32 to index
          %get3A_119 = arith.index_cast %add3A_81 : i32 to index
          %get3A_120 = tpu.vector_load %arg4[%get3A_118, %get3A_119] {strides = array<i32>} : memref<16x1664xf32, #tpu.memory_space<vmem>>, vector<16xf32>,
          tpu.vector_store_idx %arg6[%add3A_116], %get3A_120 : memref<26624xf32, #tpu.memory_space<vmem>>[vector<16xi32>], vector<16xf32>,
          %add3A_121 = arith.constant 5 : i32
          %add3A_122 = vector.broadcast %add3A_121 : i32 to vector<16xi32>
          %add3A_123 = arith.addi %mul3A_86, %add3A_122 : vector<16xi32>
          %get3A_124 = arith.constant 5 : i32
          %get3A_125 = arith.index_cast %get3A_124 : i32 to index
          %get3A_126 = arith.index_cast %add3A_81 : i32 to index
          %get3A_127 = tpu.vector_load %arg4[%get3A_125, %get3A_126] {strides = array<i32>} : memref<16x1664xf32, #tpu.memory_space<vmem>>, vector<16xf32>,
          tpu.vector_store_idx %arg6[%add3A_123], %get3A_127 : memref<26624xf32, #tpu.memory_space<vmem>>[vector<16xi32>], vector<16xf32>,
          %add3A_128 = arith.constant 6 : i32
          %add3A_129 = vector.broadcast %add3A_128 : i32 to vector<16xi32>
          %add3A_130 = arith.addi %mul3A_86, %add3A_129 : vector<16xi32>
          %get3A_131 = arith.constant 6 : i32
          %get3A_132 = arith.index_cast %get3A_131 : i32 to index
          %get3A_133 = arith.index_cast %add3A_81 : i32 to index
          %get3A_134 = tpu.vector_load %arg4[%get3A_132, %get3A_133] {strides = array<i32>} : memref<16x1664xf32, #tpu.memory_space<vmem>>, vector<16xf32>,
          tpu.vector_store_idx %arg6[%add3A_130], %get3A_134 : memref<26624xf32, #tpu.memory_space<vmem>>[vector<16xi32>], vector<16xf32>,
          %add3A_135 = arith.constant 7 : i32
          %add3A_136 = vector.broadcast %add3A_135 : i32 to vector<16xi32>
          %add3A_137 = arith.addi %mul3A_86, %add3A_136 : vector<16xi32>
          %get3A_138 = arith.constant 7 : i32
          %get3A_139 = arith.index_cast %get3A_138 : i32 to index
          %get3A_140 = arith.index_cast %add3A_81 : i32 to index
          %get3A_141 = tpu.vector_load %arg4[%get3A_139, %get3A_140] {strides = array<i32>} : memref<16x1664xf32, #tpu.memory_space<vmem>>, vector<16xf32>,
          tpu.vector_store_idx %arg6[%add3A_137], %get3A_141 : memref<26624xf32, #tpu.memory_space<vmem>>[vector<16xi32>], vector<16xf32>,
          %add3A_142 = arith.constant 8 : i32
          %add3A_143 = vector.broadcast %add3A_142 : i32 to vector<16xi32>
          %add3A_144 = arith.addi %mul3A_86, %add3A_143 : vector<16xi32>
          %get3A_145 = arith.constant 8 : i32
          %get3A_146 = arith.index_cast %get3A_145 : i32 to index
          %get3A_147 = arith.index_cast %add3A_81 : i32 to index
          %get3A_148 = tpu.vector_load %arg4[%get3A_146, %get3A_147] {strides = array<i32>} : memref<16x1664xf32, #tpu.memory_space<vmem>>, vector<16xf32>,
          tpu.vector_store_idx %arg6[%add3A_144], %get3A_148 : memref<26624xf32, #tpu.memory_space<vmem>>[vector<16xi32>], vector<16xf32>,
          %add3A_149 = arith.constant 9 : i32
          %add3A_150 = vector.broadcast %add3A_149 : i32 to vector<16xi32>
          %add3A_151 = arith.addi %mul3A_86, %add3A_150 : vector<16xi32>
          %get3A_152 = arith.constant 9 : i32
          %get3A_153 = arith.index_cast %get3A_152 : i32 to index
          %get3A_154 = arith.index_cast %add3A_81 : i32 to index
          %get3A_155 = tpu.vector_load %arg4[%get3A_153, %get3A_154] {strides = array<i32>} : memref<16x1664xf32, #tpu.memory_space<vmem>>, vector<16xf32>,
          tpu.vector_store_idx %arg6[%add3A_151], %get3A_155 : memref<26624xf32, #tpu.memory_space<vmem>>[vector<16xi32>], vector<16xf32>,
          %add3A_156 = arith.constant 10 : i32
          %add3A_157 = vector.broadcast %add3A_156 : i32 to vector<16xi32>
          %add3A_158 = arith.addi %mul3A_86, %add3A_157 : vector<16xi32>
          %get3A_159 = arith.constant 10 : i32
          %get3A_160 = arith.index_cast %get3A_159 : i32 to index
          %get3A_161 = arith.index_cast %add3A_81 : i32 to index
          %get3A_162 = tpu.vector_load %arg4[%get3A_160, %get3A_161] {strides = array<i32>} : memref<16x1664xf32, #tpu.memory_space<vmem>>, vector<16xf32>,
          tpu.vector_store_idx %arg6[%add3A_158], %get3A_162 : memref<26624xf32, #tpu.memory_space<vmem>>[vector<16xi32>], vector<16xf32>,
          %add3A_163 = arith.constant 11 : i32
          %add3A_164 = vector.broadcast %add3A_163 : i32 to vector<16xi32>
          %add3A_165 = arith.addi %mul3A_86, %add3A_164 : vector<16xi32>
          %get3A_166 = arith.constant 11 : i32
          %get3A_167 = arith.index_cast %get3A_166 : i32 to index
          %get3A_168 = arith.index_cast %add3A_81 : i32 to index
          %get3A_169 = tpu.vector_load %arg4[%get3A_167, %get3A_168] {strides = array<i32>} : memref<16x1664xf32, #tpu.memory_space<vmem>>, vector<16xf32>,
          tpu.vector_store_idx %arg6[%add3A_165], %get3A_169 : memref<26624xf32, #tpu.memory_space<vmem>>[vector<16xi32>], vector<16xf32>,
          %add3A_170 = arith.constant 12 : i32
          %add3A_171 = vector.broadcast %add3A_170 : i32 to vector<16xi32>
          %add3A_172 = arith.addi %mul3A_86, %add3A_171 : vector<16xi32>
          %get3A_173 = arith.constant 12 : i32
          %get3A_174 = arith.index_cast %get3A_173 : i32 to index
          %get3A_175 = arith.index_cast %add3A_81 : i32 to index
          %get3A_176 = tpu.vector_load %arg4[%get3A_174, %get3A_175] {strides = array<i32>} : memref<16x1664xf32, #tpu.memory_space<vmem>>, vector<16xf32>,
          tpu.vector_store_idx %arg6[%add3A_172], %get3A_176 : memref<26624xf32, #tpu.memory_space<vmem>>[vector<16xi32>], vector<16xf32>,
          %add3A_177 = arith.constant 13 : i32
          %add3A_178 = vector.broadcast %add3A_177 : i32 to vector<16xi32>
          %add3A_179 = arith.addi %mul3A_86, %add3A_178 : vector<16xi32>
          %get3A_180 = arith.constant 13 : i32
          %get3A_181 = arith.index_cast %get3A_180 : i32 to index
          %get3A_182 = arith.index_cast %add3A_81 : i32 to index
          %get3A_183 = tpu.vector_load %arg4[%get3A_181, %get3A_182] {strides = array<i32>} : memref<16x1664xf32, #tpu.memory_space<vmem>>, vector<16xf32>,
          tpu.vector_store_idx %arg6[%add3A_179], %get3A_183 : memref<26624xf32, #tpu.memory_space<vmem>>[vector<16xi32>], vector<16xf32>,
          %add3A_184 = arith.constant 14 : i32
          %add3A_185 = vector.broadcast %add3A_184 : i32 to vector<16xi32>
          %add3A_186 = arith.addi %mul3A_86, %add3A_185 : vector<16xi32>
          %get3A_187 = arith.constant 14 : i32
          %get3A_188 = arith.index_cast %get3A_187 : i32 to index
          %get3A_189 = arith.index_cast %add3A_81 : i32 to index
          %get3A_190 = tpu.vector_load %arg4[%get3A_188, %get3A_189] {strides = array<i32>} : memref<16x1664xf32, #tpu.memory_space<vmem>>, vector<16xf32>,
          tpu.vector_store_idx %arg6[%add3A_186], %get3A_190 : memref<26624xf32, #tpu.memory_space<vmem>>[vector<16xi32>], vector<16xf32>,
          %add3A_191 = arith.constant 15 : i32
          %add3A_192 = vector.broadcast %add3A_191 : i32 to vector<16xi32>
          %add3A_193 = arith.addi %mul3A_86, %add3A_192 : vector<16xi32>
          %get3A_194 = arith.constant 15 : i32
          %get3A_195 = arith.index_cast %get3A_194 : i32 to index
          %get3A_196 = arith.index_cast %add3A_81 : i32 to index
          %get3A_197 = tpu.vector_load %arg4[%get3A_195, %get3A_196] {strides = array<i32>} : memref<16x1664xf32, #tpu.memory_space<vmem>>, vector<16xf32>,
          tpu.vector_store_idx %arg6[%add3A_193], %get3A_197 : memref<26624xf32, #tpu.memory_space<vmem>>[vector<16xi32>], vector<16xf32>,
        }
        %scan3A_65 = arith.constant 104 : i32
        %add3A_66 = arith.constant 64 : i32
        %add3A_67 = arith.addi %add3A_36, %add3A_66 : i32
        %lt3A_68 = arith.constant 625 : i32
        %lt3A_69 = arith.cmpi slt, %add3A_67, %lt3A_68 : i32
        %convert_element_type3A_70 = arith.extui %lt3A_69 : i1 to i32
        %cond3A_71 = arith.constant 0 : i32
        %cond3A_72 = arith.cmpi ne, %convert_element_type3A_70, %cond3A_71 : i32
        scf.if %cond3A_72 {
          %add3A_77 = arith.constant 64 : i32
          %add3A_78 = arith.addi %add3A_36, %add3A_77 : i32
          %mul3A_79 = arith.constant 1664 : i32
          %mul3A_80 = arith.muli %add3A_78, %mul3A_79 : i32
          %dma_start3A_81 = arith.constant 0 : i32
          %dma_start3A_82 = tpu.memref_slice %arg2[%dma_start3A_81, %mul3A_80] : memref<16x1040000xf32, #tpu.memory_space<hbm>> -> memref<16x1664xf32, #tpu.memory_space<hbm>>
          %dma_start3A_83 = arith.constant 0 : i32
          %dma_start3A_84 = tpu.memref_slice %arg2[%dma_start3A_83, %mul3A_80] : memref<16x1040000xf32, #tpu.memory_space<hbm>> -> memref<16x1664xf32, #tpu.memory_space<hbm>>
          tpu.enqueue_dma source(%dma_start3A_84 : memref<16x1664xf32, #tpu.memory_space<hbm>>) target(%arg4 : memref<16x1664xf32, #tpu.memory_space<vmem>>) target_semaphore(%arg8 : memref<!tpu.dma_semaphore, #tpu.memory_space<semaphore_mem>>)
        } else {
        }
        %mul3A_73 = arith.constant 26624 : i32
        %mul3A_74 = arith.muli %add3A_36, %mul3A_73 : i32
        %dma_start3A_75 = tpu.memref_slice %arg3[%mul3A_74] : memref<16640000xf32, #tpu.memory_space<hbm>> -> memref<26624xf32, #tpu.memory_space<hbm>>
        %dma_start3A_76 = tpu.memref_slice %arg3[%mul3A_74] : memref<16640000xf32, #tpu.memory_space<hbm>> -> memref<26624xf32, #tpu.memory_space<hbm>>
        tpu.enqueue_dma source(%arg6 : memref<26624xf32, #tpu.memory_space<vmem>>) target(%dma_start3A_76 : memref<26624xf32, #tpu.memory_space<hbm>>) target_semaphore(%arg9 : memref<!tpu.dma_semaphore, #tpu.memory_space<semaphore_mem>>)
      } else {
      }
      %mul3A_39 = arith.constant 2 : i32
      %mul3A_40 = arith.muli %mul3A_39, %add3A_29 : i32
      %add3A_41 = arith.constant 1 : i32
      %add3A_42 = arith.addi %mul3A_40, %add3A_41 : i32
      %mul3A_43 = arith.constant 32 : i32
      %mul3A_44 = arith.muli %add3A_42, %mul3A_43 : i32
      %add3A_45 = arith.addi %add3A, %mul3A_44 : i32
      %lt3A_46 = arith.constant 625 : i32
      %lt3A_47 = arith.cmpi slt, %add3A_45, %lt3A_46 : i32
      %convert_element_type3A_48 = arith.extui %lt3A_47 : i1 to i32
      %cond3A_49 = arith.constant 0 : i32
      %cond3A_50 = arith.cmpi ne, %convert_element_type3A_48, %cond3A_49 : i32
      scf.if %cond3A_50 {
        %ge3A = arith.constant 2 : i32
        %ge3A_51 = arith.cmpi sge, %add3A_42, %ge3A : i32
        %convert_element_type3A_52 = arith.extui %ge3A_51 : i1 to i32
        %cond3A_53 = arith.constant 0 : i32
        %cond3A_54 = arith.cmpi ne, %convert_element_type3A_52, %cond3A_53 : i32
        scf.if %cond3A_54 {
          %dma_wait3A_77 = arith.constant 0 : i32
          %dma_wait3A_78 = tpu.memref_slice %arg3[%dma_wait3A_77] : memref<16640000xf32, #tpu.memory_space<hbm>> -> memref<26624xf32, #tpu.memory_space<hbm>>
          %dma_wait3A_79 = arith.constant 0 : i32
          %dma_wait3A_80 = tpu.memref_slice %arg3[%dma_wait3A_79] : memref<16640000xf32, #tpu.memory_space<hbm>> -> memref<26624xf32, #tpu.memory_space<hbm>>
          tpu.wait_dma2 semaphore(%arg9 : memref<!tpu.dma_semaphore, #tpu.memory_space<semaphore_mem>>) src(%dma_wait3A_80 : memref<26624xf32, #tpu.memory_space<hbm>>) dst(%arg7 : memref<26624xf32, #tpu.memory_space<vmem>>)
        } else {
        }
        %dma_wait3A_55 = arith.constant 0 : i32
        %dma_wait3A_56 = arith.constant 0 : i32
        %dma_wait3A_57 = tpu.memref_slice %arg2[%dma_wait3A_55, %dma_wait3A_56] : memref<16x1040000xf32, #tpu.memory_space<hbm>> -> memref<16x1664xf32, #tpu.memory_space<hbm>>
        %dma_wait3A_58 = arith.constant 0 : i32
        %dma_wait3A_59 = arith.constant 0 : i32
        %dma_wait3A_60 = tpu.memref_slice %arg2[%dma_wait3A_58, %dma_wait3A_59] : memref<16x1040000xf32, #tpu.memory_space<hbm>> -> memref<16x1664xf32, #tpu.memory_space<hbm>>
        tpu.wait_dma2 semaphore(%arg8 : memref<!tpu.dma_semaphore, #tpu.memory_space<semaphore_mem>>) src(%dma_wait3A_60 : memref<16x1664xf32, #tpu.memory_space<hbm>>) dst(%arg5 : memref<16x1664xf32, #tpu.memory_space<vmem>>)
        %scan3A_61 = arith.constant 0 : i32
        %scan3A_62 = arith.constant 104 : i32
        %scan3A_63 = arith.addi %scan3A_61, %scan3A_62 : i32
        %scan3A_64 = arith.constant 1 : i32
        scf.for %scan3A_77 = %scan3A_61 to %scan3A_63 step %scan3A_64  : i32 {
          %mul3A_78 = arith.constant 16 : i32
          %mul3A_79 = arith.muli %scan3A_77, %mul3A_78 : i32
          %add3A_80 = arith.constant 0 : i32
          %add3A_81 = arith.addi %add3A_80, %mul3A_79 : i32
          %add3A_82 = vector.broadcast %add3A_81 : i32 to vector<16xi32>
          %add3A_83 = arith.addi %add3A_82, %iota3A : vector<16xi32>
          %mul3A_84 = arith.constant 16 : i32
          %mul3A_85 = vector.broadcast %mul3A_84 : i32 to vector<16xi32>
          %mul3A_86 = arith.muli %add3A_83, %mul3A_85 : vector<16xi32>
          %add3A_87 = arith.constant 0 : i32
          %add3A_88 = vector.broadcast %add3A_87 : i32 to vector<16xi32>
          %add3A_89 = arith.addi %mul3A_86, %add3A_88 : vector<16xi32>
          %get3A = arith.constant 0 : i32
          %get3A_90 = arith.index_cast %get3A : i32 to index
          %get3A_91 = arith.index_cast %add3A_81 : i32 to index
          %get3A_92 = tpu.vector_load %arg5[%get3A_90, %get3A_91] {strides = array<i32>} : memref<16x1664xf32, #tpu.memory_space<vmem>>, vector<16xf32>,
          tpu.vector_store_idx %arg7[%add3A_89], %get3A_92 : memref<26624xf32, #tpu.memory_space<vmem>>[vector<16xi32>], vector<16xf32>,
          %add3A_93 = arith.constant 1 : i32
          %add3A_94 = vector.broadcast %add3A_93 : i32 to vector<16xi32>
          %add3A_95 = arith.addi %mul3A_86, %add3A_94 : vector<16xi32>
          %get3A_96 = arith.constant 1 : i32
          %get3A_97 = arith.index_cast %get3A_96 : i32 to index
          %get3A_98 = arith.index_cast %add3A_81 : i32 to index
          %get3A_99 = tpu.vector_load %arg5[%get3A_97, %get3A_98] {strides = array<i32>} : memref<16x1664xf32, #tpu.memory_space<vmem>>, vector<16xf32>,
          tpu.vector_store_idx %arg7[%add3A_95], %get3A_99 : memref<26624xf32, #tpu.memory_space<vmem>>[vector<16xi32>], vector<16xf32>,
          %add3A_100 = arith.constant 2 : i32
          %add3A_101 = vector.broadcast %add3A_100 : i32 to vector<16xi32>
          %add3A_102 = arith.addi %mul3A_86, %add3A_101 : vector<16xi32>
          %get3A_103 = arith.constant 2 : i32
          %get3A_104 = arith.index_cast %get3A_103 : i32 to index
          %get3A_105 = arith.index_cast %add3A_81 : i32 to index
          %get3A_106 = tpu.vector_load %arg5[%get3A_104, %get3A_105] {strides = array<i32>} : memref<16x1664xf32, #tpu.memory_space<vmem>>, vector<16xf32>,
          tpu.vector_store_idx %arg7[%add3A_102], %get3A_106 : memref<26624xf32, #tpu.memory_space<vmem>>[vector<16xi32>], vector<16xf32>,
          %add3A_107 = arith.constant 3 : i32
          %add3A_108 = vector.broadcast %add3A_107 : i32 to vector<16xi32>
          %add3A_109 = arith.addi %mul3A_86, %add3A_108 : vector<16xi32>
          %get3A_110 = arith.constant 3 : i32
          %get3A_111 = arith.index_cast %get3A_110 : i32 to index
          %get3A_112 = arith.index_cast %add3A_81 : i32 to index
          %get3A_113 = tpu.vector_load %arg5[%get3A_111, %get3A_112] {strides = array<i32>} : memref<16x1664xf32, #tpu.memory_space<vmem>>, vector<16xf32>,
          tpu.vector_store_idx %arg7[%add3A_109], %get3A_113 : memref<26624xf32, #tpu.memory_space<vmem>>[vector<16xi32>], vector<16xf32>,
          %add3A_114 = arith.constant 4 : i32
          %add3A_115 = vector.broadcast %add3A_114 : i32 to vector<16xi32>
          %add3A_116 = arith.addi %mul3A_86, %add3A_115 : vector<16xi32>
          %get3A_117 = arith.constant 4 : i32
          %get3A_118 = arith.index_cast %get3A_117 : i32 to index
          %get3A_119 = arith.index_cast %add3A_81 : i32 to index
          %get3A_120 = tpu.vector_load %arg5[%get3A_118, %get3A_119] {strides = array<i32>} : memref<16x1664xf32, #tpu.memory_space<vmem>>, vector<16xf32>,
          tpu.vector_store_idx %arg7[%add3A_116], %get3A_120 : memref<26624xf32, #tpu.memory_space<vmem>>[vector<16xi32>], vector<16xf32>,
          %add3A_121 = arith.constant 5 : i32
          %add3A_122 = vector.broadcast %add3A_121 : i32 to vector<16xi32>
          %add3A_123 = arith.addi %mul3A_86, %add3A_122 : vector<16xi32>
          %get3A_124 = arith.constant 5 : i32
          %get3A_125 = arith.index_cast %get3A_124 : i32 to index
          %get3A_126 = arith.index_cast %add3A_81 : i32 to index
          %get3A_127 = tpu.vector_load %arg5[%get3A_125, %get3A_126] {strides = array<i32>} : memref<16x1664xf32, #tpu.memory_space<vmem>>, vector<16xf32>,
          tpu.vector_store_idx %arg7[%add3A_123], %get3A_127 : memref<26624xf32, #tpu.memory_space<vmem>>[vector<16xi32>], vector<16xf32>,
          %add3A_128 = arith.constant 6 : i32
          %add3A_129 = vector.broadcast %add3A_128 : i32 to vector<16xi32>
          %add3A_130 = arith.addi %mul3A_86, %add3A_129 : vector<16xi32>
          %get3A_131 = arith.constant 6 : i32
          %get3A_132 = arith.index_cast %get3A_131 : i32 to index
          %get3A_133 = arith.index_cast %add3A_81 : i32 to index
          %get3A_134 = tpu.vector_load %arg5[%get3A_132, %get3A_133] {strides = array<i32>} : memref<16x1664xf32, #tpu.memory_space<vmem>>, vector<16xf32>,
          tpu.vector_store_idx %arg7[%add3A_130], %get3A_134 : memref<26624xf32, #tpu.memory_space<vmem>>[vector<16xi32>], vector<16xf32>,
          %add3A_135 = arith.constant 7 : i32
          %add3A_136 = vector.broadcast %add3A_135 : i32 to vector<16xi32>
          %add3A_137 = arith.addi %mul3A_86, %add3A_136 : vector<16xi32>
          %get3A_138 = arith.constant 7 : i32
          %get3A_139 = arith.index_cast %get3A_138 : i32 to index
          %get3A_140 = arith.index_cast %add3A_81 : i32 to index
          %get3A_141 = tpu.vector_load %arg5[%get3A_139, %get3A_140] {strides = array<i32>} : memref<16x1664xf32, #tpu.memory_space<vmem>>, vector<16xf32>,
          tpu.vector_store_idx %arg7[%add3A_137], %get3A_141 : memref<26624xf32, #tpu.memory_space<vmem>>[vector<16xi32>], vector<16xf32>,
          %add3A_142 = arith.constant 8 : i32
          %add3A_143 = vector.broadcast %add3A_142 : i32 to vector<16xi32>
          %add3A_144 = arith.addi %mul3A_86, %add3A_143 : vector<16xi32>
          %get3A_145 = arith.constant 8 : i32
          %get3A_146 = arith.index_cast %get3A_145 : i32 to index
          %get3A_147 = arith.index_cast %add3A_81 : i32 to index
          %get3A_148 = tpu.vector_load %arg5[%get3A_146, %get3A_147] {strides = array<i32>} : memref<16x1664xf32, #tpu.memory_space<vmem>>, vector<16xf32>,
          tpu.vector_store_idx %arg7[%add3A_144], %get3A_148 : memref<26624xf32, #tpu.memory_space<vmem>>[vector<16xi32>], vector<16xf32>,
          %add3A_149 = arith.constant 9 : i32
          %add3A_150 = vector.broadcast %add3A_149 : i32 to vector<16xi32>
          %add3A_151 = arith.addi %mul3A_86, %add3A_150 : vector<16xi32>
          %get3A_152 = arith.constant 9 : i32
          %get3A_153 = arith.index_cast %get3A_152 : i32 to index
          %get3A_154 = arith.index_cast %add3A_81 : i32 to index
          %get3A_155 = tpu.vector_load %arg5[%get3A_153, %get3A_154] {strides = array<i32>} : memref<16x1664xf32, #tpu.memory_space<vmem>>, vector<16xf32>,
          tpu.vector_store_idx %arg7[%add3A_151], %get3A_155 : memref<26624xf32, #tpu.memory_space<vmem>>[vector<16xi32>], vector<16xf32>,
          %add3A_156 = arith.constant 10 : i32
          %add3A_157 = vector.broadcast %add3A_156 : i32 to vector<16xi32>
          %add3A_158 = arith.addi %mul3A_86, %add3A_157 : vector<16xi32>
          %get3A_159 = arith.constant 10 : i32
          %get3A_160 = arith.index_cast %get3A_159 : i32 to index
          %get3A_161 = arith.index_cast %add3A_81 : i32 to index
          %get3A_162 = tpu.vector_load %arg5[%get3A_160, %get3A_161] {strides = array<i32>} : memref<16x1664xf32, #tpu.memory_space<vmem>>, vector<16xf32>,
          tpu.vector_store_idx %arg7[%add3A_158], %get3A_162 : memref<26624xf32, #tpu.memory_space<vmem>>[vector<16xi32>], vector<16xf32>,
          %add3A_163 = arith.constant 11 : i32
          %add3A_164 = vector.broadcast %add3A_163 : i32 to vector<16xi32>
          %add3A_165 = arith.addi %mul3A_86, %add3A_164 : vector<16xi32>
          %get3A_166 = arith.constant 11 : i32
          %get3A_167 = arith.index_cast %get3A_166 : i32 to index
          %get3A_168 = arith.index_cast %add3A_81 : i32 to index
          %get3A_169 = tpu.vector_load %arg5[%get3A_167, %get3A_168] {strides = array<i32>} : memref<16x1664xf32, #tpu.memory_space<vmem>>, vector<16xf32>,
          tpu.vector_store_idx %arg7[%add3A_165], %get3A_169 : memref<26624xf32, #tpu.memory_space<vmem>>[vector<16xi32>], vector<16xf32>,
          %add3A_170 = arith.constant 12 : i32
          %add3A_171 = vector.broadcast %add3A_170 : i32 to vector<16xi32>
          %add3A_172 = arith.addi %mul3A_86, %add3A_171 : vector<16xi32>
          %get3A_173 = arith.constant 12 : i32
          %get3A_174 = arith.index_cast %get3A_173 : i32 to index
          %get3A_175 = arith.index_cast %add3A_81 : i32 to index
          %get3A_176 = tpu.vector_load %arg5[%get3A_174, %get3A_175] {strides = array<i32>} : memref<16x1664xf32, #tpu.memory_space<vmem>>, vector<16xf32>,
          tpu.vector_store_idx %arg7[%add3A_172], %get3A_176 : memref<26624xf32, #tpu.memory_space<vmem>>[vector<16xi32>], vector<16xf32>,
          %add3A_177 = arith.constant 13 : i32
          %add3A_178 = vector.broadcast %add3A_177 : i32 to vector<16xi32>
          %add3A_179 = arith.addi %mul3A_86, %add3A_178 : vector<16xi32>
          %get3A_180 = arith.constant 13 : i32
          %get3A_181 = arith.index_cast %get3A_180 : i32 to index
          %get3A_182 = arith.index_cast %add3A_81 : i32 to index
          %get3A_183 = tpu.vector_load %arg5[%get3A_181, %get3A_182] {strides = array<i32>} : memref<16x1664xf32, #tpu.memory_space<vmem>>, vector<16xf32>,
          tpu.vector_store_idx %arg7[%add3A_179], %get3A_183 : memref<26624xf32, #tpu.memory_space<vmem>>[vector<16xi32>], vector<16xf32>,
          %add3A_184 = arith.constant 14 : i32
          %add3A_185 = vector.broadcast %add3A_184 : i32 to vector<16xi32>
          %add3A_186 = arith.addi %mul3A_86, %add3A_185 : vector<16xi32>
          %get3A_187 = arith.constant 14 : i32
          %get3A_188 = arith.index_cast %get3A_187 : i32 to index
          %get3A_189 = arith.index_cast %add3A_81 : i32 to index
          %get3A_190 = tpu.vector_load %arg5[%get3A_188, %get3A_189] {strides = array<i32>} : memref<16x1664xf32, #tpu.memory_space<vmem>>, vector<16xf32>,
          tpu.vector_store_idx %arg7[%add3A_186], %get3A_190 : memref<26624xf32, #tpu.memory_space<vmem>>[vector<16xi32>], vector<16xf32>,
          %add3A_191 = arith.constant 15 : i32
          %add3A_192 = vector.broadcast %add3A_191 : i32 to vector<16xi32>
          %add3A_193 = arith.addi %mul3A_86, %add3A_192 : vector<16xi32>
          %get3A_194 = arith.constant 15 : i32
          %get3A_195 = arith.index_cast %get3A_194 : i32 to index
          %get3A_196 = arith.index_cast %add3A_81 : i32 to index
          %get3A_197 = tpu.vector_load %arg5[%get3A_195, %get3A_196] {strides = array<i32>} : memref<16x1664xf32, #tpu.memory_space<vmem>>, vector<16xf32>,
          tpu.vector_store_idx %arg7[%add3A_193], %get3A_197 : memref<26624xf32, #tpu.memory_space<vmem>>[vector<16xi32>], vector<16xf32>,
        }
        %scan3A_65 = arith.constant 104 : i32
        %add3A_66 = arith.constant 64 : i32
        %add3A_67 = arith.addi %add3A_45, %add3A_66 : i32
        %lt3A_68 = arith.constant 625 : i32
        %lt3A_69 = arith.cmpi slt, %add3A_67, %lt3A_68 : i32
        %convert_element_type3A_70 = arith.extui %lt3A_69 : i1 to i32
        %cond3A_71 = arith.constant 0 : i32
        %cond3A_72 = arith.cmpi ne, %convert_element_type3A_70, %cond3A_71 : i32
        scf.if %cond3A_72 {
          %add3A_77 = arith.constant 64 : i32
          %add3A_78 = arith.addi %add3A_45, %add3A_77 : i32
          %mul3A_79 = arith.constant 1664 : i32
          %mul3A_80 = arith.muli %add3A_78, %mul3A_79 : i32
          %dma_start3A_81 = arith.constant 0 : i32
          %dma_start3A_82 = tpu.memref_slice %arg2[%dma_start3A_81, %mul3A_80] : memref<16x1040000xf32, #tpu.memory_space<hbm>> -> memref<16x1664xf32, #tpu.memory_space<hbm>>
          %dma_start3A_83 = arith.constant 0 : i32
          %dma_start3A_84 = tpu.memref_slice %arg2[%dma_start3A_83, %mul3A_80] : memref<16x1040000xf32, #tpu.memory_space<hbm>> -> memref<16x1664xf32, #tpu.memory_space<hbm>>
          tpu.enqueue_dma source(%dma_start3A_84 : memref<16x1664xf32, #tpu.memory_space<hbm>>) target(%arg5 : memref<16x1664xf32, #tpu.memory_space<vmem>>) target_semaphore(%arg8 : memref<!tpu.dma_semaphore, #tpu.memory_space<semaphore_mem>>)
        } else {
        }
        %mul3A_73 = arith.constant 26624 : i32
        %mul3A_74 = arith.muli %add3A_45, %mul3A_73 : i32
        %dma_start3A_75 = tpu.memref_slice %arg3[%mul3A_74] : memref<16640000xf32, #tpu.memory_space<hbm>> -> memref<26624xf32, #tpu.memory_space<hbm>>
        %dma_start3A_76 = tpu.memref_slice %arg3[%mul3A_74] : memref<16640000xf32, #tpu.memory_space<hbm>> -> memref<26624xf32, #tpu.memory_space<hbm>>
        tpu.enqueue_dma source(%arg7 : memref<26624xf32, #tpu.memory_space<vmem>>) target(%dma_start3A_76 : memref<26624xf32, #tpu.memory_space<hbm>>) target_semaphore(%arg9 : memref<!tpu.dma_semaphore, #tpu.memory_space<semaphore_mem>>)
      } else {
      }
    }
    %scan3A_17 = arith.constant 10 : i32
    %dma_wait3A = arith.constant 0 : i32
    %dma_wait3A_18 = tpu.memref_slice %arg3[%dma_wait3A] : memref<16640000xf32, #tpu.memory_space<hbm>> -> memref<26624xf32, #tpu.memory_space<hbm>>
    %dma_wait3A_19 = arith.constant 0 : i32
    %dma_wait3A_20 = tpu.memref_slice %arg3[%dma_wait3A_19] : memref<16640000xf32, #tpu.memory_space<hbm>> -> memref<26624xf32, #tpu.memory_space<hbm>>
    tpu.wait_dma2 semaphore(%arg9 : memref<!tpu.dma_semaphore, #tpu.memory_space<semaphore_mem>>) src(%dma_wait3A_20 : memref<26624xf32, #tpu.memory_space<hbm>>) dst(%arg6 : memref<26624xf32, #tpu.memory_space<vmem>>)
    %dma_wait3A_21 = arith.constant 0 : i32
    %dma_wait3A_22 = tpu.memref_slice %arg3[%dma_wait3A_21] : memref<16640000xf32, #tpu.memory_space<hbm>> -> memref<26624xf32, #tpu.memory_space<hbm>>
    %dma_wait3A_23 = arith.constant 0 : i32
    %dma_wait3A_24 = tpu.memref_slice %arg3[%dma_wait3A_23] : memref<16640000xf32, #tpu.memory_space<hbm>> -> memref<26624xf32, #tpu.memory_space<hbm>>
    tpu.wait_dma2 semaphore(%arg9 : memref<!tpu.dma_semaphore, #tpu.memory_space<semaphore_mem>>) src(%dma_wait3A_24 : memref<26624xf32, #tpu.memory_space<hbm>>) dst(%arg7 : memref<26624xf32, #tpu.memory_space<vmem>>)
    return
  }
}

#map = affine_map<(d0, d1) -> (0)>
#map1 = affine_map<(d0, d1) -> (0, 0)>
#map2 = affine_map<(d0, d1) -> (0, 0, 0)>
module attributes {stable_mosaic.version = 14 : i64} {
  func.func @k(%arg0: i32, %arg1: i32, %arg2: memref<425984xi32, #tpu.memory_space<hbm>>, %arg3: memref<1664xi32, #tpu.memory_space<hbm>>, %arg4: memref<1040000x16xf32, #tpu.memory_space<hbm>>, %arg5: memref<52x128x1024xf32, #tpu.memory_space<hbm>>, %arg6: memref<1664xi32, #tpu.memory_space<vmem>>, %arg7: memref<1664xi32, #tpu.memory_space<vmem>>, %arg8: memref<1664xi32, #tpu.memory_space<vmem>>, %arg9: memref<1664x16xf32, #tpu.memory_space<vmem>>, %arg10: memref<1664x16xf32, #tpu.memory_space<vmem>>, %arg11: memref<52x1024xf32, #tpu.memory_space<vmem>>, %arg12: memref<!tpu.dma_semaphore, #tpu.memory_space<semaphore_mem>>, %arg13: memref<!tpu.dma_semaphore, #tpu.memory_space<semaphore_mem>>) attributes {dimension_semantics = [#tpu.dimension_semantics<core_parallel>, #tpu.dimension_semantics<subcore_parallel>], iteration_bounds = array<i64: 2, 16>, scalar_prefetch = 0 : i64, scratch_operands = 8 : i64, tpu.core_type = #tpu.core_type<sc_vector_subcore>, window_params = [{transform_indices = #map}, {transform_indices = #map}, {transform_indices = #map1}, {transform_indices = #map2}]} {
    %mul3A = arith.constant 2 : i32
    %mul3A_0 = arith.muli %arg1, %mul3A : i32
    %add3A = arith.addi %mul3A_0, %arg0 : i32
    %mul3A_1 = arith.constant 13312 : i32
    %mul3A_2 = arith.muli %add3A, %mul3A_1 : i32
    "tpu.region"() ({
      %run_scoped3A = tpu.sem_alloc : memref<!tpu.dma_semaphore, #tpu.memory_space<semaphore_mem>>
      tpu.enqueue_dma source(%arg3 : memref<1664xi32, #tpu.memory_space<hbm>>) target(%arg8 : memref<1664xi32, #tpu.memory_space<vmem>>) target_semaphore(%run_scoped3A : memref<!tpu.dma_semaphore, #tpu.memory_space<semaphore_mem>>)
      tpu.wait_dma2 semaphore(%run_scoped3A : memref<!tpu.dma_semaphore, #tpu.memory_space<semaphore_mem>>) src(%arg3 : memref<1664xi32, #tpu.memory_space<hbm>>) dst(%arg8 : memref<1664xi32, #tpu.memory_space<vmem>>)
      tpu.yield
    }) : () -> ()
    %iota3A = tpu.iota {dimensions = array<i32: 0>} : vector<16xi32>
    %jit3A = arith.constant 8 : i32
    %div3A = vector.broadcast %jit3A : i32 to vector<16xi32>
    %div3A_3 = arith.divsi %iota3A, %div3A : vector<16xi32>
    %sign3A = arith.constant 0 : i32
    %sign3A_4 = vector.broadcast %sign3A : i32 to vector<16xi32>
    %sign3A_5 = arith.cmpi sgt, %iota3A, %sign3A_4 : vector<16xi32>
    %sign3A_6 = arith.extui %sign3A_5 : vector<16xi1> to vector<16xi32>
    %sign3A_7 = arith.constant 0 : i32
    %sign3A_8 = vector.broadcast %sign3A_7 : i32 to vector<16xi32>
    %sign3A_9 = arith.cmpi slt, %iota3A, %sign3A_8 : vector<16xi32>
    %sign3A_10 = arith.extui %sign3A_9 : vector<16xi1> to vector<16xi32>
    %sign3A_11 = arith.subi %sign3A_6, %sign3A_10 : vector<16xi32>
    %sign3A_12 = arith.constant 0 : i32
    %sign3A_13 = arith.cmpi sgt, %jit3A, %sign3A_12 : i32
    %sign3A_14 = arith.extui %sign3A_13 : i1 to i32
    %sign3A_15 = arith.constant 0 : i32
    %sign3A_16 = arith.cmpi slt, %jit3A, %sign3A_15 : i32
    %sign3A_17 = arith.extui %sign3A_16 : i1 to i32
    %sign3A_18 = arith.subi %sign3A_14, %sign3A_17 : i32
    %ne3A = vector.broadcast %sign3A_18 : i32 to vector<16xi32>
    %ne3A_19 = arith.cmpi ne, %sign3A_11, %ne3A : vector<16xi32>
    %rem3A = vector.broadcast %jit3A : i32 to vector<16xi32>
    %rem3A_20 = arith.remsi %iota3A, %rem3A : vector<16xi32>
    %ne3A_21 = arith.constant 0 : i32
    %ne3A_22 = vector.broadcast %ne3A_21 : i32 to vector<16xi32>
    %ne3A_23 = arith.cmpi ne, %rem3A_20, %ne3A_22 : vector<16xi32>
    %and3A = arith.andi %ne3A_19, %ne3A_23 : vector<16xi1>
    %sub3A = arith.constant 1 : i32
    %sub3A_24 = vector.broadcast %sub3A : i32 to vector<16xi32>
    %sub3A_25 = arith.subi %div3A_3, %sub3A_24 : vector<16xi32>
    %select_n3A = arith.select %and3A, %sub3A_25, %div3A_3 : vector<16xi1>, vector<16xi32>
    %jit3A_26 = arith.constant 8 : i32
    %eq3A = arith.constant 0 : i32
    %eq3A_27 = arith.cmpi eq, %jit3A_26, %eq3A : i32
    %jit3A_28 = arith.constant 1 : i32
    %select_n3A_29 = arith.select %eq3A_27, %jit3A_28, %jit3A_26 : i32
    %rem3A_30 = vector.broadcast %select_n3A_29 : i32 to vector<16xi32>
    %rem3A_31 = arith.remsi %iota3A, %rem3A_30 : vector<16xi32>
    %ne3A_32 = arith.constant 0 : i32
    %ne3A_33 = vector.broadcast %ne3A_32 : i32 to vector<16xi32>
    %ne3A_34 = arith.cmpi ne, %rem3A_31, %ne3A_33 : vector<16xi32>
    %lt3A = arith.constant 0 : i32
    %lt3A_35 = vector.broadcast %lt3A : i32 to vector<16xi32>
    %lt3A_36 = arith.cmpi slt, %rem3A_31, %lt3A_35 : vector<16xi32>
    %lt3A_37 = arith.constant 0 : i32
    %lt3A_38 = arith.cmpi slt, %select_n3A_29, %lt3A_37 : i32
    %ne3A_39 = vector.broadcast %lt3A_38 : i1 to vector<16xi1>
    %ne3A_40 = vector.broadcast %ne3A_39 : vector<16xi1> to vector<16xi1>
    %ne3A_41 = arith.xori %lt3A_36, %ne3A_40 : vector<16xi1>
    %and3A_42 = arith.andi %ne3A_41, %ne3A_34 : vector<16xi1>
    %add3A_43 = vector.broadcast %select_n3A_29 : i32 to vector<16xi32>
    %add3A_44 = arith.addi %rem3A_31, %add3A_43 : vector<16xi32>
    %select_n3A_45 = arith.select %and3A_42, %add3A_44, %rem3A_31 : vector<16xi1>, vector<16xi32>
    %mul3A_46 = arith.constant 128 : i32
    %mul3A_47 = vector.broadcast %mul3A_46 : i32 to vector<16xi32>
    %mul3A_48 = arith.muli %select_n3A_45, %mul3A_47 : vector<16xi32>
    %add3A_49 = arith.constant 0 : i32
    %add3A_50 = vector.broadcast %add3A_49 : i32 to vector<16xi32>
    %add3A_51 = arith.addi %select_n3A, %add3A_50 : vector<16xi32>
    %add3A_52 = arith.constant 2 : i32
    %add3A_53 = vector.broadcast %add3A_52 : i32 to vector<16xi32>
    %add3A_54 = arith.addi %select_n3A, %add3A_53 : vector<16xi32>
    %add3A_55 = arith.constant 4 : i32
    %add3A_56 = vector.broadcast %add3A_55 : i32 to vector<16xi32>
    %add3A_57 = arith.addi %select_n3A, %add3A_56 : vector<16xi32>
    %add3A_58 = arith.constant 6 : i32
    %add3A_59 = vector.broadcast %add3A_58 : i32 to vector<16xi32>
    %add3A_60 = arith.addi %select_n3A, %add3A_59 : vector<16xi32>
    %add3A_61 = arith.constant 8 : i32
    %add3A_62 = vector.broadcast %add3A_61 : i32 to vector<16xi32>
    %add3A_63 = arith.addi %select_n3A, %add3A_62 : vector<16xi32>
    %add3A_64 = arith.constant 10 : i32
    %add3A_65 = vector.broadcast %add3A_64 : i32 to vector<16xi32>
    %add3A_66 = arith.addi %select_n3A, %add3A_65 : vector<16xi32>
    %add3A_67 = arith.constant 12 : i32
    %add3A_68 = vector.broadcast %add3A_67 : i32 to vector<16xi32>
    %add3A_69 = arith.addi %select_n3A, %add3A_68 : vector<16xi32>
    %add3A_70 = arith.constant 14 : i32
    %add3A_71 = vector.broadcast %add3A_70 : i32 to vector<16xi32>
    %add3A_72 = arith.addi %select_n3A, %add3A_71 : vector<16xi32>
    %add3A_73 = arith.constant 16 : i32
    %add3A_74 = vector.broadcast %add3A_73 : i32 to vector<16xi32>
    %add3A_75 = arith.addi %select_n3A, %add3A_74 : vector<16xi32>
    %add3A_76 = arith.constant 18 : i32
    %add3A_77 = vector.broadcast %add3A_76 : i32 to vector<16xi32>
    %add3A_78 = arith.addi %select_n3A, %add3A_77 : vector<16xi32>
    %add3A_79 = arith.constant 20 : i32
    %add3A_80 = vector.broadcast %add3A_79 : i32 to vector<16xi32>
    %add3A_81 = arith.addi %select_n3A, %add3A_80 : vector<16xi32>
    %add3A_82 = arith.constant 22 : i32
    %add3A_83 = vector.broadcast %add3A_82 : i32 to vector<16xi32>
    %add3A_84 = arith.addi %select_n3A, %add3A_83 : vector<16xi32>
    %add3A_85 = arith.constant 24 : i32
    %add3A_86 = vector.broadcast %add3A_85 : i32 to vector<16xi32>
    %add3A_87 = arith.addi %select_n3A, %add3A_86 : vector<16xi32>
    %add3A_88 = arith.constant 26 : i32
    %add3A_89 = vector.broadcast %add3A_88 : i32 to vector<16xi32>
    %add3A_90 = arith.addi %select_n3A, %add3A_89 : vector<16xi32>
    %add3A_91 = arith.constant 28 : i32
    %add3A_92 = vector.broadcast %add3A_91 : i32 to vector<16xi32>
    %add3A_93 = arith.addi %select_n3A, %add3A_92 : vector<16xi32>
    %add3A_94 = arith.constant 30 : i32
    %add3A_95 = vector.broadcast %add3A_94 : i32 to vector<16xi32>
    %add3A_96 = arith.addi %select_n3A, %add3A_95 : vector<16xi32>
    %add3A_97 = arith.constant 32 : i32
    %add3A_98 = vector.broadcast %add3A_97 : i32 to vector<16xi32>
    %add3A_99 = arith.addi %select_n3A, %add3A_98 : vector<16xi32>
    %add3A_100 = arith.constant 34 : i32
    %add3A_101 = vector.broadcast %add3A_100 : i32 to vector<16xi32>
    %add3A_102 = arith.addi %select_n3A, %add3A_101 : vector<16xi32>
    %add3A_103 = arith.constant 36 : i32
    %add3A_104 = vector.broadcast %add3A_103 : i32 to vector<16xi32>
    %add3A_105 = arith.addi %select_n3A, %add3A_104 : vector<16xi32>
    %add3A_106 = arith.constant 38 : i32
    %add3A_107 = vector.broadcast %add3A_106 : i32 to vector<16xi32>
    %add3A_108 = arith.addi %select_n3A, %add3A_107 : vector<16xi32>
    %add3A_109 = arith.constant 40 : i32
    %add3A_110 = vector.broadcast %add3A_109 : i32 to vector<16xi32>
    %add3A_111 = arith.addi %select_n3A, %add3A_110 : vector<16xi32>
    %add3A_112 = arith.constant 42 : i32
    %add3A_113 = vector.broadcast %add3A_112 : i32 to vector<16xi32>
    %add3A_114 = arith.addi %select_n3A, %add3A_113 : vector<16xi32>
    %add3A_115 = arith.constant 44 : i32
    %add3A_116 = vector.broadcast %add3A_115 : i32 to vector<16xi32>
    %add3A_117 = arith.addi %select_n3A, %add3A_116 : vector<16xi32>
    %add3A_118 = arith.constant 46 : i32
    %add3A_119 = vector.broadcast %add3A_118 : i32 to vector<16xi32>
    %add3A_120 = arith.addi %select_n3A, %add3A_119 : vector<16xi32>
    %add3A_121 = arith.constant 48 : i32
    %add3A_122 = vector.broadcast %add3A_121 : i32 to vector<16xi32>
    %add3A_123 = arith.addi %select_n3A, %add3A_122 : vector<16xi32>
    %add3A_124 = arith.constant 50 : i32
    %add3A_125 = vector.broadcast %add3A_124 : i32 to vector<16xi32>
    %add3A_126 = arith.addi %select_n3A, %add3A_125 : vector<16xi32>
    "tpu.region"() ({
      %run_scoped3A = tpu.sem_alloc : memref<!tpu.dma_semaphore, #tpu.memory_space<semaphore_mem>>
      %dma_start3A_247 = tpu.memref_slice %arg2[%mul3A_2] : memref<425984xi32, #tpu.memory_space<hbm>> -> memref<1664xi32, #tpu.memory_space<hbm>>
      %dma_start3A_248 = tpu.memref_slice %arg2[%mul3A_2] : memref<425984xi32, #tpu.memory_space<hbm>> -> memref<1664xi32, #tpu.memory_space<hbm>>
      tpu.enqueue_dma source(%dma_start3A_248 : memref<1664xi32, #tpu.memory_space<hbm>>) target(%arg6 : memref<1664xi32, #tpu.memory_space<vmem>>) target_semaphore(%run_scoped3A : memref<!tpu.dma_semaphore, #tpu.memory_space<semaphore_mem>>)
      %dma_wait3A_249 = tpu.memref_slice %arg2[%mul3A_2] : memref<425984xi32, #tpu.memory_space<hbm>> -> memref<1664xi32, #tpu.memory_space<hbm>>
      %dma_wait3A_250 = tpu.memref_slice %arg2[%mul3A_2] : memref<425984xi32, #tpu.memory_space<hbm>> -> memref<1664xi32, #tpu.memory_space<hbm>>
      tpu.wait_dma2 semaphore(%run_scoped3A : memref<!tpu.dma_semaphore, #tpu.memory_space<semaphore_mem>>) src(%dma_wait3A_250 : memref<1664xi32, #tpu.memory_space<hbm>>) dst(%arg6 : memref<1664xi32, #tpu.memory_space<vmem>>)
      tpu.yield
    }) : () -> ()
    %scan3A = arith.constant 0 : i32
    %scan3A_127 = arith.constant 104 : i32
    %scan3A_128 = arith.addi %scan3A, %scan3A_127 : i32
    %scan3A_129 = arith.constant 1 : i32
    scf.for %scan3A_247 = %scan3A to %scan3A_128 step %scan3A_129  : i32 {
      %mul3A_248 = arith.constant 16 : i32
      %mul3A_249 = arith.muli %scan3A_247, %mul3A_248 : i32
      %add3A_250 = arith.constant 0 : i32
      %add3A_251 = arith.addi %add3A_250, %mul3A_249 : i32
      %get3A = arith.index_cast %add3A_251 : i32 to index
      %get3A_252 = tpu.vector_load %arg6[%get3A] {strides = array<i32>} : memref<1664xi32, #tpu.memory_space<vmem>>, vector<16xi32>,
      %get3A_253 = arith.index_cast %add3A_251 : i32 to index
      %get3A_254 = tpu.vector_load %arg8[%get3A_253] {strides = array<i32>} : memref<1664xi32, #tpu.memory_space<vmem>>, vector<16xi32>,
      %add3A_255 = arith.addi %get3A_252, %get3A_254 : vector<16xi32>
      %swap3A = arith.index_cast %add3A_251 : i32 to index
      %swap3A_256 = tpu.vector_load %arg6[%swap3A] {strides = array<i32>} : memref<1664xi32, #tpu.memory_space<vmem>>, vector<16xi32>,
      tpu.vector_store %arg6[%swap3A], %add3A_255 {strides = array<i32>} : memref<1664xi32, #tpu.memory_space<vmem>>, vector<16xi32>,
    }
    %scan3A_130 = arith.constant 104 : i32
    %dma_start3A = arith.constant 0 : i32
    %dma_start3A_131 = arith.constant 0 : i32
    %dma_start3A_132 = tpu.memref_slice %arg9[%dma_start3A, %dma_start3A_131] : memref<1664x16xf32, #tpu.memory_space<vmem>> -> memref<128x16xf32, #tpu.memory_space<vmem>>
    %dma_start3A_133 = arith.constant 0 : i32
    %dma_start3A_134 = tpu.memref_slice %arg6[%dma_start3A_133] : memref<1664xi32, #tpu.memory_space<vmem>> -> memref<128xi32, #tpu.memory_space<vmem>>
    %dma_start3A_135 = arith.constant 0 : i32
    %dma_start3A_136 = arith.constant 0 : i32
    %dma_start3A_137 = tpu.memref_slice %arg4[%dma_start3A_135, %dma_start3A_136] : memref<1040000x16xf32, #tpu.memory_space<hbm>> -> memref<1040000x16xf32, #tpu.memory_space<hbm>>
    tpu.enqueue_indirect_dma source(%dma_start3A_137 : memref<1040000x16xf32, #tpu.memory_space<hbm>>) target(%dma_start3A_132 : memref<128x16xf32, #tpu.memory_space<vmem>>) offsets(%dma_start3A_134 : memref<128xi32, #tpu.memory_space<vmem>>) semaphore(%arg12 : memref<!tpu.dma_semaphore, #tpu.memory_space<semaphore_mem>>)
    %dma_start3A_138 = arith.constant 128 : i32
    %dma_start3A_139 = arith.constant 0 : i32
    %dma_start3A_140 = tpu.memref_slice %arg9[%dma_start3A_138, %dma_start3A_139] : memref<1664x16xf32, #tpu.memory_space<vmem>> -> memref<128x16xf32, #tpu.memory_space<vmem>>
    %dma_start3A_141 = arith.constant 128 : i32
    %dma_start3A_142 = tpu.memref_slice %arg6[%dma_start3A_141] : memref<1664xi32, #tpu.memory_space<vmem>> -> memref<128xi32, #tpu.memory_space<vmem>>
    %dma_start3A_143 = arith.constant 0 : i32
    %dma_start3A_144 = arith.constant 0 : i32
    %dma_start3A_145 = tpu.memref_slice %arg4[%dma_start3A_143, %dma_start3A_144] : memref<1040000x16xf32, #tpu.memory_space<hbm>> -> memref<1040000x16xf32, #tpu.memory_space<hbm>>
    tpu.enqueue_indirect_dma source(%dma_start3A_145 : memref<1040000x16xf32, #tpu.memory_space<hbm>>) target(%dma_start3A_140 : memref<128x16xf32, #tpu.memory_space<vmem>>) offsets(%dma_start3A_142 : memref<128xi32, #tpu.memory_space<vmem>>) semaphore(%arg12 : memref<!tpu.dma_semaphore, #tpu.memory_space<semaphore_mem>>)
    %dma_start3A_146 = arith.constant 256 : i32
    %dma_start3A_147 = arith.constant 0 : i32
    %dma_start3A_148 = tpu.memref_slice %arg9[%dma_start3A_146, %dma_start3A_147] : memref<1664x16xf32, #tpu.memory_space<vmem>> -> memref<128x16xf32, #tpu.memory_space<vmem>>
    %dma_start3A_149 = arith.constant 256 : i32
    %dma_start3A_150 = tpu.memref_slice %arg6[%dma_start3A_149] : memref<1664xi32, #tpu.memory_space<vmem>> -> memref<128xi32, #tpu.memory_space<vmem>>
    %dma_start3A_151 = arith.constant 0 : i32
    %dma_start3A_152 = arith.constant 0 : i32
    %dma_start3A_153 = tpu.memref_slice %arg4[%dma_start3A_151, %dma_start3A_152] : memref<1040000x16xf32, #tpu.memory_space<hbm>> -> memref<1040000x16xf32, #tpu.memory_space<hbm>>
    tpu.enqueue_indirect_dma source(%dma_start3A_153 : memref<1040000x16xf32, #tpu.memory_space<hbm>>) target(%dma_start3A_148 : memref<128x16xf32, #tpu.memory_space<vmem>>) offsets(%dma_start3A_150 : memref<128xi32, #tpu.memory_space<vmem>>) semaphore(%arg12 : memref<!tpu.dma_semaphore, #tpu.memory_space<semaphore_mem>>)
    %dma_start3A_154 = arith.constant 384 : i32
    %dma_start3A_155 = arith.constant 0 : i32
    %dma_start3A_156 = tpu.memref_slice %arg9[%dma_start3A_154, %dma_start3A_155] : memref<1664x16xf32, #tpu.memory_space<vmem>> -> memref<128x16xf32, #tpu.memory_space<vmem>>
    %dma_start3A_157 = arith.constant 384 : i32
    %dma_start3A_158 = tpu.memref_slice %arg6[%dma_start3A_157] : memref<1664xi32, #tpu.memory_space<vmem>> -> memref<128xi32, #tpu.memory_space<vmem>>
    %dma_start3A_159 = arith.constant 0 : i32
    %dma_start3A_160 = arith.constant 0 : i32
    %dma_start3A_161 = tpu.memref_slice %arg4[%dma_start3A_159, %dma_start3A_160] : memref<1040000x16xf32, #tpu.memory_space<hbm>> -> memref<1040000x16xf32, #tpu.memory_space<hbm>>
    tpu.enqueue_indirect_dma source(%dma_start3A_161 : memref<1040000x16xf32, #tpu.memory_space<hbm>>) target(%dma_start3A_156 : memref<128x16xf32, #tpu.memory_space<vmem>>) offsets(%dma_start3A_158 : memref<128xi32, #tpu.memory_space<vmem>>) semaphore(%arg12 : memref<!tpu.dma_semaphore, #tpu.memory_space<semaphore_mem>>)
    %dma_start3A_162 = arith.constant 512 : i32
    %dma_start3A_163 = arith.constant 0 : i32
    %dma_start3A_164 = tpu.memref_slice %arg9[%dma_start3A_162, %dma_start3A_163] : memref<1664x16xf32, #tpu.memory_space<vmem>> -> memref<128x16xf32, #tpu.memory_space<vmem>>
    %dma_start3A_165 = arith.constant 512 : i32
    %dma_start3A_166 = tpu.memref_slice %arg6[%dma_start3A_165] : memref<1664xi32, #tpu.memory_space<vmem>> -> memref<128xi32, #tpu.memory_space<vmem>>
    %dma_start3A_167 = arith.constant 0 : i32
    %dma_start3A_168 = arith.constant 0 : i32
    %dma_start3A_169 = tpu.memref_slice %arg4[%dma_start3A_167, %dma_start3A_168] : memref<1040000x16xf32, #tpu.memory_space<hbm>> -> memref<1040000x16xf32, #tpu.memory_space<hbm>>
    tpu.enqueue_indirect_dma source(%dma_start3A_169 : memref<1040000x16xf32, #tpu.memory_space<hbm>>) target(%dma_start3A_164 : memref<128x16xf32, #tpu.memory_space<vmem>>) offsets(%dma_start3A_166 : memref<128xi32, #tpu.memory_space<vmem>>) semaphore(%arg12 : memref<!tpu.dma_semaphore, #tpu.memory_space<semaphore_mem>>)
    %dma_start3A_170 = arith.constant 640 : i32
    %dma_start3A_171 = arith.constant 0 : i32
    %dma_start3A_172 = tpu.memref_slice %arg9[%dma_start3A_170, %dma_start3A_171] : memref<1664x16xf32, #tpu.memory_space<vmem>> -> memref<128x16xf32, #tpu.memory_space<vmem>>
    %dma_start3A_173 = arith.constant 640 : i32
    %dma_start3A_174 = tpu.memref_slice %arg6[%dma_start3A_173] : memref<1664xi32, #tpu.memory_space<vmem>> -> memref<128xi32, #tpu.memory_space<vmem>>
    %dma_start3A_175 = arith.constant 0 : i32
    %dma_start3A_176 = arith.constant 0 : i32
    %dma_start3A_177 = tpu.memref_slice %arg4[%dma_start3A_175, %dma_start3A_176] : memref<1040000x16xf32, #tpu.memory_space<hbm>> -> memref<1040000x16xf32, #tpu.memory_space<hbm>>
    tpu.enqueue_indirect_dma source(%dma_start3A_177 : memref<1040000x16xf32, #tpu.memory_space<hbm>>) target(%dma_start3A_172 : memref<128x16xf32, #tpu.memory_space<vmem>>) offsets(%dma_start3A_174 : memref<128xi32, #tpu.memory_space<vmem>>) semaphore(%arg12 : memref<!tpu.dma_semaphore, #tpu.memory_space<semaphore_mem>>)
    %dma_start3A_178 = arith.constant 768 : i32
    %dma_start3A_179 = arith.constant 0 : i32
    %dma_start3A_180 = tpu.memref_slice %arg9[%dma_start3A_178, %dma_start3A_179] : memref<1664x16xf32, #tpu.memory_space<vmem>> -> memref<128x16xf32, #tpu.memory_space<vmem>>
    %dma_start3A_181 = arith.constant 768 : i32
    %dma_start3A_182 = tpu.memref_slice %arg6[%dma_start3A_181] : memref<1664xi32, #tpu.memory_space<vmem>> -> memref<128xi32, #tpu.memory_space<vmem>>
    %dma_start3A_183 = arith.constant 0 : i32
    %dma_start3A_184 = arith.constant 0 : i32
    %dma_start3A_185 = tpu.memref_slice %arg4[%dma_start3A_183, %dma_start3A_184] : memref<1040000x16xf32, #tpu.memory_space<hbm>> -> memref<1040000x16xf32, #tpu.memory_space<hbm>>
    tpu.enqueue_indirect_dma source(%dma_start3A_185 : memref<1040000x16xf32, #tpu.memory_space<hbm>>) target(%dma_start3A_180 : memref<128x16xf32, #tpu.memory_space<vmem>>) offsets(%dma_start3A_182 : memref<128xi32, #tpu.memory_space<vmem>>) semaphore(%arg12 : memref<!tpu.dma_semaphore, #tpu.memory_space<semaphore_mem>>)
    %dma_start3A_186 = arith.constant 896 : i32
    %dma_start3A_187 = arith.constant 0 : i32
    %dma_start3A_188 = tpu.memref_slice %arg9[%dma_start3A_186, %dma_start3A_187] : memref<1664x16xf32, #tpu.memory_space<vmem>> -> memref<128x16xf32, #tpu.memory_space<vmem>>
    %dma_start3A_189 = arith.constant 896 : i32
    %dma_start3A_190 = tpu.memref_slice %arg6[%dma_start3A_189] : memref<1664xi32, #tpu.memory_space<vmem>> -> memref<128xi32, #tpu.memory_space<vmem>>
    %dma_start3A_191 = arith.constant 0 : i32
    %dma_start3A_192 = arith.constant 0 : i32
    %dma_start3A_193 = tpu.memref_slice %arg4[%dma_start3A_191, %dma_start3A_192] : memref<1040000x16xf32, #tpu.memory_space<hbm>> -> memref<1040000x16xf32, #tpu.memory_space<hbm>>
    tpu.enqueue_indirect_dma source(%dma_start3A_193 : memref<1040000x16xf32, #tpu.memory_space<hbm>>) target(%dma_start3A_188 : memref<128x16xf32, #tpu.memory_space<vmem>>) offsets(%dma_start3A_190 : memref<128xi32, #tpu.memory_space<vmem>>) semaphore(%arg12 : memref<!tpu.dma_semaphore, #tpu.memory_space<semaphore_mem>>)
    %dma_start3A_194 = arith.constant 1024 : i32
    %dma_start3A_195 = arith.constant 0 : i32
    %dma_start3A_196 = tpu.memref_slice %arg9[%dma_start3A_194, %dma_start3A_195] : memref<1664x16xf32, #tpu.memory_space<vmem>> -> memref<128x16xf32, #tpu.memory_space<vmem>>
    %dma_start3A_197 = arith.constant 1024 : i32
    %dma_start3A_198 = tpu.memref_slice %arg6[%dma_start3A_197] : memref<1664xi32, #tpu.memory_space<vmem>> -> memref<128xi32, #tpu.memory_space<vmem>>
    %dma_start3A_199 = arith.constant 0 : i32
    %dma_start3A_200 = arith.constant 0 : i32
    %dma_start3A_201 = tpu.memref_slice %arg4[%dma_start3A_199, %dma_start3A_200] : memref<1040000x16xf32, #tpu.memory_space<hbm>> -> memref<1040000x16xf32, #tpu.memory_space<hbm>>
    tpu.enqueue_indirect_dma source(%dma_start3A_201 : memref<1040000x16xf32, #tpu.memory_space<hbm>>) target(%dma_start3A_196 : memref<128x16xf32, #tpu.memory_space<vmem>>) offsets(%dma_start3A_198 : memref<128xi32, #tpu.memory_space<vmem>>) semaphore(%arg12 : memref<!tpu.dma_semaphore, #tpu.memory_space<semaphore_mem>>)
    %dma_start3A_202 = arith.constant 1152 : i32
    %dma_start3A_203 = arith.constant 0 : i32
    %dma_start3A_204 = tpu.memref_slice %arg9[%dma_start3A_202, %dma_start3A_203] : memref<1664x16xf32, #tpu.memory_space<vmem>> -> memref<128x16xf32, #tpu.memory_space<vmem>>
    %dma_start3A_205 = arith.constant 1152 : i32
    %dma_start3A_206 = tpu.memref_slice %arg6[%dma_start3A_205] : memref<1664xi32, #tpu.memory_space<vmem>> -> memref<128xi32, #tpu.memory_space<vmem>>
    %dma_start3A_207 = arith.constant 0 : i32
    %dma_start3A_208 = arith.constant 0 : i32
    %dma_start3A_209 = tpu.memref_slice %arg4[%dma_start3A_207, %dma_start3A_208] : memref<1040000x16xf32, #tpu.memory_space<hbm>> -> memref<1040000x16xf32, #tpu.memory_space<hbm>>
    tpu.enqueue_indirect_dma source(%dma_start3A_209 : memref<1040000x16xf32, #tpu.memory_space<hbm>>) target(%dma_start3A_204 : memref<128x16xf32, #tpu.memory_space<vmem>>) offsets(%dma_start3A_206 : memref<128xi32, #tpu.memory_space<vmem>>) semaphore(%arg12 : memref<!tpu.dma_semaphore, #tpu.memory_space<semaphore_mem>>)
    %dma_start3A_210 = arith.constant 1280 : i32
    %dma_start3A_211 = arith.constant 0 : i32
    %dma_start3A_212 = tpu.memref_slice %arg9[%dma_start3A_210, %dma_start3A_211] : memref<1664x16xf32, #tpu.memory_space<vmem>> -> memref<128x16xf32, #tpu.memory_space<vmem>>
    %dma_start3A_213 = arith.constant 1280 : i32
    %dma_start3A_214 = tpu.memref_slice %arg6[%dma_start3A_213] : memref<1664xi32, #tpu.memory_space<vmem>> -> memref<128xi32, #tpu.memory_space<vmem>>
    %dma_start3A_215 = arith.constant 0 : i32
    %dma_start3A_216 = arith.constant 0 : i32
    %dma_start3A_217 = tpu.memref_slice %arg4[%dma_start3A_215, %dma_start3A_216] : memref<1040000x16xf32, #tpu.memory_space<hbm>> -> memref<1040000x16xf32, #tpu.memory_space<hbm>>
    tpu.enqueue_indirect_dma source(%dma_start3A_217 : memref<1040000x16xf32, #tpu.memory_space<hbm>>) target(%dma_start3A_212 : memref<128x16xf32, #tpu.memory_space<vmem>>) offsets(%dma_start3A_214 : memref<128xi32, #tpu.memory_space<vmem>>) semaphore(%arg12 : memref<!tpu.dma_semaphore, #tpu.memory_space<semaphore_mem>>)
    %dma_start3A_218 = arith.constant 1408 : i32
    %dma_start3A_219 = arith.constant 0 : i32
    %dma_start3A_220 = tpu.memref_slice %arg9[%dma_start3A_218, %dma_start3A_219] : memref<1664x16xf32, #tpu.memory_space<vmem>> -> memref<128x16xf32, #tpu.memory_space<vmem>>
    %dma_start3A_221 = arith.constant 1408 : i32
    %dma_start3A_222 = tpu.memref_slice %arg6[%dma_start3A_221] : memref<1664xi32, #tpu.memory_space<vmem>> -> memref<128xi32, #tpu.memory_space<vmem>>
    %dma_start3A_223 = arith.constant 0 : i32
    %dma_start3A_224 = arith.constant 0 : i32
    %dma_start3A_225 = tpu.memref_slice %arg4[%dma_start3A_223, %dma_start3A_224] : memref<1040000x16xf32, #tpu.memory_space<hbm>> -> memref<1040000x16xf32, #tpu.memory_space<hbm>>
    tpu.enqueue_indirect_dma source(%dma_start3A_225 : memref<1040000x16xf32, #tpu.memory_space<hbm>>) target(%dma_start3A_220 : memref<128x16xf32, #tpu.memory_space<vmem>>) offsets(%dma_start3A_222 : memref<128xi32, #tpu.memory_space<vmem>>) semaphore(%arg12 : memref<!tpu.dma_semaphore, #tpu.memory_space<semaphore_mem>>)
    %dma_start3A_226 = arith.constant 1536 : i32
    %dma_start3A_227 = arith.constant 0 : i32
    %dma_start3A_228 = tpu.memref_slice %arg9[%dma_start3A_226, %dma_start3A_227] : memref<1664x16xf32, #tpu.memory_space<vmem>> -> memref<128x16xf32, #tpu.memory_space<vmem>>
    %dma_start3A_229 = arith.constant 1536 : i32
    %dma_start3A_230 = tpu.memref_slice %arg6[%dma_start3A_229] : memref<1664xi32, #tpu.memory_space<vmem>> -> memref<128xi32, #tpu.memory_space<vmem>>
    %dma_start3A_231 = arith.constant 0 : i32
    %dma_start3A_232 = arith.constant 0 : i32
    %dma_start3A_233 = tpu.memref_slice %arg4[%dma_start3A_231, %dma_start3A_232] : memref<1040000x16xf32, #tpu.memory_space<hbm>> -> memref<1040000x16xf32, #tpu.memory_space<hbm>>
    tpu.enqueue_indirect_dma source(%dma_start3A_233 : memref<1040000x16xf32, #tpu.memory_space<hbm>>) target(%dma_start3A_228 : memref<128x16xf32, #tpu.memory_space<vmem>>) offsets(%dma_start3A_230 : memref<128xi32, #tpu.memory_space<vmem>>) semaphore(%arg12 : memref<!tpu.dma_semaphore, #tpu.memory_space<semaphore_mem>>)
    %scan3A_234 = arith.constant 0 : i32
    %scan3A_235 = arith.constant 4 : i32
    %scan3A_236 = arith.addi %scan3A_234, %scan3A_235 : i32
    %scan3A_237 = arith.constant 1 : i32
    scf.for %scan3A_247 = %scan3A_234 to %scan3A_236 step %scan3A_237  : i32 {
      %mul3A_248 = arith.constant 1 : i32
      %mul3A_249 = arith.muli %scan3A_247, %mul3A_248 : i32
      %add3A_250 = arith.constant 0 : i32
      %add3A_251 = arith.addi %add3A_250, %mul3A_249 : i32
      %mul3A_252 = arith.constant 3328 : i32
      %mul3A_253 = arith.muli %add3A_251, %mul3A_252 : i32
      %add3A_254 = arith.addi %mul3A_2, %mul3A_253 : i32
      %add3A_255 = arith.constant 1664 : i32
      %add3A_256 = arith.addi %add3A_254, %add3A_255 : i32
      "tpu.region"() ({
        %run_scoped3A = tpu.sem_alloc : memref<!tpu.dma_semaphore, #tpu.memory_space<semaphore_mem>>
        %dma_start3A_408 = tpu.memref_slice %arg2[%add3A_256] : memref<425984xi32, #tpu.memory_space<hbm>> -> memref<1664xi32, #tpu.memory_space<hbm>>
        %dma_start3A_409 = tpu.memref_slice %arg2[%add3A_256] : memref<425984xi32, #tpu.memory_space<hbm>> -> memref<1664xi32, #tpu.memory_space<hbm>>
        tpu.enqueue_dma source(%dma_start3A_409 : memref<1664xi32, #tpu.memory_space<hbm>>) target(%arg7 : memref<1664xi32, #tpu.memory_space<vmem>>) target_semaphore(%run_scoped3A : memref<!tpu.dma_semaphore, #tpu.memory_space<semaphore_mem>>)
        %dma_wait3A_410 = tpu.memref_slice %arg2[%add3A_256] : memref<425984xi32, #tpu.memory_space<hbm>> -> memref<1664xi32, #tpu.memory_space<hbm>>
        %dma_wait3A_411 = tpu.memref_slice %arg2[%add3A_256] : memref<425984xi32, #tpu.memory_space<hbm>> -> memref<1664xi32, #tpu.memory_space<hbm>>
        tpu.wait_dma2 semaphore(%run_scoped3A : memref<!tpu.dma_semaphore, #tpu.memory_space<semaphore_mem>>) src(%dma_wait3A_411 : memref<1664xi32, #tpu.memory_space<hbm>>) dst(%arg7 : memref<1664xi32, #tpu.memory_space<vmem>>)
        tpu.yield
      }) : () -> ()
      %scan3A_257 = arith.constant 0 : i32
      %scan3A_258 = arith.constant 104 : i32
      %scan3A_259 = arith.addi %scan3A_257, %scan3A_258 : i32
      %scan3A_260 = arith.constant 1 : i32
      scf.for %scan3A_408 = %scan3A_257 to %scan3A_259 step %scan3A_260  : i32 {
        %mul3A_409 = arith.constant 16 : i32
        %mul3A_410 = arith.muli %scan3A_408, %mul3A_409 : i32
        %add3A_411 = arith.constant 0 : i32
        %add3A_412 = arith.addi %add3A_411, %mul3A_410 : i32
        %get3A = arith.index_cast %add3A_412 : i32 to index
        %get3A_413 = tpu.vector_load %arg7[%get3A] {strides = array<i32>} : memref<1664xi32, #tpu.memory_space<vmem>>, vector<16xi32>,
        %get3A_414 = arith.index_cast %add3A_412 : i32 to index
        %get3A_415 = tpu.vector_load %arg8[%get3A_414] {strides = array<i32>} : memref<1664xi32, #tpu.memory_space<vmem>>, vector<16xi32>,
        %add3A_416 = arith.addi %get3A_413, %get3A_415 : vector<16xi32>
        %swap3A = arith.index_cast %add3A_412 : i32 to index
        %swap3A_417 = tpu.vector_load %arg7[%swap3A] {strides = array<i32>} : memref<1664xi32, #tpu.memory_space<vmem>>, vector<16xi32>,
        tpu.vector_store %arg7[%swap3A], %add3A_416 {strides = array<i32>} : memref<1664xi32, #tpu.memory_space<vmem>>, vector<16xi32>,
      }
      %scan3A_261 = arith.constant 104 : i32
      %dma_start3A_262 = arith.constant 0 : i32
      %dma_start3A_263 = arith.constant 0 : i32
      %dma_start3A_264 = tpu.memref_slice %arg10[%dma_start3A_262, %dma_start3A_263] : memref<1664x16xf32, #tpu.memory_space<vmem>> -> memref<128x16xf32, #tpu.memory_space<vmem>>
      %dma_start3A_265 = arith.constant 0 : i32
      %dma_start3A_266 = tpu.memref_slice %arg7[%dma_start3A_265] : memref<1664xi32, #tpu.memory_space<vmem>> -> memref<128xi32, #tpu.memory_space<vmem>>
      %dma_start3A_267 = arith.constant 0 : i32
      %dma_start3A_268 = arith.constant 0 : i32
      %dma_start3A_269 = tpu.memref_slice %arg4[%dma_start3A_267, %dma_start3A_268] : memref<1040000x16xf32, #tpu.memory_space<hbm>> -> memref<1040000x16xf32, #tpu.memory_space<hbm>>
      tpu.enqueue_indirect_dma source(%dma_start3A_269 : memref<1040000x16xf32, #tpu.memory_space<hbm>>) target(%dma_start3A_264 : memref<128x16xf32, #tpu.memory_space<vmem>>) offsets(%dma_start3A_266 : memref<128xi32, #tpu.memory_space<vmem>>) semaphore(%arg12 : memref<!tpu.dma_semaphore, #tpu.memory_space<semaphore_mem>>)
      %dma_start3A_270 = arith.constant 128 : i32
      %dma_start3A_271 = arith.constant 0 : i32
      %dma_start3A_272 = tpu.memref_slice %arg10[%dma_start3A_270, %dma_start3A_271] : memref<1664x16xf32, #tpu.memory_space<vmem>> -> memref<128x16xf32, #tpu.memory_space<vmem>>
      %dma_start3A_273 = arith.constant 128 : i32
      %dma_start3A_274 = tpu.memref_slice %arg7[%dma_start3A_273] : memref<1664xi32, #tpu.memory_space<vmem>> -> memref<128xi32, #tpu.memory_space<vmem>>
      %dma_start3A_275 = arith.constant 0 : i32
      %dma_start3A_276 = arith.constant 0 : i32
      %dma_start3A_277 = tpu.memref_slice %arg4[%dma_start3A_275, %dma_start3A_276] : memref<1040000x16xf32, #tpu.memory_space<hbm>> -> memref<1040000x16xf32, #tpu.memory_space<hbm>>
      tpu.enqueue_indirect_dma source(%dma_start3A_277 : memref<1040000x16xf32, #tpu.memory_space<hbm>>) target(%dma_start3A_272 : memref<128x16xf32, #tpu.memory_space<vmem>>) offsets(%dma_start3A_274 : memref<128xi32, #tpu.memory_space<vmem>>) semaphore(%arg12 : memref<!tpu.dma_semaphore, #tpu.memory_space<semaphore_mem>>)
      %dma_start3A_278 = arith.constant 256 : i32
      %dma_start3A_279 = arith.constant 0 : i32
      %dma_start3A_280 = tpu.memref_slice %arg10[%dma_start3A_278, %dma_start3A_279] : memref<1664x16xf32, #tpu.memory_space<vmem>> -> memref<128x16xf32, #tpu.memory_space<vmem>>
      %dma_start3A_281 = arith.constant 256 : i32
      %dma_start3A_282 = tpu.memref_slice %arg7[%dma_start3A_281] : memref<1664xi32, #tpu.memory_space<vmem>> -> memref<128xi32, #tpu.memory_space<vmem>>
      %dma_start3A_283 = arith.constant 0 : i32
      %dma_start3A_284 = arith.constant 0 : i32
      %dma_start3A_285 = tpu.memref_slice %arg4[%dma_start3A_283, %dma_start3A_284] : memref<1040000x16xf32, #tpu.memory_space<hbm>> -> memref<1040000x16xf32, #tpu.memory_space<hbm>>
      tpu.enqueue_indirect_dma source(%dma_start3A_285 : memref<1040000x16xf32, #tpu.memory_space<hbm>>) target(%dma_start3A_280 : memref<128x16xf32, #tpu.memory_space<vmem>>) offsets(%dma_start3A_282 : memref<128xi32, #tpu.memory_space<vmem>>) semaphore(%arg12 : memref<!tpu.dma_semaphore, #tpu.memory_space<semaphore_mem>>)
      %dma_start3A_286 = arith.constant 384 : i32
      %dma_start3A_287 = arith.constant 0 : i32
      %dma_start3A_288 = tpu.memref_slice %arg10[%dma_start3A_286, %dma_start3A_287] : memref<1664x16xf32, #tpu.memory_space<vmem>> -> memref<128x16xf32, #tpu.memory_space<vmem>>
      %dma_start3A_289 = arith.constant 384 : i32
      %dma_start3A_290 = tpu.memref_slice %arg7[%dma_start3A_289] : memref<1664xi32, #tpu.memory_space<vmem>> -> memref<128xi32, #tpu.memory_space<vmem>>
      %dma_start3A_291 = arith.constant 0 : i32
      %dma_start3A_292 = arith.constant 0 : i32
      %dma_start3A_293 = tpu.memref_slice %arg4[%dma_start3A_291, %dma_start3A_292] : memref<1040000x16xf32, #tpu.memory_space<hbm>> -> memref<1040000x16xf32, #tpu.memory_space<hbm>>
      tpu.enqueue_indirect_dma source(%dma_start3A_293 : memref<1040000x16xf32, #tpu.memory_space<hbm>>) target(%dma_start3A_288 : memref<128x16xf32, #tpu.memory_space<vmem>>) offsets(%dma_start3A_290 : memref<128xi32, #tpu.memory_space<vmem>>) semaphore(%arg12 : memref<!tpu.dma_semaphore, #tpu.memory_space<semaphore_mem>>)
      %dma_start3A_294 = arith.constant 512 : i32
      %dma_start3A_295 = arith.constant 0 : i32
      %dma_start3A_296 = tpu.memref_slice %arg10[%dma_start3A_294, %dma_start3A_295] : memref<1664x16xf32, #tpu.memory_space<vmem>> -> memref<128x16xf32, #tpu.memory_space<vmem>>
      %dma_start3A_297 = arith.constant 512 : i32
      %dma_start3A_298 = tpu.memref_slice %arg7[%dma_start3A_297] : memref<1664xi32, #tpu.memory_space<vmem>> -> memref<128xi32, #tpu.memory_space<vmem>>
      %dma_start3A_299 = arith.constant 0 : i32
      %dma_start3A_300 = arith.constant 0 : i32
      %dma_start3A_301 = tpu.memref_slice %arg4[%dma_start3A_299, %dma_start3A_300] : memref<1040000x16xf32, #tpu.memory_space<hbm>> -> memref<1040000x16xf32, #tpu.memory_space<hbm>>
      tpu.enqueue_indirect_dma source(%dma_start3A_301 : memref<1040000x16xf32, #tpu.memory_space<hbm>>) target(%dma_start3A_296 : memref<128x16xf32, #tpu.memory_space<vmem>>) offsets(%dma_start3A_298 : memref<128xi32, #tpu.memory_space<vmem>>) semaphore(%arg12 : memref<!tpu.dma_semaphore, #tpu.memory_space<semaphore_mem>>)
      %dma_start3A_302 = arith.constant 640 : i32
      %dma_start3A_303 = arith.constant 0 : i32
      %dma_start3A_304 = tpu.memref_slice %arg10[%dma_start3A_302, %dma_start3A_303] : memref<1664x16xf32, #tpu.memory_space<vmem>> -> memref<128x16xf32, #tpu.memory_space<vmem>>
      %dma_start3A_305 = arith.constant 640 : i32
      %dma_start3A_306 = tpu.memref_slice %arg7[%dma_start3A_305] : memref<1664xi32, #tpu.memory_space<vmem>> -> memref<128xi32, #tpu.memory_space<vmem>>
      %dma_start3A_307 = arith.constant 0 : i32
      %dma_start3A_308 = arith.constant 0 : i32
      %dma_start3A_309 = tpu.memref_slice %arg4[%dma_start3A_307, %dma_start3A_308] : memref<1040000x16xf32, #tpu.memory_space<hbm>> -> memref<1040000x16xf32, #tpu.memory_space<hbm>>
      tpu.enqueue_indirect_dma source(%dma_start3A_309 : memref<1040000x16xf32, #tpu.memory_space<hbm>>) target(%dma_start3A_304 : memref<128x16xf32, #tpu.memory_space<vmem>>) offsets(%dma_start3A_306 : memref<128xi32, #tpu.memory_space<vmem>>) semaphore(%arg12 : memref<!tpu.dma_semaphore, #tpu.memory_space<semaphore_mem>>)
      %dma_start3A_310 = arith.constant 768 : i32
      %dma_start3A_311 = arith.constant 0 : i32
      %dma_start3A_312 = tpu.memref_slice %arg10[%dma_start3A_310, %dma_start3A_311] : memref<1664x16xf32, #tpu.memory_space<vmem>> -> memref<128x16xf32, #tpu.memory_space<vmem>>
      %dma_start3A_313 = arith.constant 768 : i32
      %dma_start3A_314 = tpu.memref_slice %arg7[%dma_start3A_313] : memref<1664xi32, #tpu.memory_space<vmem>> -> memref<128xi32, #tpu.memory_space<vmem>>
      %dma_start3A_315 = arith.constant 0 : i32
      %dma_start3A_316 = arith.constant 0 : i32
      %dma_start3A_317 = tpu.memref_slice %arg4[%dma_start3A_315, %dma_start3A_316] : memref<1040000x16xf32, #tpu.memory_space<hbm>> -> memref<1040000x16xf32, #tpu.memory_space<hbm>>
      tpu.enqueue_indirect_dma source(%dma_start3A_317 : memref<1040000x16xf32, #tpu.memory_space<hbm>>) target(%dma_start3A_312 : memref<128x16xf32, #tpu.memory_space<vmem>>) offsets(%dma_start3A_314 : memref<128xi32, #tpu.memory_space<vmem>>) semaphore(%arg12 : memref<!tpu.dma_semaphore, #tpu.memory_space<semaphore_mem>>)
      %dma_start3A_318 = arith.constant 896 : i32
      %dma_start3A_319 = arith.constant 0 : i32
      %dma_start3A_320 = tpu.memref_slice %arg10[%dma_start3A_318, %dma_start3A_319] : memref<1664x16xf32, #tpu.memory_space<vmem>> -> memref<128x16xf32, #tpu.memory_space<vmem>>
      %dma_start3A_321 = arith.constant 896 : i32
      %dma_start3A_322 = tpu.memref_slice %arg7[%dma_start3A_321] : memref<1664xi32, #tpu.memory_space<vmem>> -> memref<128xi32, #tpu.memory_space<vmem>>
      %dma_start3A_323 = arith.constant 0 : i32
      %dma_start3A_324 = arith.constant 0 : i32
      %dma_start3A_325 = tpu.memref_slice %arg4[%dma_start3A_323, %dma_start3A_324] : memref<1040000x16xf32, #tpu.memory_space<hbm>> -> memref<1040000x16xf32, #tpu.memory_space<hbm>>
      tpu.enqueue_indirect_dma source(%dma_start3A_325 : memref<1040000x16xf32, #tpu.memory_space<hbm>>) target(%dma_start3A_320 : memref<128x16xf32, #tpu.memory_space<vmem>>) offsets(%dma_start3A_322 : memref<128xi32, #tpu.memory_space<vmem>>) semaphore(%arg12 : memref<!tpu.dma_semaphore, #tpu.memory_space<semaphore_mem>>)
      %dma_start3A_326 = arith.constant 1024 : i32
      %dma_start3A_327 = arith.constant 0 : i32
      %dma_start3A_328 = tpu.memref_slice %arg10[%dma_start3A_326, %dma_start3A_327] : memref<1664x16xf32, #tpu.memory_space<vmem>> -> memref<128x16xf32, #tpu.memory_space<vmem>>
      %dma_start3A_329 = arith.constant 1024 : i32
      %dma_start3A_330 = tpu.memref_slice %arg7[%dma_start3A_329] : memref<1664xi32, #tpu.memory_space<vmem>> -> memref<128xi32, #tpu.memory_space<vmem>>
      %dma_start3A_331 = arith.constant 0 : i32
      %dma_start3A_332 = arith.constant 0 : i32
      %dma_start3A_333 = tpu.memref_slice %arg4[%dma_start3A_331, %dma_start3A_332] : memref<1040000x16xf32, #tpu.memory_space<hbm>> -> memref<1040000x16xf32, #tpu.memory_space<hbm>>
      tpu.enqueue_indirect_dma source(%dma_start3A_333 : memref<1040000x16xf32, #tpu.memory_space<hbm>>) target(%dma_start3A_328 : memref<128x16xf32, #tpu.memory_space<vmem>>) offsets(%dma_start3A_330 : memref<128xi32, #tpu.memory_space<vmem>>) semaphore(%arg12 : memref<!tpu.dma_semaphore, #tpu.memory_space<semaphore_mem>>)
      %dma_start3A_334 = arith.constant 1152 : i32
      %dma_start3A_335 = arith.constant 0 : i32
      %dma_start3A_336 = tpu.memref_slice %arg10[%dma_start3A_334, %dma_start3A_335] : memref<1664x16xf32, #tpu.memory_space<vmem>> -> memref<128x16xf32, #tpu.memory_space<vmem>>
      %dma_start3A_337 = arith.constant 1152 : i32
      %dma_start3A_338 = tpu.memref_slice %arg7[%dma_start3A_337] : memref<1664xi32, #tpu.memory_space<vmem>> -> memref<128xi32, #tpu.memory_space<vmem>>
      %dma_start3A_339 = arith.constant 0 : i32
      %dma_start3A_340 = arith.constant 0 : i32
      %dma_start3A_341 = tpu.memref_slice %arg4[%dma_start3A_339, %dma_start3A_340] : memref<1040000x16xf32, #tpu.memory_space<hbm>> -> memref<1040000x16xf32, #tpu.memory_space<hbm>>
      tpu.enqueue_indirect_dma source(%dma_start3A_341 : memref<1040000x16xf32, #tpu.memory_space<hbm>>) target(%dma_start3A_336 : memref<128x16xf32, #tpu.memory_space<vmem>>) offsets(%dma_start3A_338 : memref<128xi32, #tpu.memory_space<vmem>>) semaphore(%arg12 : memref<!tpu.dma_semaphore, #tpu.memory_space<semaphore_mem>>)
      %dma_start3A_342 = arith.constant 1280 : i32
      %dma_start3A_343 = arith.constant 0 : i32
      %dma_start3A_344 = tpu.memref_slice %arg10[%dma_start3A_342, %dma_start3A_343] : memref<1664x16xf32, #tpu.memory_space<vmem>> -> memref<128x16xf32, #tpu.memory_space<vmem>>
      %dma_start3A_345 = arith.constant 1280 : i32
      %dma_start3A_346 = tpu.memref_slice %arg7[%dma_start3A_345] : memref<1664xi32, #tpu.memory_space<vmem>> -> memref<128xi32, #tpu.memory_space<vmem>>
      %dma_start3A_347 = arith.constant 0 : i32
      %dma_start3A_348 = arith.constant 0 : i32
      %dma_start3A_349 = tpu.memref_slice %arg4[%dma_start3A_347, %dma_start3A_348] : memref<1040000x16xf32, #tpu.memory_space<hbm>> -> memref<1040000x16xf32, #tpu.memory_space<hbm>>
      tpu.enqueue_indirect_dma source(%dma_start3A_349 : memref<1040000x16xf32, #tpu.memory_space<hbm>>) target(%dma_start3A_344 : memref<128x16xf32, #tpu.memory_space<vmem>>) offsets(%dma_start3A_346 : memref<128xi32, #tpu.memory_space<vmem>>) semaphore(%arg12 : memref<!tpu.dma_semaphore, #tpu.memory_space<semaphore_mem>>)
      %dma_start3A_350 = arith.constant 1408 : i32
      %dma_start3A_351 = arith.constant 0 : i32
      %dma_start3A_352 = tpu.memref_slice %arg10[%dma_start3A_350, %dma_start3A_351] : memref<1664x16xf32, #tpu.memory_space<vmem>> -> memref<128x16xf32, #tpu.memory_space<vmem>>
      %dma_start3A_353 = arith.constant 1408 : i32
      %dma_start3A_354 = tpu.memref_slice %arg7[%dma_start3A_353] : memref<1664xi32, #tpu.memory_space<vmem>> -> memref<128xi32, #tpu.memory_space<vmem>>
      %dma_start3A_355 = arith.constant 0 : i32
      %dma_start3A_356 = arith.constant 0 : i32
      %dma_start3A_357 = tpu.memref_slice %arg4[%dma_start3A_355, %dma_start3A_356] : memref<1040000x16xf32, #tpu.memory_space<hbm>> -> memref<1040000x16xf32, #tpu.memory_space<hbm>>
      tpu.enqueue_indirect_dma source(%dma_start3A_357 : memref<1040000x16xf32, #tpu.memory_space<hbm>>) target(%dma_start3A_352 : memref<128x16xf32, #tpu.memory_space<vmem>>) offsets(%dma_start3A_354 : memref<128xi32, #tpu.memory_space<vmem>>) semaphore(%arg12 : memref<!tpu.dma_semaphore, #tpu.memory_space<semaphore_mem>>)
      %dma_start3A_358 = arith.constant 1536 : i32
      %dma_start3A_359 = arith.constant 0 : i32
      %dma_start3A_360 = tpu.memref_slice %arg10[%dma_start3A_358, %dma_start3A_359] : memref<1664x16xf32, #tpu.memory_space<vmem>> -> memref<128x16xf32, #tpu.memory_space<vmem>>
      %dma_start3A_361 = arith.constant 1536 : i32
      %dma_start3A_362 = tpu.memref_slice %arg7[%dma_start3A_361] : memref<1664xi32, #tpu.memory_space<vmem>> -> memref<128xi32, #tpu.memory_space<vmem>>
      %dma_start3A_363 = arith.constant 0 : i32
      %dma_start3A_364 = arith.constant 0 : i32
      %dma_start3A_365 = tpu.memref_slice %arg4[%dma_start3A_363, %dma_start3A_364] : memref<1040000x16xf32, #tpu.memory_space<hbm>> -> memref<1040000x16xf32, #tpu.memory_space<hbm>>
      tpu.enqueue_indirect_dma source(%dma_start3A_365 : memref<1040000x16xf32, #tpu.memory_space<hbm>>) target(%dma_start3A_360 : memref<128x16xf32, #tpu.memory_space<vmem>>) offsets(%dma_start3A_362 : memref<128xi32, #tpu.memory_space<vmem>>) semaphore(%arg12 : memref<!tpu.dma_semaphore, #tpu.memory_space<semaphore_mem>>)
      %dma_wait3A_366 = arith.constant 0 : i32
      %dma_wait3A_367 = arith.constant 0 : i32
      %dma_wait3A_368 = tpu.memref_slice %arg4[%dma_wait3A_366, %dma_wait3A_367] : memref<1040000x16xf32, #tpu.memory_space<hbm>> -> memref<1664x16xf32, #tpu.memory_space<hbm>>
      %dma_wait3A_369 = arith.constant 0 : i32
      %dma_wait3A_370 = arith.constant 0 : i32
      %dma_wait3A_371 = tpu.memref_slice %arg4[%dma_wait3A_369, %dma_wait3A_370] : memref<1040000x16xf32, #tpu.memory_space<hbm>> -> memref<1664x16xf32, #tpu.memory_space<hbm>>
      tpu.wait_dma2 semaphore(%arg12 : memref<!tpu.dma_semaphore, #tpu.memory_space<semaphore_mem>>) src(%dma_wait3A_371 : memref<1664x16xf32, #tpu.memory_space<hbm>>) dst(%arg9 : memref<1664x16xf32, #tpu.memory_space<vmem>>)
      %gt3A = arith.constant 0 : i32
      %gt3A_372 = arith.cmpi sgt, %add3A_251, %gt3A : i32
      %convert_element_type3A = arith.extui %gt3A_372 : i1 to i32
      %cond3A = arith.constant 0 : i32
      %cond3A_373 = arith.cmpi ne, %convert_element_type3A, %cond3A : i32
      scf.if %cond3A_373 {
        %dma_wait3A_408 = arith.constant 0 : i32
        %dma_wait3A_409 = arith.constant 0 : i32
        %dma_wait3A_410 = arith.constant 0 : i32
        %dma_wait3A_411 = tpu.memref_slice %arg5[%dma_wait3A_409, %dma_wait3A_408, %dma_wait3A_410] : memref<52x128x1024xf32, #tpu.memory_space<hbm>> -> memref<52x1x1024xf32, #tpu.memory_space<hbm>>
        %dma_wait3A_412 = tpu.memref_squeeze %dma_wait3A_411 : memref<52x1x1024xf32, #tpu.memory_space<hbm>> -> memref<52x1024xf32, #tpu.memory_space<hbm>>
        %dma_wait3A_413 = arith.constant 0 : i32
        %dma_wait3A_414 = arith.constant 0 : i32
        %dma_wait3A_415 = tpu.memref_slice %arg5[%dma_wait3A_413, %dma_wait3A_408, %dma_wait3A_414] : memref<52x128x1024xf32, #tpu.memory_space<hbm>> -> memref<52x1x1024xf32, #tpu.memory_space<hbm>>
        %dma_wait3A_416 = tpu.memref_squeeze %dma_wait3A_415 : memref<52x1x1024xf32, #tpu.memory_space<hbm>> -> memref<52x1024xf32, #tpu.memory_space<hbm>>
        tpu.wait_dma2 semaphore(%arg13 : memref<!tpu.dma_semaphore, #tpu.memory_space<semaphore_mem>>) src(%dma_wait3A_416 : memref<52x1024xf32, #tpu.memory_space<hbm>>) dst(%arg11 : memref<52x1024xf32, #tpu.memory_space<vmem>>)
      } else {
      }
      %scan3A_374 = arith.constant 0 : i32
      %scan3A_375 = arith.constant 64 : i32
      %scan3A_376 = arith.addi %scan3A_374, %scan3A_375 : i32
      %scan3A_377 = arith.constant 1 : i32
      scf.for %scan3A_408 = %scan3A_374 to %scan3A_376 step %scan3A_377  : i32 {
        %mul3A_409 = arith.constant 1 : i32
        %mul3A_410 = arith.muli %scan3A_408, %mul3A_409 : i32
        %add3A_411 = arith.constant 0 : i32
        %add3A_412 = arith.addi %add3A_411, %mul3A_410 : i32
        %add3A_413 = arith.constant 0 : i32
        %add3A_414 = arith.addi %add3A_413, %add3A_412 : i32
        %add3A_415 = vector.broadcast %add3A_414 : i32 to vector<16xi32>
        %add3A_416 = arith.addi %mul3A_48, %add3A_415 : vector<16xi32>
        %mul3A_417 = arith.constant 26 : i32
        %mul3A_418 = arith.muli %add3A_412, %mul3A_417 : i32
        %add3A_419 = arith.constant 0 : i32
        %add3A_420 = arith.addi %mul3A_418, %add3A_419 : i32
        %get3A = arith.index_cast %add3A_420 : i32 to index
        %get3A_421 = arith.constant 0 : index
        %get3A_422 = tpu.vector_load %arg9[%get3A, %get3A_421] {strides = array<i32>} : memref<1664x16xf32, #tpu.memory_space<vmem>>, vector<16xf32>,
        tpu.vector_store_idx %arg11[%add3A_51, %add3A_416], %get3A_422 : memref<52x1024xf32, #tpu.memory_space<vmem>>[vector<16xi32>, vector<16xi32>], vector<16xf32>,
        %add3A_423 = arith.constant 1 : i32
        %add3A_424 = arith.addi %mul3A_418, %add3A_423 : i32
        %get3A_425 = arith.index_cast %add3A_424 : i32 to index
        %get3A_426 = arith.constant 0 : index
        %get3A_427 = tpu.vector_load %arg9[%get3A_425, %get3A_426] {strides = array<i32>} : memref<1664x16xf32, #tpu.memory_space<vmem>>, vector<16xf32>,
        tpu.vector_store_idx %arg11[%add3A_54, %add3A_416], %get3A_427 : memref<52x1024xf32, #tpu.memory_space<vmem>>[vector<16xi32>, vector<16xi32>], vector<16xf32>,
        %add3A_428 = arith.constant 2 : i32
        %add3A_429 = arith.addi %mul3A_418, %add3A_428 : i32
        %get3A_430 = arith.index_cast %add3A_429 : i32 to index
        %get3A_431 = arith.constant 0 : index
        %get3A_432 = tpu.vector_load %arg9[%get3A_430, %get3A_431] {strides = array<i32>} : memref<1664x16xf32, #tpu.memory_space<vmem>>, vector<16xf32>,
        tpu.vector_store_idx %arg11[%add3A_57, %add3A_416], %get3A_432 : memref<52x1024xf32, #tpu.memory_space<vmem>>[vector<16xi32>, vector<16xi32>], vector<16xf32>,
        %add3A_433 = arith.constant 3 : i32
        %add3A_434 = arith.addi %mul3A_418, %add3A_433 : i32
        %get3A_435 = arith.index_cast %add3A_434 : i32 to index
        %get3A_436 = arith.constant 0 : index
        %get3A_437 = tpu.vector_load %arg9[%get3A_435, %get3A_436] {strides = array<i32>} : memref<1664x16xf32, #tpu.memory_space<vmem>>, vector<16xf32>,
        tpu.vector_store_idx %arg11[%add3A_60, %add3A_416], %get3A_437 : memref<52x1024xf32, #tpu.memory_space<vmem>>[vector<16xi32>, vector<16xi32>], vector<16xf32>,
        %add3A_438 = arith.constant 4 : i32
        %add3A_439 = arith.addi %mul3A_418, %add3A_438 : i32
        %get3A_440 = arith.index_cast %add3A_439 : i32 to index
        %get3A_441 = arith.constant 0 : index
        %get3A_442 = tpu.vector_load %arg9[%get3A_440, %get3A_441] {strides = array<i32>} : memref<1664x16xf32, #tpu.memory_space<vmem>>, vector<16xf32>,
        tpu.vector_store_idx %arg11[%add3A_63, %add3A_416], %get3A_442 : memref<52x1024xf32, #tpu.memory_space<vmem>>[vector<16xi32>, vector<16xi32>], vector<16xf32>,
        %add3A_443 = arith.constant 5 : i32
        %add3A_444 = arith.addi %mul3A_418, %add3A_443 : i32
        %get3A_445 = arith.index_cast %add3A_444 : i32 to index
        %get3A_446 = arith.constant 0 : index
        %get3A_447 = tpu.vector_load %arg9[%get3A_445, %get3A_446] {strides = array<i32>} : memref<1664x16xf32, #tpu.memory_space<vmem>>, vector<16xf32>,
        tpu.vector_store_idx %arg11[%add3A_66, %add3A_416], %get3A_447 : memref<52x1024xf32, #tpu.memory_space<vmem>>[vector<16xi32>, vector<16xi32>], vector<16xf32>,
        %add3A_448 = arith.constant 6 : i32
        %add3A_449 = arith.addi %mul3A_418, %add3A_448 : i32
        %get3A_450 = arith.index_cast %add3A_449 : i32 to index
        %get3A_451 = arith.constant 0 : index
        %get3A_452 = tpu.vector_load %arg9[%get3A_450, %get3A_451] {strides = array<i32>} : memref<1664x16xf32, #tpu.memory_space<vmem>>, vector<16xf32>,
        tpu.vector_store_idx %arg11[%add3A_69, %add3A_416], %get3A_452 : memref<52x1024xf32, #tpu.memory_space<vmem>>[vector<16xi32>, vector<16xi32>], vector<16xf32>,
        %add3A_453 = arith.constant 7 : i32
        %add3A_454 = arith.addi %mul3A_418, %add3A_453 : i32
        %get3A_455 = arith.index_cast %add3A_454 : i32 to index
        %get3A_456 = arith.constant 0 : index
        %get3A_457 = tpu.vector_load %arg9[%get3A_455, %get3A_456] {strides = array<i32>} : memref<1664x16xf32, #tpu.memory_space<vmem>>, vector<16xf32>,
        tpu.vector_store_idx %arg11[%add3A_72, %add3A_416], %get3A_457 : memref<52x1024xf32, #tpu.memory_space<vmem>>[vector<16xi32>, vector<16xi32>], vector<16xf32>,
        %add3A_458 = arith.constant 8 : i32
        %add3A_459 = arith.addi %mul3A_418, %add3A_458 : i32
        %get3A_460 = arith.index_cast %add3A_459 : i32 to index
        %get3A_461 = arith.constant 0 : index
        %get3A_462 = tpu.vector_load %arg9[%get3A_460, %get3A_461] {strides = array<i32>} : memref<1664x16xf32, #tpu.memory_space<vmem>>, vector<16xf32>,
        tpu.vector_store_idx %arg11[%add3A_75, %add3A_416], %get3A_462 : memref<52x1024xf32, #tpu.memory_space<vmem>>[vector<16xi32>, vector<16xi32>], vector<16xf32>,
        %add3A_463 = arith.constant 9 : i32
        %add3A_464 = arith.addi %mul3A_418, %add3A_463 : i32
        %get3A_465 = arith.index_cast %add3A_464 : i32 to index
        %get3A_466 = arith.constant 0 : index
        %get3A_467 = tpu.vector_load %arg9[%get3A_465, %get3A_466] {strides = array<i32>} : memref<1664x16xf32, #tpu.memory_space<vmem>>, vector<16xf32>,
        tpu.vector_store_idx %arg11[%add3A_78, %add3A_416], %get3A_467 : memref<52x1024xf32, #tpu.memory_space<vmem>>[vector<16xi32>, vector<16xi32>], vector<16xf32>,
        %add3A_468 = arith.constant 10 : i32
        %add3A_469 = arith.addi %mul3A_418, %add3A_468 : i32
        %get3A_470 = arith.index_cast %add3A_469 : i32 to index
        %get3A_471 = arith.constant 0 : index
        %get3A_472 = tpu.vector_load %arg9[%get3A_470, %get3A_471] {strides = array<i32>} : memref<1664x16xf32, #tpu.memory_space<vmem>>, vector<16xf32>,
        tpu.vector_store_idx %arg11[%add3A_81, %add3A_416], %get3A_472 : memref<52x1024xf32, #tpu.memory_space<vmem>>[vector<16xi32>, vector<16xi32>], vector<16xf32>,
        %add3A_473 = arith.constant 11 : i32
        %add3A_474 = arith.addi %mul3A_418, %add3A_473 : i32
        %get3A_475 = arith.index_cast %add3A_474 : i32 to index
        %get3A_476 = arith.constant 0 : index
        %get3A_477 = tpu.vector_load %arg9[%get3A_475, %get3A_476] {strides = array<i32>} : memref<1664x16xf32, #tpu.memory_space<vmem>>, vector<16xf32>,
        tpu.vector_store_idx %arg11[%add3A_84, %add3A_416], %get3A_477 : memref<52x1024xf32, #tpu.memory_space<vmem>>[vector<16xi32>, vector<16xi32>], vector<16xf32>,
        %add3A_478 = arith.constant 12 : i32
        %add3A_479 = arith.addi %mul3A_418, %add3A_478 : i32
        %get3A_480 = arith.index_cast %add3A_479 : i32 to index
        %get3A_481 = arith.constant 0 : index
        %get3A_482 = tpu.vector_load %arg9[%get3A_480, %get3A_481] {strides = array<i32>} : memref<1664x16xf32, #tpu.memory_space<vmem>>, vector<16xf32>,
        tpu.vector_store_idx %arg11[%add3A_87, %add3A_416], %get3A_482 : memref<52x1024xf32, #tpu.memory_space<vmem>>[vector<16xi32>, vector<16xi32>], vector<16xf32>,
        %add3A_483 = arith.constant 13 : i32
        %add3A_484 = arith.addi %mul3A_418, %add3A_483 : i32
        %get3A_485 = arith.index_cast %add3A_484 : i32 to index
        %get3A_486 = arith.constant 0 : index
        %get3A_487 = tpu.vector_load %arg9[%get3A_485, %get3A_486] {strides = array<i32>} : memref<1664x16xf32, #tpu.memory_space<vmem>>, vector<16xf32>,
        tpu.vector_store_idx %arg11[%add3A_90, %add3A_416], %get3A_487 : memref<52x1024xf32, #tpu.memory_space<vmem>>[vector<16xi32>, vector<16xi32>], vector<16xf32>,
        %add3A_488 = arith.constant 14 : i32
        %add3A_489 = arith.addi %mul3A_418, %add3A_488 : i32
        %get3A_490 = arith.index_cast %add3A_489 : i32 to index
        %get3A_491 = arith.constant 0 : index
        %get3A_492 = tpu.vector_load %arg9[%get3A_490, %get3A_491] {strides = array<i32>} : memref<1664x16xf32, #tpu.memory_space<vmem>>, vector<16xf32>,
        tpu.vector_store_idx %arg11[%add3A_93, %add3A_416], %get3A_492 : memref<52x1024xf32, #tpu.memory_space<vmem>>[vector<16xi32>, vector<16xi32>], vector<16xf32>,
        %add3A_493 = arith.constant 15 : i32
        %add3A_494 = arith.addi %mul3A_418, %add3A_493 : i32
        %get3A_495 = arith.index_cast %add3A_494 : i32 to index
        %get3A_496 = arith.constant 0 : index
        %get3A_497 = tpu.vector_load %arg9[%get3A_495, %get3A_496] {strides = array<i32>} : memref<1664x16xf32, #tpu.memory_space<vmem>>, vector<16xf32>,
        tpu.vector_store_idx %arg11[%add3A_96, %add3A_416], %get3A_497 : memref<52x1024xf32, #tpu.memory_space<vmem>>[vector<16xi32>, vector<16xi32>], vector<16xf32>,
        %add3A_498 = arith.constant 16 : i32
        %add3A_499 = arith.addi %mul3A_418, %add3A_498 : i32
        %get3A_500 = arith.index_cast %add3A_499 : i32 to index
        %get3A_501 = arith.constant 0 : index
        %get3A_502 = tpu.vector_load %arg9[%get3A_500, %get3A_501] {strides = array<i32>} : memref<1664x16xf32, #tpu.memory_space<vmem>>, vector<16xf32>,
        tpu.vector_store_idx %arg11[%add3A_99, %add3A_416], %get3A_502 : memref<52x1024xf32, #tpu.memory_space<vmem>>[vector<16xi32>, vector<16xi32>], vector<16xf32>,
        %add3A_503 = arith.constant 17 : i32
        %add3A_504 = arith.addi %mul3A_418, %add3A_503 : i32
        %get3A_505 = arith.index_cast %add3A_504 : i32 to index
        %get3A_506 = arith.constant 0 : index
        %get3A_507 = tpu.vector_load %arg9[%get3A_505, %get3A_506] {strides = array<i32>} : memref<1664x16xf32, #tpu.memory_space<vmem>>, vector<16xf32>,
        tpu.vector_store_idx %arg11[%add3A_102, %add3A_416], %get3A_507 : memref<52x1024xf32, #tpu.memory_space<vmem>>[vector<16xi32>, vector<16xi32>], vector<16xf32>,
        %add3A_508 = arith.constant 18 : i32
        %add3A_509 = arith.addi %mul3A_418, %add3A_508 : i32
        %get3A_510 = arith.index_cast %add3A_509 : i32 to index
        %get3A_511 = arith.constant 0 : index
        %get3A_512 = tpu.vector_load %arg9[%get3A_510, %get3A_511] {strides = array<i32>} : memref<1664x16xf32, #tpu.memory_space<vmem>>, vector<16xf32>,
        tpu.vector_store_idx %arg11[%add3A_105, %add3A_416], %get3A_512 : memref<52x1024xf32, #tpu.memory_space<vmem>>[vector<16xi32>, vector<16xi32>], vector<16xf32>,
        %add3A_513 = arith.constant 19 : i32
        %add3A_514 = arith.addi %mul3A_418, %add3A_513 : i32
        %get3A_515 = arith.index_cast %add3A_514 : i32 to index
        %get3A_516 = arith.constant 0 : index
        %get3A_517 = tpu.vector_load %arg9[%get3A_515, %get3A_516] {strides = array<i32>} : memref<1664x16xf32, #tpu.memory_space<vmem>>, vector<16xf32>,
        tpu.vector_store_idx %arg11[%add3A_108, %add3A_416], %get3A_517 : memref<52x1024xf32, #tpu.memory_space<vmem>>[vector<16xi32>, vector<16xi32>], vector<16xf32>,
        %add3A_518 = arith.constant 20 : i32
        %add3A_519 = arith.addi %mul3A_418, %add3A_518 : i32
        %get3A_520 = arith.index_cast %add3A_519 : i32 to index
        %get3A_521 = arith.constant 0 : index
        %get3A_522 = tpu.vector_load %arg9[%get3A_520, %get3A_521] {strides = array<i32>} : memref<1664x16xf32, #tpu.memory_space<vmem>>, vector<16xf32>,
        tpu.vector_store_idx %arg11[%add3A_111, %add3A_416], %get3A_522 : memref<52x1024xf32, #tpu.memory_space<vmem>>[vector<16xi32>, vector<16xi32>], vector<16xf32>,
        %add3A_523 = arith.constant 21 : i32
        %add3A_524 = arith.addi %mul3A_418, %add3A_523 : i32
        %get3A_525 = arith.index_cast %add3A_524 : i32 to index
        %get3A_526 = arith.constant 0 : index
        %get3A_527 = tpu.vector_load %arg9[%get3A_525, %get3A_526] {strides = array<i32>} : memref<1664x16xf32, #tpu.memory_space<vmem>>, vector<16xf32>,
        tpu.vector_store_idx %arg11[%add3A_114, %add3A_416], %get3A_527 : memref<52x1024xf32, #tpu.memory_space<vmem>>[vector<16xi32>, vector<16xi32>], vector<16xf32>,
        %add3A_528 = arith.constant 22 : i32
        %add3A_529 = arith.addi %mul3A_418, %add3A_528 : i32
        %get3A_530 = arith.index_cast %add3A_529 : i32 to index
        %get3A_531 = arith.constant 0 : index
        %get3A_532 = tpu.vector_load %arg9[%get3A_530, %get3A_531] {strides = array<i32>} : memref<1664x16xf32, #tpu.memory_space<vmem>>, vector<16xf32>,
        tpu.vector_store_idx %arg11[%add3A_117, %add3A_416], %get3A_532 : memref<52x1024xf32, #tpu.memory_space<vmem>>[vector<16xi32>, vector<16xi32>], vector<16xf32>,
        %add3A_533 = arith.constant 23 : i32
        %add3A_534 = arith.addi %mul3A_418, %add3A_533 : i32
        %get3A_535 = arith.index_cast %add3A_534 : i32 to index
        %get3A_536 = arith.constant 0 : index
        %get3A_537 = tpu.vector_load %arg9[%get3A_535, %get3A_536] {strides = array<i32>} : memref<1664x16xf32, #tpu.memory_space<vmem>>, vector<16xf32>,
        tpu.vector_store_idx %arg11[%add3A_120, %add3A_416], %get3A_537 : memref<52x1024xf32, #tpu.memory_space<vmem>>[vector<16xi32>, vector<16xi32>], vector<16xf32>,
        %add3A_538 = arith.constant 24 : i32
        %add3A_539 = arith.addi %mul3A_418, %add3A_538 : i32
        %get3A_540 = arith.index_cast %add3A_539 : i32 to index
        %get3A_541 = arith.constant 0 : index
        %get3A_542 = tpu.vector_load %arg9[%get3A_540, %get3A_541] {strides = array<i32>} : memref<1664x16xf32, #tpu.memory_space<vmem>>, vector<16xf32>,
        tpu.vector_store_idx %arg11[%add3A_123, %add3A_416], %get3A_542 : memref<52x1024xf32, #tpu.memory_space<vmem>>[vector<16xi32>, vector<16xi32>], vector<16xf32>,
        %add3A_543 = arith.constant 25 : i32
        %add3A_544 = arith.addi %mul3A_418, %add3A_543 : i32
        %get3A_545 = arith.index_cast %add3A_544 : i32 to index
        %get3A_546 = arith.constant 0 : index
        %get3A_547 = tpu.vector_load %arg9[%get3A_545, %get3A_546] {strides = array<i32>} : memref<1664x16xf32, #tpu.memory_space<vmem>>, vector<16xf32>,
        tpu.vector_store_idx %arg11[%add3A_126, %add3A_416], %get3A_547 : memref<52x1024xf32, #tpu.memory_space<vmem>>[vector<16xi32>, vector<16xi32>], vector<16xf32>,
      }
      %scan3A_378 = arith.constant 64 : i32
      %add3A_379 = arith.constant 1 : i32
      %add3A_380 = arith.addi %add3A_251, %add3A_379 : i32
      %lt3A_381 = arith.constant 4 : i32
      %lt3A_382 = arith.cmpi slt, %add3A_380, %lt3A_381 : i32
      %convert_element_type3A_383 = arith.extui %lt3A_382 : i1 to i32
      %cond3A_384 = arith.constant 0 : i32
      %cond3A_385 = arith.cmpi ne, %convert_element_type3A_383, %cond3A_384 : i32
      scf.if %cond3A_385 {
        %add3A_408 = arith.constant 3328 : i32
        %add3A_409 = arith.addi %add3A_254, %add3A_408 : i32
        "tpu.region"() ({
          %run_scoped3A = tpu.sem_alloc : memref<!tpu.dma_semaphore, #tpu.memory_space<semaphore_mem>>
          %dma_start3A_519 = tpu.memref_slice %arg2[%add3A_409] : memref<425984xi32, #tpu.memory_space<hbm>> -> memref<1664xi32, #tpu.memory_space<hbm>>
          %dma_start3A_520 = tpu.memref_slice %arg2[%add3A_409] : memref<425984xi32, #tpu.memory_space<hbm>> -> memref<1664xi32, #tpu.memory_space<hbm>>
          tpu.enqueue_dma source(%dma_start3A_520 : memref<1664xi32, #tpu.memory_space<hbm>>) target(%arg6 : memref<1664xi32, #tpu.memory_space<vmem>>) target_semaphore(%run_scoped3A : memref<!tpu.dma_semaphore, #tpu.memory_space<semaphore_mem>>)
          %dma_wait3A_521 = tpu.memref_slice %arg2[%add3A_409] : memref<425984xi32, #tpu.memory_space<hbm>> -> memref<1664xi32, #tpu.memory_space<hbm>>
          %dma_wait3A_522 = tpu.memref_slice %arg2[%add3A_409] : memref<425984xi32, #tpu.memory_space<hbm>> -> memref<1664xi32, #tpu.memory_space<hbm>>
          tpu.wait_dma2 semaphore(%run_scoped3A : memref<!tpu.dma_semaphore, #tpu.memory_space<semaphore_mem>>) src(%dma_wait3A_522 : memref<1664xi32, #tpu.memory_space<hbm>>) dst(%arg6 : memref<1664xi32, #tpu.memory_space<vmem>>)
          tpu.yield
        }) : () -> ()
        %scan3A_410 = arith.constant 0 : i32
        %scan3A_411 = arith.constant 104 : i32
        %scan3A_412 = arith.addi %scan3A_410, %scan3A_411 : i32
        %scan3A_413 = arith.constant 1 : i32
        scf.for %scan3A_519 = %scan3A_410 to %scan3A_412 step %scan3A_413  : i32 {
          %mul3A_520 = arith.constant 16 : i32
          %mul3A_521 = arith.muli %scan3A_519, %mul3A_520 : i32
          %add3A_522 = arith.constant 0 : i32
          %add3A_523 = arith.addi %add3A_522, %mul3A_521 : i32
          %get3A = arith.index_cast %add3A_523 : i32 to index
          %get3A_524 = tpu.vector_load %arg6[%get3A] {strides = array<i32>} : memref<1664xi32, #tpu.memory_space<vmem>>, vector<16xi32>,
          %get3A_525 = arith.index_cast %add3A_523 : i32 to index
          %get3A_526 = tpu.vector_load %arg8[%get3A_525] {strides = array<i32>} : memref<1664xi32, #tpu.memory_space<vmem>>, vector<16xi32>,
          %add3A_527 = arith.addi %get3A_524, %get3A_526 : vector<16xi32>
          %swap3A = arith.index_cast %add3A_523 : i32 to index
          %swap3A_528 = tpu.vector_load %arg6[%swap3A] {strides = array<i32>} : memref<1664xi32, #tpu.memory_space<vmem>>, vector<16xi32>,
          tpu.vector_store %arg6[%swap3A], %add3A_527 {strides = array<i32>} : memref<1664xi32, #tpu.memory_space<vmem>>, vector<16xi32>,
        }
        %scan3A_414 = arith.constant 104 : i32
        %dma_start3A_415 = arith.constant 0 : i32
        %dma_start3A_416 = arith.constant 0 : i32
        %dma_start3A_417 = tpu.memref_slice %arg9[%dma_start3A_415, %dma_start3A_416] : memref<1664x16xf32, #tpu.memory_space<vmem>> -> memref<128x16xf32, #tpu.memory_space<vmem>>
        %dma_start3A_418 = arith.constant 0 : i32
        %dma_start3A_419 = tpu.memref_slice %arg6[%dma_start3A_418] : memref<1664xi32, #tpu.memory_space<vmem>> -> memref<128xi32, #tpu.memory_space<vmem>>
        %dma_start3A_420 = arith.constant 0 : i32
        %dma_start3A_421 = arith.constant 0 : i32
        %dma_start3A_422 = tpu.memref_slice %arg4[%dma_start3A_420, %dma_start3A_421] : memref<1040000x16xf32, #tpu.memory_space<hbm>> -> memref<1040000x16xf32, #tpu.memory_space<hbm>>
        tpu.enqueue_indirect_dma source(%dma_start3A_422 : memref<1040000x16xf32, #tpu.memory_space<hbm>>) target(%dma_start3A_417 : memref<128x16xf32, #tpu.memory_space<vmem>>) offsets(%dma_start3A_419 : memref<128xi32, #tpu.memory_space<vmem>>) semaphore(%arg12 : memref<!tpu.dma_semaphore, #tpu.memory_space<semaphore_mem>>)
        %dma_start3A_423 = arith.constant 128 : i32
        %dma_start3A_424 = arith.constant 0 : i32
        %dma_start3A_425 = tpu.memref_slice %arg9[%dma_start3A_423, %dma_start3A_424] : memref<1664x16xf32, #tpu.memory_space<vmem>> -> memref<128x16xf32, #tpu.memory_space<vmem>>
        %dma_start3A_426 = arith.constant 128 : i32
        %dma_start3A_427 = tpu.memref_slice %arg6[%dma_start3A_426] : memref<1664xi32, #tpu.memory_space<vmem>> -> memref<128xi32, #tpu.memory_space<vmem>>
        %dma_start3A_428 = arith.constant 0 : i32
        %dma_start3A_429 = arith.constant 0 : i32
        %dma_start3A_430 = tpu.memref_slice %arg4[%dma_start3A_428, %dma_start3A_429] : memref<1040000x16xf32, #tpu.memory_space<hbm>> -> memref<1040000x16xf32, #tpu.memory_space<hbm>>
        tpu.enqueue_indirect_dma source(%dma_start3A_430 : memref<1040000x16xf32, #tpu.memory_space<hbm>>) target(%dma_start3A_425 : memref<128x16xf32, #tpu.memory_space<vmem>>) offsets(%dma_start3A_427 : memref<128xi32, #tpu.memory_space<vmem>>) semaphore(%arg12 : memref<!tpu.dma_semaphore, #tpu.memory_space<semaphore_mem>>)
        %dma_start3A_431 = arith.constant 256 : i32
        %dma_start3A_432 = arith.constant 0 : i32
        %dma_start3A_433 = tpu.memref_slice %arg9[%dma_start3A_431, %dma_start3A_432] : memref<1664x16xf32, #tpu.memory_space<vmem>> -> memref<128x16xf32, #tpu.memory_space<vmem>>
        %dma_start3A_434 = arith.constant 256 : i32
        %dma_start3A_435 = tpu.memref_slice %arg6[%dma_start3A_434] : memref<1664xi32, #tpu.memory_space<vmem>> -> memref<128xi32, #tpu.memory_space<vmem>>
        %dma_start3A_436 = arith.constant 0 : i32
        %dma_start3A_437 = arith.constant 0 : i32
        %dma_start3A_438 = tpu.memref_slice %arg4[%dma_start3A_436, %dma_start3A_437] : memref<1040000x16xf32, #tpu.memory_space<hbm>> -> memref<1040000x16xf32, #tpu.memory_space<hbm>>
        tpu.enqueue_indirect_dma source(%dma_start3A_438 : memref<1040000x16xf32, #tpu.memory_space<hbm>>) target(%dma_start3A_433 : memref<128x16xf32, #tpu.memory_space<vmem>>) offsets(%dma_start3A_435 : memref<128xi32, #tpu.memory_space<vmem>>) semaphore(%arg12 : memref<!tpu.dma_semaphore, #tpu.memory_space<semaphore_mem>>)
        %dma_start3A_439 = arith.constant 384 : i32
        %dma_start3A_440 = arith.constant 0 : i32
        %dma_start3A_441 = tpu.memref_slice %arg9[%dma_start3A_439, %dma_start3A_440] : memref<1664x16xf32, #tpu.memory_space<vmem>> -> memref<128x16xf32, #tpu.memory_space<vmem>>
        %dma_start3A_442 = arith.constant 384 : i32
        %dma_start3A_443 = tpu.memref_slice %arg6[%dma_start3A_442] : memref<1664xi32, #tpu.memory_space<vmem>> -> memref<128xi32, #tpu.memory_space<vmem>>
        %dma_start3A_444 = arith.constant 0 : i32
        %dma_start3A_445 = arith.constant 0 : i32
        %dma_start3A_446 = tpu.memref_slice %arg4[%dma_start3A_444, %dma_start3A_445] : memref<1040000x16xf32, #tpu.memory_space<hbm>> -> memref<1040000x16xf32, #tpu.memory_space<hbm>>
        tpu.enqueue_indirect_dma source(%dma_start3A_446 : memref<1040000x16xf32, #tpu.memory_space<hbm>>) target(%dma_start3A_441 : memref<128x16xf32, #tpu.memory_space<vmem>>) offsets(%dma_start3A_443 : memref<128xi32, #tpu.memory_space<vmem>>) semaphore(%arg12 : memref<!tpu.dma_semaphore, #tpu.memory_space<semaphore_mem>>)
        %dma_start3A_447 = arith.constant 512 : i32
        %dma_start3A_448 = arith.constant 0 : i32
        %dma_start3A_449 = tpu.memref_slice %arg9[%dma_start3A_447, %dma_start3A_448] : memref<1664x16xf32, #tpu.memory_space<vmem>> -> memref<128x16xf32, #tpu.memory_space<vmem>>
        %dma_start3A_450 = arith.constant 512 : i32
        %dma_start3A_451 = tpu.memref_slice %arg6[%dma_start3A_450] : memref<1664xi32, #tpu.memory_space<vmem>> -> memref<128xi32, #tpu.memory_space<vmem>>
        %dma_start3A_452 = arith.constant 0 : i32
        %dma_start3A_453 = arith.constant 0 : i32
        %dma_start3A_454 = tpu.memref_slice %arg4[%dma_start3A_452, %dma_start3A_453] : memref<1040000x16xf32, #tpu.memory_space<hbm>> -> memref<1040000x16xf32, #tpu.memory_space<hbm>>
        tpu.enqueue_indirect_dma source(%dma_start3A_454 : memref<1040000x16xf32, #tpu.memory_space<hbm>>) target(%dma_start3A_449 : memref<128x16xf32, #tpu.memory_space<vmem>>) offsets(%dma_start3A_451 : memref<128xi32, #tpu.memory_space<vmem>>) semaphore(%arg12 : memref<!tpu.dma_semaphore, #tpu.memory_space<semaphore_mem>>)
        %dma_start3A_455 = arith.constant 640 : i32
        %dma_start3A_456 = arith.constant 0 : i32
        %dma_start3A_457 = tpu.memref_slice %arg9[%dma_start3A_455, %dma_start3A_456] : memref<1664x16xf32, #tpu.memory_space<vmem>> -> memref<128x16xf32, #tpu.memory_space<vmem>>
        %dma_start3A_458 = arith.constant 640 : i32
        %dma_start3A_459 = tpu.memref_slice %arg6[%dma_start3A_458] : memref<1664xi32, #tpu.memory_space<vmem>> -> memref<128xi32, #tpu.memory_space<vmem>>
        %dma_start3A_460 = arith.constant 0 : i32
        %dma_start3A_461 = arith.constant 0 : i32
        %dma_start3A_462 = tpu.memref_slice %arg4[%dma_start3A_460, %dma_start3A_461] : memref<1040000x16xf32, #tpu.memory_space<hbm>> -> memref<1040000x16xf32, #tpu.memory_space<hbm>>
        tpu.enqueue_indirect_dma source(%dma_start3A_462 : memref<1040000x16xf32, #tpu.memory_space<hbm>>) target(%dma_start3A_457 : memref<128x16xf32, #tpu.memory_space<vmem>>) offsets(%dma_start3A_459 : memref<128xi32, #tpu.memory_space<vmem>>) semaphore(%arg12 : memref<!tpu.dma_semaphore, #tpu.memory_space<semaphore_mem>>)
        %dma_start3A_463 = arith.constant 768 : i32
        %dma_start3A_464 = arith.constant 0 : i32
        %dma_start3A_465 = tpu.memref_slice %arg9[%dma_start3A_463, %dma_start3A_464] : memref<1664x16xf32, #tpu.memory_space<vmem>> -> memref<128x16xf32, #tpu.memory_space<vmem>>
        %dma_start3A_466 = arith.constant 768 : i32
        %dma_start3A_467 = tpu.memref_slice %arg6[%dma_start3A_466] : memref<1664xi32, #tpu.memory_space<vmem>> -> memref<128xi32, #tpu.memory_space<vmem>>
        %dma_start3A_468 = arith.constant 0 : i32
        %dma_start3A_469 = arith.constant 0 : i32
        %dma_start3A_470 = tpu.memref_slice %arg4[%dma_start3A_468, %dma_start3A_469] : memref<1040000x16xf32, #tpu.memory_space<hbm>> -> memref<1040000x16xf32, #tpu.memory_space<hbm>>
        tpu.enqueue_indirect_dma source(%dma_start3A_470 : memref<1040000x16xf32, #tpu.memory_space<hbm>>) target(%dma_start3A_465 : memref<128x16xf32, #tpu.memory_space<vmem>>) offsets(%dma_start3A_467 : memref<128xi32, #tpu.memory_space<vmem>>) semaphore(%arg12 : memref<!tpu.dma_semaphore, #tpu.memory_space<semaphore_mem>>)
        %dma_start3A_471 = arith.constant 896 : i32
        %dma_start3A_472 = arith.constant 0 : i32
        %dma_start3A_473 = tpu.memref_slice %arg9[%dma_start3A_471, %dma_start3A_472] : memref<1664x16xf32, #tpu.memory_space<vmem>> -> memref<128x16xf32, #tpu.memory_space<vmem>>
        %dma_start3A_474 = arith.constant 896 : i32
        %dma_start3A_475 = tpu.memref_slice %arg6[%dma_start3A_474] : memref<1664xi32, #tpu.memory_space<vmem>> -> memref<128xi32, #tpu.memory_space<vmem>>
        %dma_start3A_476 = arith.constant 0 : i32
        %dma_start3A_477 = arith.constant 0 : i32
        %dma_start3A_478 = tpu.memref_slice %arg4[%dma_start3A_476, %dma_start3A_477] : memref<1040000x16xf32, #tpu.memory_space<hbm>> -> memref<1040000x16xf32, #tpu.memory_space<hbm>>
        tpu.enqueue_indirect_dma source(%dma_start3A_478 : memref<1040000x16xf32, #tpu.memory_space<hbm>>) target(%dma_start3A_473 : memref<128x16xf32, #tpu.memory_space<vmem>>) offsets(%dma_start3A_475 : memref<128xi32, #tpu.memory_space<vmem>>) semaphore(%arg12 : memref<!tpu.dma_semaphore, #tpu.memory_space<semaphore_mem>>)
        %dma_start3A_479 = arith.constant 1024 : i32
        %dma_start3A_480 = arith.constant 0 : i32
        %dma_start3A_481 = tpu.memref_slice %arg9[%dma_start3A_479, %dma_start3A_480] : memref<1664x16xf32, #tpu.memory_space<vmem>> -> memref<128x16xf32, #tpu.memory_space<vmem>>
        %dma_start3A_482 = arith.constant 1024 : i32
        %dma_start3A_483 = tpu.memref_slice %arg6[%dma_start3A_482] : memref<1664xi32, #tpu.memory_space<vmem>> -> memref<128xi32, #tpu.memory_space<vmem>>
        %dma_start3A_484 = arith.constant 0 : i32
        %dma_start3A_485 = arith.constant 0 : i32
        %dma_start3A_486 = tpu.memref_slice %arg4[%dma_start3A_484, %dma_start3A_485] : memref<1040000x16xf32, #tpu.memory_space<hbm>> -> memref<1040000x16xf32, #tpu.memory_space<hbm>>
        tpu.enqueue_indirect_dma source(%dma_start3A_486 : memref<1040000x16xf32, #tpu.memory_space<hbm>>) target(%dma_start3A_481 : memref<128x16xf32, #tpu.memory_space<vmem>>) offsets(%dma_start3A_483 : memref<128xi32, #tpu.memory_space<vmem>>) semaphore(%arg12 : memref<!tpu.dma_semaphore, #tpu.memory_space<semaphore_mem>>)
        %dma_start3A_487 = arith.constant 1152 : i32
        %dma_start3A_488 = arith.constant 0 : i32
        %dma_start3A_489 = tpu.memref_slice %arg9[%dma_start3A_487, %dma_start3A_488] : memref<1664x16xf32, #tpu.memory_space<vmem>> -> memref<128x16xf32, #tpu.memory_space<vmem>>
        %dma_start3A_490 = arith.constant 1152 : i32
        %dma_start3A_491 = tpu.memref_slice %arg6[%dma_start3A_490] : memref<1664xi32, #tpu.memory_space<vmem>> -> memref<128xi32, #tpu.memory_space<vmem>>
        %dma_start3A_492 = arith.constant 0 : i32
        %dma_start3A_493 = arith.constant 0 : i32
        %dma_start3A_494 = tpu.memref_slice %arg4[%dma_start3A_492, %dma_start3A_493] : memref<1040000x16xf32, #tpu.memory_space<hbm>> -> memref<1040000x16xf32, #tpu.memory_space<hbm>>
        tpu.enqueue_indirect_dma source(%dma_start3A_494 : memref<1040000x16xf32, #tpu.memory_space<hbm>>) target(%dma_start3A_489 : memref<128x16xf32, #tpu.memory_space<vmem>>) offsets(%dma_start3A_491 : memref<128xi32, #tpu.memory_space<vmem>>) semaphore(%arg12 : memref<!tpu.dma_semaphore, #tpu.memory_space<semaphore_mem>>)
        %dma_start3A_495 = arith.constant 1280 : i32
        %dma_start3A_496 = arith.constant 0 : i32
        %dma_start3A_497 = tpu.memref_slice %arg9[%dma_start3A_495, %dma_start3A_496] : memref<1664x16xf32, #tpu.memory_space<vmem>> -> memref<128x16xf32, #tpu.memory_space<vmem>>
        %dma_start3A_498 = arith.constant 1280 : i32
        %dma_start3A_499 = tpu.memref_slice %arg6[%dma_start3A_498] : memref<1664xi32, #tpu.memory_space<vmem>> -> memref<128xi32, #tpu.memory_space<vmem>>
        %dma_start3A_500 = arith.constant 0 : i32
        %dma_start3A_501 = arith.constant 0 : i32
        %dma_start3A_502 = tpu.memref_slice %arg4[%dma_start3A_500, %dma_start3A_501] : memref<1040000x16xf32, #tpu.memory_space<hbm>> -> memref<1040000x16xf32, #tpu.memory_space<hbm>>
        tpu.enqueue_indirect_dma source(%dma_start3A_502 : memref<1040000x16xf32, #tpu.memory_space<hbm>>) target(%dma_start3A_497 : memref<128x16xf32, #tpu.memory_space<vmem>>) offsets(%dma_start3A_499 : memref<128xi32, #tpu.memory_space<vmem>>) semaphore(%arg12 : memref<!tpu.dma_semaphore, #tpu.memory_space<semaphore_mem>>)
        %dma_start3A_503 = arith.constant 1408 : i32
        %dma_start3A_504 = arith.constant 0 : i32
        %dma_start3A_505 = tpu.memref_slice %arg9[%dma_start3A_503, %dma_start3A_504] : memref<1664x16xf32, #tpu.memory_space<vmem>> -> memref<128x16xf32, #tpu.memory_space<vmem>>
        %dma_start3A_506 = arith.constant 1408 : i32
        %dma_start3A_507 = tpu.memref_slice %arg6[%dma_start3A_506] : memref<1664xi32, #tpu.memory_space<vmem>> -> memref<128xi32, #tpu.memory_space<vmem>>
        %dma_start3A_508 = arith.constant 0 : i32
        %dma_start3A_509 = arith.constant 0 : i32
        %dma_start3A_510 = tpu.memref_slice %arg4[%dma_start3A_508, %dma_start3A_509] : memref<1040000x16xf32, #tpu.memory_space<hbm>> -> memref<1040000x16xf32, #tpu.memory_space<hbm>>
        tpu.enqueue_indirect_dma source(%dma_start3A_510 : memref<1040000x16xf32, #tpu.memory_space<hbm>>) target(%dma_start3A_505 : memref<128x16xf32, #tpu.memory_space<vmem>>) offsets(%dma_start3A_507 : memref<128xi32, #tpu.memory_space<vmem>>) semaphore(%arg12 : memref<!tpu.dma_semaphore, #tpu.memory_space<semaphore_mem>>)
        %dma_start3A_511 = arith.constant 1536 : i32
        %dma_start3A_512 = arith.constant 0 : i32
        %dma_start3A_513 = tpu.memref_slice %arg9[%dma_start3A_511, %dma_start3A_512] : memref<1664x16xf32, #tpu.memory_space<vmem>> -> memref<128x16xf32, #tpu.memory_space<vmem>>
        %dma_start3A_514 = arith.constant 1536 : i32
        %dma_start3A_515 = tpu.memref_slice %arg6[%dma_start3A_514] : memref<1664xi32, #tpu.memory_space<vmem>> -> memref<128xi32, #tpu.memory_space<vmem>>
        %dma_start3A_516 = arith.constant 0 : i32
        %dma_start3A_517 = arith.constant 0 : i32
        %dma_start3A_518 = tpu.memref_slice %arg4[%dma_start3A_516, %dma_start3A_517] : memref<1040000x16xf32, #tpu.memory_space<hbm>> -> memref<1040000x16xf32, #tpu.memory_space<hbm>>
        tpu.enqueue_indirect_dma source(%dma_start3A_518 : memref<1040000x16xf32, #tpu.memory_space<hbm>>) target(%dma_start3A_513 : memref<128x16xf32, #tpu.memory_space<vmem>>) offsets(%dma_start3A_515 : memref<128xi32, #tpu.memory_space<vmem>>) semaphore(%arg12 : memref<!tpu.dma_semaphore, #tpu.memory_space<semaphore_mem>>)
      } else {
      }
      %dma_wait3A_386 = arith.constant 0 : i32
      %dma_wait3A_387 = arith.constant 0 : i32
      %dma_wait3A_388 = tpu.memref_slice %arg4[%dma_wait3A_386, %dma_wait3A_387] : memref<1040000x16xf32, #tpu.memory_space<hbm>> -> memref<1664x16xf32, #tpu.memory_space<hbm>>
      %dma_wait3A_389 = arith.constant 0 : i32
      %dma_wait3A_390 = arith.constant 0 : i32
      %dma_wait3A_391 = tpu.memref_slice %arg4[%dma_wait3A_389, %dma_wait3A_390] : memref<1040000x16xf32, #tpu.memory_space<hbm>> -> memref<1664x16xf32, #tpu.memory_space<hbm>>
      tpu.wait_dma2 semaphore(%arg12 : memref<!tpu.dma_semaphore, #tpu.memory_space<semaphore_mem>>) src(%dma_wait3A_391 : memref<1664x16xf32, #tpu.memory_space<hbm>>) dst(%arg10 : memref<1664x16xf32, #tpu.memory_space<vmem>>)
      %scan3A_392 = arith.constant 0 : i32
      %scan3A_393 = arith.constant 64 : i32
      %scan3A_394 = arith.addi %scan3A_392, %scan3A_393 : i32
      %scan3A_395 = arith.constant 1 : i32
      scf.for %scan3A_408 = %scan3A_392 to %scan3A_394 step %scan3A_395  : i32 {
        %mul3A_409 = arith.constant 1 : i32
        %mul3A_410 = arith.muli %scan3A_408, %mul3A_409 : i32
        %add3A_411 = arith.constant 0 : i32
        %add3A_412 = arith.addi %add3A_411, %mul3A_410 : i32
        %add3A_413 = arith.constant 64 : i32
        %add3A_414 = arith.addi %add3A_413, %add3A_412 : i32
        %add3A_415 = vector.broadcast %add3A_414 : i32 to vector<16xi32>
        %add3A_416 = arith.addi %mul3A_48, %add3A_415 : vector<16xi32>
        %mul3A_417 = arith.constant 26 : i32
        %mul3A_418 = arith.muli %add3A_412, %mul3A_417 : i32
        %add3A_419 = arith.constant 0 : i32
        %add3A_420 = arith.addi %mul3A_418, %add3A_419 : i32
        %get3A = arith.index_cast %add3A_420 : i32 to index
        %get3A_421 = arith.constant 0 : index
        %get3A_422 = tpu.vector_load %arg10[%get3A, %get3A_421] {strides = array<i32>} : memref<1664x16xf32, #tpu.memory_space<vmem>>, vector<16xf32>,
        tpu.vector_store_idx %arg11[%add3A_51, %add3A_416], %get3A_422 : memref<52x1024xf32, #tpu.memory_space<vmem>>[vector<16xi32>, vector<16xi32>], vector<16xf32>,
        %add3A_423 = arith.constant 1 : i32
        %add3A_424 = arith.addi %mul3A_418, %add3A_423 : i32
        %get3A_425 = arith.index_cast %add3A_424 : i32 to index
        %get3A_426 = arith.constant 0 : index
        %get3A_427 = tpu.vector_load %arg10[%get3A_425, %get3A_426] {strides = array<i32>} : memref<1664x16xf32, #tpu.memory_space<vmem>>, vector<16xf32>,
        tpu.vector_store_idx %arg11[%add3A_54, %add3A_416], %get3A_427 : memref<52x1024xf32, #tpu.memory_space<vmem>>[vector<16xi32>, vector<16xi32>], vector<16xf32>,
        %add3A_428 = arith.constant 2 : i32
        %add3A_429 = arith.addi %mul3A_418, %add3A_428 : i32
        %get3A_430 = arith.index_cast %add3A_429 : i32 to index
        %get3A_431 = arith.constant 0 : index
        %get3A_432 = tpu.vector_load %arg10[%get3A_430, %get3A_431] {strides = array<i32>} : memref<1664x16xf32, #tpu.memory_space<vmem>>, vector<16xf32>,
        tpu.vector_store_idx %arg11[%add3A_57, %add3A_416], %get3A_432 : memref<52x1024xf32, #tpu.memory_space<vmem>>[vector<16xi32>, vector<16xi32>], vector<16xf32>,
        %add3A_433 = arith.constant 3 : i32
        %add3A_434 = arith.addi %mul3A_418, %add3A_433 : i32
        %get3A_435 = arith.index_cast %add3A_434 : i32 to index
        %get3A_436 = arith.constant 0 : index
        %get3A_437 = tpu.vector_load %arg10[%get3A_435, %get3A_436] {strides = array<i32>} : memref<1664x16xf32, #tpu.memory_space<vmem>>, vector<16xf32>,
        tpu.vector_store_idx %arg11[%add3A_60, %add3A_416], %get3A_437 : memref<52x1024xf32, #tpu.memory_space<vmem>>[vector<16xi32>, vector<16xi32>], vector<16xf32>,
        %add3A_438 = arith.constant 4 : i32
        %add3A_439 = arith.addi %mul3A_418, %add3A_438 : i32
        %get3A_440 = arith.index_cast %add3A_439 : i32 to index
        %get3A_441 = arith.constant 0 : index
        %get3A_442 = tpu.vector_load %arg10[%get3A_440, %get3A_441] {strides = array<i32>} : memref<1664x16xf32, #tpu.memory_space<vmem>>, vector<16xf32>,
        tpu.vector_store_idx %arg11[%add3A_63, %add3A_416], %get3A_442 : memref<52x1024xf32, #tpu.memory_space<vmem>>[vector<16xi32>, vector<16xi32>], vector<16xf32>,
        %add3A_443 = arith.constant 5 : i32
        %add3A_444 = arith.addi %mul3A_418, %add3A_443 : i32
        %get3A_445 = arith.index_cast %add3A_444 : i32 to index
        %get3A_446 = arith.constant 0 : index
        %get3A_447 = tpu.vector_load %arg10[%get3A_445, %get3A_446] {strides = array<i32>} : memref<1664x16xf32, #tpu.memory_space<vmem>>, vector<16xf32>,
        tpu.vector_store_idx %arg11[%add3A_66, %add3A_416], %get3A_447 : memref<52x1024xf32, #tpu.memory_space<vmem>>[vector<16xi32>, vector<16xi32>], vector<16xf32>,
        %add3A_448 = arith.constant 6 : i32
        %add3A_449 = arith.addi %mul3A_418, %add3A_448 : i32
        %get3A_450 = arith.index_cast %add3A_449 : i32 to index
        %get3A_451 = arith.constant 0 : index
        %get3A_452 = tpu.vector_load %arg10[%get3A_450, %get3A_451] {strides = array<i32>} : memref<1664x16xf32, #tpu.memory_space<vmem>>, vector<16xf32>,
        tpu.vector_store_idx %arg11[%add3A_69, %add3A_416], %get3A_452 : memref<52x1024xf32, #tpu.memory_space<vmem>>[vector<16xi32>, vector<16xi32>], vector<16xf32>,
        %add3A_453 = arith.constant 7 : i32
        %add3A_454 = arith.addi %mul3A_418, %add3A_453 : i32
        %get3A_455 = arith.index_cast %add3A_454 : i32 to index
        %get3A_456 = arith.constant 0 : index
        %get3A_457 = tpu.vector_load %arg10[%get3A_455, %get3A_456] {strides = array<i32>} : memref<1664x16xf32, #tpu.memory_space<vmem>>, vector<16xf32>,
        tpu.vector_store_idx %arg11[%add3A_72, %add3A_416], %get3A_457 : memref<52x1024xf32, #tpu.memory_space<vmem>>[vector<16xi32>, vector<16xi32>], vector<16xf32>,
        %add3A_458 = arith.constant 8 : i32
        %add3A_459 = arith.addi %mul3A_418, %add3A_458 : i32
        %get3A_460 = arith.index_cast %add3A_459 : i32 to index
        %get3A_461 = arith.constant 0 : index
        %get3A_462 = tpu.vector_load %arg10[%get3A_460, %get3A_461] {strides = array<i32>} : memref<1664x16xf32, #tpu.memory_space<vmem>>, vector<16xf32>,
        tpu.vector_store_idx %arg11[%add3A_75, %add3A_416], %get3A_462 : memref<52x1024xf32, #tpu.memory_space<vmem>>[vector<16xi32>, vector<16xi32>], vector<16xf32>,
        %add3A_463 = arith.constant 9 : i32
        %add3A_464 = arith.addi %mul3A_418, %add3A_463 : i32
        %get3A_465 = arith.index_cast %add3A_464 : i32 to index
        %get3A_466 = arith.constant 0 : index
        %get3A_467 = tpu.vector_load %arg10[%get3A_465, %get3A_466] {strides = array<i32>} : memref<1664x16xf32, #tpu.memory_space<vmem>>, vector<16xf32>,
        tpu.vector_store_idx %arg11[%add3A_78, %add3A_416], %get3A_467 : memref<52x1024xf32, #tpu.memory_space<vmem>>[vector<16xi32>, vector<16xi32>], vector<16xf32>,
        %add3A_468 = arith.constant 10 : i32
        %add3A_469 = arith.addi %mul3A_418, %add3A_468 : i32
        %get3A_470 = arith.index_cast %add3A_469 : i32 to index
        %get3A_471 = arith.constant 0 : index
        %get3A_472 = tpu.vector_load %arg10[%get3A_470, %get3A_471] {strides = array<i32>} : memref<1664x16xf32, #tpu.memory_space<vmem>>, vector<16xf32>,
        tpu.vector_store_idx %arg11[%add3A_81, %add3A_416], %get3A_472 : memref<52x1024xf32, #tpu.memory_space<vmem>>[vector<16xi32>, vector<16xi32>], vector<16xf32>,
        %add3A_473 = arith.constant 11 : i32
        %add3A_474 = arith.addi %mul3A_418, %add3A_473 : i32
        %get3A_475 = arith.index_cast %add3A_474 : i32 to index
        %get3A_476 = arith.constant 0 : index
        %get3A_477 = tpu.vector_load %arg10[%get3A_475, %get3A_476] {strides = array<i32>} : memref<1664x16xf32, #tpu.memory_space<vmem>>, vector<16xf32>,
        tpu.vector_store_idx %arg11[%add3A_84, %add3A_416], %get3A_477 : memref<52x1024xf32, #tpu.memory_space<vmem>>[vector<16xi32>, vector<16xi32>], vector<16xf32>,
        %add3A_478 = arith.constant 12 : i32
        %add3A_479 = arith.addi %mul3A_418, %add3A_478 : i32
        %get3A_480 = arith.index_cast %add3A_479 : i32 to index
        %get3A_481 = arith.constant 0 : index
        %get3A_482 = tpu.vector_load %arg10[%get3A_480, %get3A_481] {strides = array<i32>} : memref<1664x16xf32, #tpu.memory_space<vmem>>, vector<16xf32>,
        tpu.vector_store_idx %arg11[%add3A_87, %add3A_416], %get3A_482 : memref<52x1024xf32, #tpu.memory_space<vmem>>[vector<16xi32>, vector<16xi32>], vector<16xf32>,
        %add3A_483 = arith.constant 13 : i32
        %add3A_484 = arith.addi %mul3A_418, %add3A_483 : i32
        %get3A_485 = arith.index_cast %add3A_484 : i32 to index
        %get3A_486 = arith.constant 0 : index
        %get3A_487 = tpu.vector_load %arg10[%get3A_485, %get3A_486] {strides = array<i32>} : memref<1664x16xf32, #tpu.memory_space<vmem>>, vector<16xf32>,
        tpu.vector_store_idx %arg11[%add3A_90, %add3A_416], %get3A_487 : memref<52x1024xf32, #tpu.memory_space<vmem>>[vector<16xi32>, vector<16xi32>], vector<16xf32>,
        %add3A_488 = arith.constant 14 : i32
        %add3A_489 = arith.addi %mul3A_418, %add3A_488 : i32
        %get3A_490 = arith.index_cast %add3A_489 : i32 to index
        %get3A_491 = arith.constant 0 : index
        %get3A_492 = tpu.vector_load %arg10[%get3A_490, %get3A_491] {strides = array<i32>} : memref<1664x16xf32, #tpu.memory_space<vmem>>, vector<16xf32>,
        tpu.vector_store_idx %arg11[%add3A_93, %add3A_416], %get3A_492 : memref<52x1024xf32, #tpu.memory_space<vmem>>[vector<16xi32>, vector<16xi32>], vector<16xf32>,
        %add3A_493 = arith.constant 15 : i32
        %add3A_494 = arith.addi %mul3A_418, %add3A_493 : i32
        %get3A_495 = arith.index_cast %add3A_494 : i32 to index
        %get3A_496 = arith.constant 0 : index
        %get3A_497 = tpu.vector_load %arg10[%get3A_495, %get3A_496] {strides = array<i32>} : memref<1664x16xf32, #tpu.memory_space<vmem>>, vector<16xf32>,
        tpu.vector_store_idx %arg11[%add3A_96, %add3A_416], %get3A_497 : memref<52x1024xf32, #tpu.memory_space<vmem>>[vector<16xi32>, vector<16xi32>], vector<16xf32>,
        %add3A_498 = arith.constant 16 : i32
        %add3A_499 = arith.addi %mul3A_418, %add3A_498 : i32
        %get3A_500 = arith.index_cast %add3A_499 : i32 to index
        %get3A_501 = arith.constant 0 : index
        %get3A_502 = tpu.vector_load %arg10[%get3A_500, %get3A_501] {strides = array<i32>} : memref<1664x16xf32, #tpu.memory_space<vmem>>, vector<16xf32>,
        tpu.vector_store_idx %arg11[%add3A_99, %add3A_416], %get3A_502 : memref<52x1024xf32, #tpu.memory_space<vmem>>[vector<16xi32>, vector<16xi32>], vector<16xf32>,
        %add3A_503 = arith.constant 17 : i32
        %add3A_504 = arith.addi %mul3A_418, %add3A_503 : i32
        %get3A_505 = arith.index_cast %add3A_504 : i32 to index
        %get3A_506 = arith.constant 0 : index
        %get3A_507 = tpu.vector_load %arg10[%get3A_505, %get3A_506] {strides = array<i32>} : memref<1664x16xf32, #tpu.memory_space<vmem>>, vector<16xf32>,
        tpu.vector_store_idx %arg11[%add3A_102, %add3A_416], %get3A_507 : memref<52x1024xf32, #tpu.memory_space<vmem>>[vector<16xi32>, vector<16xi32>], vector<16xf32>,
        %add3A_508 = arith.constant 18 : i32
        %add3A_509 = arith.addi %mul3A_418, %add3A_508 : i32
        %get3A_510 = arith.index_cast %add3A_509 : i32 to index
        %get3A_511 = arith.constant 0 : index
        %get3A_512 = tpu.vector_load %arg10[%get3A_510, %get3A_511] {strides = array<i32>} : memref<1664x16xf32, #tpu.memory_space<vmem>>, vector<16xf32>,
        tpu.vector_store_idx %arg11[%add3A_105, %add3A_416], %get3A_512 : memref<52x1024xf32, #tpu.memory_space<vmem>>[vector<16xi32>, vector<16xi32>], vector<16xf32>,
        %add3A_513 = arith.constant 19 : i32
        %add3A_514 = arith.addi %mul3A_418, %add3A_513 : i32
        %get3A_515 = arith.index_cast %add3A_514 : i32 to index
        %get3A_516 = arith.constant 0 : index
        %get3A_517 = tpu.vector_load %arg10[%get3A_515, %get3A_516] {strides = array<i32>} : memref<1664x16xf32, #tpu.memory_space<vmem>>, vector<16xf32>,
        tpu.vector_store_idx %arg11[%add3A_108, %add3A_416], %get3A_517 : memref<52x1024xf32, #tpu.memory_space<vmem>>[vector<16xi32>, vector<16xi32>], vector<16xf32>,
        %add3A_518 = arith.constant 20 : i32
        %add3A_519 = arith.addi %mul3A_418, %add3A_518 : i32
        %get3A_520 = arith.index_cast %add3A_519 : i32 to index
        %get3A_521 = arith.constant 0 : index
        %get3A_522 = tpu.vector_load %arg10[%get3A_520, %get3A_521] {strides = array<i32>} : memref<1664x16xf32, #tpu.memory_space<vmem>>, vector<16xf32>,
        tpu.vector_store_idx %arg11[%add3A_111, %add3A_416], %get3A_522 : memref<52x1024xf32, #tpu.memory_space<vmem>>[vector<16xi32>, vector<16xi32>], vector<16xf32>,
        %add3A_523 = arith.constant 21 : i32
        %add3A_524 = arith.addi %mul3A_418, %add3A_523 : i32
        %get3A_525 = arith.index_cast %add3A_524 : i32 to index
        %get3A_526 = arith.constant 0 : index
        %get3A_527 = tpu.vector_load %arg10[%get3A_525, %get3A_526] {strides = array<i32>} : memref<1664x16xf32, #tpu.memory_space<vmem>>, vector<16xf32>,
        tpu.vector_store_idx %arg11[%add3A_114, %add3A_416], %get3A_527 : memref<52x1024xf32, #tpu.memory_space<vmem>>[vector<16xi32>, vector<16xi32>], vector<16xf32>,
        %add3A_528 = arith.constant 22 : i32
        %add3A_529 = arith.addi %mul3A_418, %add3A_528 : i32
        %get3A_530 = arith.index_cast %add3A_529 : i32 to index
        %get3A_531 = arith.constant 0 : index
        %get3A_532 = tpu.vector_load %arg10[%get3A_530, %get3A_531] {strides = array<i32>} : memref<1664x16xf32, #tpu.memory_space<vmem>>, vector<16xf32>,
        tpu.vector_store_idx %arg11[%add3A_117, %add3A_416], %get3A_532 : memref<52x1024xf32, #tpu.memory_space<vmem>>[vector<16xi32>, vector<16xi32>], vector<16xf32>,
        %add3A_533 = arith.constant 23 : i32
        %add3A_534 = arith.addi %mul3A_418, %add3A_533 : i32
        %get3A_535 = arith.index_cast %add3A_534 : i32 to index
        %get3A_536 = arith.constant 0 : index
        %get3A_537 = tpu.vector_load %arg10[%get3A_535, %get3A_536] {strides = array<i32>} : memref<1664x16xf32, #tpu.memory_space<vmem>>, vector<16xf32>,
        tpu.vector_store_idx %arg11[%add3A_120, %add3A_416], %get3A_537 : memref<52x1024xf32, #tpu.memory_space<vmem>>[vector<16xi32>, vector<16xi32>], vector<16xf32>,
        %add3A_538 = arith.constant 24 : i32
        %add3A_539 = arith.addi %mul3A_418, %add3A_538 : i32
        %get3A_540 = arith.index_cast %add3A_539 : i32 to index
        %get3A_541 = arith.constant 0 : index
        %get3A_542 = tpu.vector_load %arg10[%get3A_540, %get3A_541] {strides = array<i32>} : memref<1664x16xf32, #tpu.memory_space<vmem>>, vector<16xf32>,
        tpu.vector_store_idx %arg11[%add3A_123, %add3A_416], %get3A_542 : memref<52x1024xf32, #tpu.memory_space<vmem>>[vector<16xi32>, vector<16xi32>], vector<16xf32>,
        %add3A_543 = arith.constant 25 : i32
        %add3A_544 = arith.addi %mul3A_418, %add3A_543 : i32
        %get3A_545 = arith.index_cast %add3A_544 : i32 to index
        %get3A_546 = arith.constant 0 : index
        %get3A_547 = tpu.vector_load %arg10[%get3A_545, %get3A_546] {strides = array<i32>} : memref<1664x16xf32, #tpu.memory_space<vmem>>, vector<16xf32>,
        tpu.vector_store_idx %arg11[%add3A_126, %add3A_416], %get3A_547 : memref<52x1024xf32, #tpu.memory_space<vmem>>[vector<16xi32>, vector<16xi32>], vector<16xf32>,
      }
      %scan3A_396 = arith.constant 64 : i32
      %mul3A_397 = arith.constant 4 : i32
      %mul3A_398 = arith.muli %add3A, %mul3A_397 : i32
      %add3A_399 = arith.addi %mul3A_398, %add3A_251 : i32
      %dma_start3A_400 = arith.constant 0 : i32
      %dma_start3A_401 = arith.constant 0 : i32
      %dma_start3A_402 = tpu.memref_slice %arg5[%dma_start3A_400, %add3A_399, %dma_start3A_401] : memref<52x128x1024xf32, #tpu.memory_space<hbm>> -> memref<52x1x1024xf32, #tpu.memory_space<hbm>>
      %dma_start3A_403 = tpu.memref_squeeze %dma_start3A_402 : memref<52x1x1024xf32, #tpu.memory_space<hbm>> -> memref<52x1024xf32, #tpu.memory_space<hbm>>
      %dma_start3A_404 = arith.constant 0 : i32
      %dma_start3A_405 = arith.constant 0 : i32
      %dma_start3A_406 = tpu.memref_slice %arg5[%dma_start3A_404, %add3A_399, %dma_start3A_405] : memref<52x128x1024xf32, #tpu.memory_space<hbm>> -> memref<52x1x1024xf32, #tpu.memory_space<hbm>>
      %dma_start3A_407 = tpu.memref_squeeze %dma_start3A_406 : memref<52x1x1024xf32, #tpu.memory_space<hbm>> -> memref<52x1024xf32, #tpu.memory_space<hbm>>
      tpu.enqueue_dma source(%arg11 : memref<52x1024xf32, #tpu.memory_space<vmem>>) target(%dma_start3A_407 : memref<52x1024xf32, #tpu.memory_space<hbm>>) target_semaphore(%arg13 : memref<!tpu.dma_semaphore, #tpu.memory_space<semaphore_mem>>)
    }
    %scan3A_238 = arith.constant 4 : i32
    %dma_wait3A = arith.constant 0 : i32
    %dma_wait3A_239 = arith.constant 0 : i32
    %dma_wait3A_240 = arith.constant 0 : i32
    %dma_wait3A_241 = tpu.memref_slice %arg5[%dma_wait3A_239, %dma_wait3A, %dma_wait3A_240] : memref<52x128x1024xf32, #tpu.memory_space<hbm>> -> memref<52x1x1024xf32, #tpu.memory_space<hbm>>
    %dma_wait3A_242 = tpu.memref_squeeze %dma_wait3A_241 : memref<52x1x1024xf32, #tpu.memory_space<hbm>> -> memref<52x1024xf32, #tpu.memory_space<hbm>>
    %dma_wait3A_243 = arith.constant 0 : i32
    %dma_wait3A_244 = arith.constant 0 : i32
    %dma_wait3A_245 = tpu.memref_slice %arg5[%dma_wait3A_243, %dma_wait3A, %dma_wait3A_244] : memref<52x128x1024xf32, #tpu.memory_space<hbm>> -> memref<52x1x1024xf32, #tpu.memory_space<hbm>>
    %dma_wait3A_246 = tpu.memref_squeeze %dma_wait3A_245 : memref<52x1x1024xf32, #tpu.memory_space<hbm>> -> memref<52x1024xf32, #tpu.memory_space<hbm>>
    tpu.wait_dma2 semaphore(%arg13 : memref<!tpu.dma_semaphore, #tpu.memory_space<semaphore_mem>>) src(%dma_wait3A_246 : memref<52x1024xf32, #tpu.memory_space<hbm>>) dst(%arg11 : memref<52x1024xf32, #tpu.memory_space<vmem>>)
    return
  }
}

</mosaic_0001>

<sc_bundles>
// kernel: kernel.4.cloned.1.call-start
scs
__scs_entry_jumppad:
0x0: {  	(pc) =	sbr.rel $0x88, $3  }
0x1: {  	(tag) =	ssettag $0x0;
	lr =	simm.s32 $0x1  }
0x2: {  	[smem:$0x3F9F] =	sst lr;
	_ =	strace $0xD0000000  }
0x3: {  	_ = 	snop  }
0x4: {  	_ = 	snop  }
0x5: {  	_ = 	snop  }
0x6: {  	_ = 	snop  }
0x7: {  	_ = 	snop  }
__scs_overlays_trampoline_lowered:
0x8: {  	[smem:$0x3FAE] =	sst s0  }
0x9: {  	[smem:$0x3FAF] =	sst s1  }
0xa: {  	[smem:$0x3FB0] =	sst s2  }
0xb: {  	[smem:$0x3FB1] =	sst s3  }
0xc: {  	[smem:$0x3FB2] =	sst s4  }
0xd: {  	[smem:$0x3FB3] =	sst s5  }
0xe: {  	[smem:$0x3FB4] =	sst s6  }
0xf: {  	[smem:$0x3FB5] =	sst s7  }
0x10: {  	[smem:$0x3FB6] =	sst s8  }
0x11: {  	[smem:$0x3FB7] =	sst s9;
	s0 =	simm.s32 @!p0 $0x0  }
0x12: {  	s1 =	sld [smem:$0x3F9D];
	s0 =	simm.s32 @p0 $0x1  }
0x13: {  	[smem:$0x3FB8] =	sst s0;
	s0 =	simm.s32 @!p1 $0x0  }
0x14: {  	s2 =	sld [smem:$0x3F9C];
	s0 =	simm.s32 @p1 $0x1  }
0x15: {  	[smem:$0x3FB9] =	sst s0;
	s0 =	simm.s32 @!p2 $0x0  }
0x16: {  	s3 =	sld [smem:$0x3FDB];
	s0 =	simm.s32 @p2 $0x1  }
0x17: {  	s4 =	simm.s32 $0x1BF5;
	[smem:$0x3FBB] =	sst s0  }
0x18: {  	s0 =	sld [smem:$0x3F9E];
	_ =	swait.ge [sflag:s4], $0x0  }
0x19: {  	s7 =	sld [smem:$0x3F9F]  }
0x1a: {  	s8 =	sadd.s32 $0xFFFFE003, lr  }
0x1b: {  	s9 =	sadd.s32 $0xFFFFFEF7, lr;
	s5 =	simm.s32 $0xFFFFFFFF;
	p2 =	slt.u32 s8, $0xFFFFF086  }
0x1c: {  	p1 =	slt.u32 s9, $0xF7A;
	s5 =	simm.s32 @!p2 $0x0  }
0x1d: {  	s5 =	simm.s32 @p1 $0x1;
	p0 =	seq.s32 s7, s2  }
0x1e: {  	s7 =	smul.u32 @!p0 $0xF7A, s2;
	p2 =	seq.s32 @!p0 s5, $0x0  }
0x1f: {  	s9 =	smul.u32 $0xF7A, s1;
	s8 =	simm.s32 @!p0 $0x1BF5;
	p2 =	por !p2, p0  }
0x20: {  	[sflag:s8] =	ssyncset.s32 @!p0 $0xFFFFF086;
	s6 =	sadd.s32 @!p0 s3, s7;
	s7 =	simm.s32 @!p0 $0x108  }
0x21: {  	s3 =	sadd.s32 s3, s9;
	s6 =	sadd.s32 @!p0 $0x88, s6;
	s7 =	simm.s32 @p2 $0x1082  }
0x22: {  	[simem:s7], [sflag:s8] =	dma.local @!p0 [hbm:s6], $0xF7A  }
0x23: {  	s9 =	sor.u32 $0xD0000000, s2;
	s6 =	simm.s32 $0x108;
	_ =	swait.ge @!p0 [sflag:s8], $0x0  }
0x24: {  	s3 =	sadd.s32 $0x88, s3;
	s6 =	simm.s32 @!p1 $0x1082;
	[sflag:s4] =	ssyncset.s32 $0xFFFFF086  }
0x25: {  	[simem:s6], [sflag:s4] =	dma.local [hbm:s3], $0xF7A  }
0x26: {  	[smem:$0x3F9F] =	sst s1;
	(tag) =	ssettag s2;
	_ =	strace s9  }
0x27: {  	s1 =	sld [smem:$0x3FAF]  }
0x28: {  	s2 =	sld [smem:$0x3FB0]  }
0x29: {  	s4 =	sld [smem:$0x3FB2]  }
0x2a: {  	p0 =	seq.s32 s5, $0x0;
	s5 =	sld [smem:$0x3FB3]  }
0x2b: {  	s6 =	sld [smem:$0x3FB4]  }
0x2c: {  	s7 =	sld [smem:$0x3FB5]  }
0x2d: {  	s3 =	simm.s32 $0x108;
	s8 =	sld [smem:$0x3FB6]  }
0x2e: {  	s3 =	simm.s32 @!p0 $0x1082;
	s9 =	sld [smem:$0x3FB7]  }
0x2f: {  	lr =	sadd.s32 s0, s3;
	s0 =	sld [smem:$0x3FAE]  }
0x30: {  	s3 =	sld [smem:$0x3FB1]  }
0x31: {  	[smem:$0x3FBA] =	sst s10  }
0x32: {  	s10 =	sld [smem:$0x3FB8];
	_ =	sdelay $0x3  }
0x33: {  	p0 =	seq.s32 s10, $0x1;
	s10 =	sld [smem:$0x3FBA];
	_ =	sdelay $0x3  }
0x34: {  	[smem:$0x3FBA] =	sst s10  }
0x35: {  	s10 =	sld [smem:$0x3FB9];
	_ =	sdelay $0x3  }
0x36: {  	p1 =	seq.s32 s10, $0x1;
	s10 =	sld [smem:$0x3FBA];
	_ =	sdelay $0x3  }
0x37: {  	[smem:$0x3FBA] =	sst s10  }
0x38: {  	s10 =	sld [smem:$0x3FBB]  }
0x39: {  	_ = 	snop;
	(pc) =	sbr.ind lr, $3  }
0x3a: {  	_ = 	snop  }
0x3b: {  	_ = 	snop  }
0x3c: {  	p2 =	seq.s32 s10, $0x1;
	s10 =	sld [smem:$0x3FBA]  }
0x3d: {  	_ =	shalt  }
0x3e: {  	_ =	shalt  }
0x3f: {  	_ =	shalt  }
0x40: {  	_ =	shalt  }
0x41: {  	_ =	shalt  }
0x42: {  	_ =	shalt  }
0x43: {  	_ =	shalt  }
0x44: {  	_ =	shalt  }
0x45: {  	_ =	shalt  }
0x46: {  	_ =	shalt  }
0x47: {  	_ =	shalt  }
0x48: {  	_ =	shalt  }
0x49: {  	_ =	shalt  }
0x4a: {  	_ =	shalt  }
0x4b: {  	_ =	shalt  }
0x4c: {  	_ =	shalt  }
0x4d: {  	_ =	shalt  }
0x4e: {  	_ =	shalt  }
0x4f: {  	_ =	shalt  }
0x50: {  	_ =	shalt  }
0x51: {  	_ =	shalt  }
0x52: {  	_ =	shalt  }
0x53: {  	_ =	shalt  }
0x54: {  	_ =	shalt  }
0x55: {  	_ =	shalt  }
0x56: {  	_ =	shalt  }
0x57: {  	_ =	shalt  }
0x58: {  	_ =	shalt  }
0x59: {  	_ =	shalt  }
0x5a: {  	_ =	shalt  }
0x5b: {  	_ =	shalt  }
0x5c: {  	_ =	shalt  }
0x5d: {  	_ =	shalt  }
0x5e: {  	_ =	shalt  }
0x5f: {  	_ =	shalt  }
0x60: {  	_ =	shalt  }
0x61: {  	_ =	shalt  }
0x62: {  	_ =	shalt  }
0x63: {  	_ =	shalt  }
0x64: {  	_ =	shalt  }
0x65: {  	_ =	shalt  }
0x66: {  	_ =	shalt  }
0x67: {  	_ =	shalt  }
0x68: {  	_ =	shalt  }
0x69: {  	_ =	shalt  }
0x6a: {  	_ =	shalt  }
0x6b: {  	_ =	shalt  }
0x6c: {  	_ =	shalt  }
0x6d: {  	_ =	shalt  }
0x6e: {  	_ =	shalt  }
0x6f: {  	_ =	shalt  }
0x70: {  	_ =	shalt  }
0x71: {  	_ =	shalt  }
0x72: {  	_ =	shalt  }
0x73: {  	_ =	shalt  }
0x74: {  	_ =	shalt  }
0x75: {  	_ =	shalt  }
0x76: {  	_ =	shalt  }
0x77: {  	_ =	shalt  }
0x78: {  	_ =	shalt  }
0x79: {  	_ =	shalt  }
0x7a: {  	_ =	shalt  }
0x7b: {  	_ =	shalt  }
0x7c: {  	_ =	shalt  }
0x7d: {  	_ =	shalt  }
0x7e: {  	_ =	shalt  }
0x7f: {  	_ =	shalt  }
0x80: {  	_ =	shalt  }
0x81: {  	_ =	shalt  }
0x82: {  	_ =	shalt  }
0x83: {  	_ =	shalt  }
0x84: {  	_ =	shalt  }
0x85: {  	_ =	shalt  }
0x86: {  	_ =	shalt  }
0x87: {  	_ =	shalt  }
.Lfunc_end0:
.L_simem_size_0:
called_computation_lowered:
.L_overlay_start_0:
0x88: {  	s2 =	sld [smem:$0x3FD9]  }
0x89: {  	s3 =	sld [smem:$0x3FFE];
	_ =	sdelay $0x1  }
0x8a: {  	s1 =	srdreg.scid  }
0x8b: {  	s0 =	sand.u32 $0x1, s1  }
0x8c: {  	s17 =	sshll.u32 s0, $0xA;
	s2 =	sadd.s32 s3, s2  }
0x8d: {  	s2 =	sadd.s32 s2, s17  }
0x8e: {  	[smem:$0x3FC6] =	sst s2  }
0x8f: {  	_ = 	snop  }
0x90: {  	s2 =	sld [smem:$0x3FC8];
	(tm) =	ssettm $0x1  }
0x91: {  	s18 =	sld [smem:$0x3FFB];
	_ =	sdelay $0x3  }
0x92: {  	_ =	strace s18  }
0x93: {  	s3 =	sld [smem:$0x3FFC];
	_ =	sdelay $0x3  }
0x94: {  	_ =	strace s3  }
0x95: {  	s3 =	sld [smem:$0x3FFD];
	_ =	sdelay $0x3  }
0x96: {  	_ =	strace s3  }
0x97: {  	_ =	strace $0x8FFFFFFF  }
0x98: {  	s19 =	sld [smem:$0x3FDB];
	_ =	sdelay $0x1  }
0x99: {  	s4 =	simm.s32 $_scs_section_size  }
0x9a: {  	s5 =	simm.s32 $_size__tile_overlayer_lowered;
	s6 =	simm.s32 $_tile_overlayer_lowered  }
0x9b: {  	s22 =	simm.s32 $0x1BFF;
	s21 =	sshll.u32 s6, $0x1;
	s3 =	sadd.s32 s4, s19  }
0x9c: {  	s7 =	simm.s32 $0x0;
	s20 =	sshll.u32 s5, $0x1;
	s5 =	sadd.s32 s21, s3  }
0x9d: {  	[timem:s7], [sflag:s22] =	dma.local [hbm:s5], s20  }
0x9e: {  	_ =	swait.ge [sflag:s22], s20  }
0x9f: {  	s4 =	ssub.s32 $0x0, s20;
	[sflag:s22] =	ssyncset.done $0x0  }
0xa0: {  	[sflag:s22] =	ssyncadd.s32 s4;
	_ =	sdelay $0x1  }
0xa1: {  	s23 =	simm.s32 $0x1B8B  }
0xa2: {  	_ =	swait.ge [sflag:s23], $0x1  }
0xa3: {  	[sflag:s23] =	ssyncset.done $0x0  }
0xa4: {  	s25 =	simm.s32 $0x1B8E;
	s24 =	sld [smem:$0x3FFE];
	[sflag:s23] =	ssyncadd.s32 $0xFFFFFFFF  }
0xa5: {  	s26 =	simm.s32 $execute0_lowered;
	[smem:$0x3FD2] =	sst s25  }
0xa6: {  	s5 =	sshll.u32 s26, $0x1;
	_ =	strace $0x80000046;
	[dreg:$0x1] =	wrdreg $0xFFFFFFFF  }
0xa7: {  	s28 =	simm.s32 $_size_execute0_lowered;
	s3 =	sadd.s32 s3, s5;
	[dreg:$0x0] =	wrdreg $0x0  }
0xa8: {  	s5 =	sshll.u32 s28, $0x1;
	[dreg:$0x2] =	wrdreg s3  }
0xa9: {  	[dreg:$0x3] =	wrdreg s5  }
0xaa: {  	[dreg:$0x4] =	wrdreg $0xC0  }
0xab: {  	_ =	task [dreg:s7], $0x5FFFF  }
0xac: {  	[dreg:$0x1] =	wrdreg $0xFFFFFFFF  }
0xad: {  	[dreg:$0x0] =	wrdreg $0x60  }
0xae: {  	[dreg:$0x2] =	wrdreg s2  }
0xaf: {  	[dreg:$0x3] =	wrdreg s24  }
0xb0: {  	[dreg:$0x4] =	wrdreg $0x9  }
0xb1: {  	_ =	task.clear_ibuf [dreg:s7], $0x5FFFF;
	_ =	strace $0x90000046  }
0xb2: {  	s29 =	simm.s32 $0x9;
	_ =	strace $0x80000048  }
0xb3: {  	_ =	swait.ge [sflag:s29], $0x1  }
0xb4: {  	[sflag:s29] =	ssyncadd.s32 $0xFFFFFFFF  }
0xb5: {  	_ =	strace $0x90000048  }
0xb6: {  	_ =	sfence  }
0xb7: {  	s30 =	sld [smem:$0x0];
	_ =	sdelay $0x2  }
0xb8: {  	s31 =	sshll.u32 s1, $0xD;
	s1 =	sshrl.u32 s1, $0x2  }
0xb9: {  	s3 =	sand.u32 $0x4000, s31;
	s1 =	sadd.s32 s1, s30  }
0xba: {  	s0 =	sor.u32 s3, s0;
	s1 =	sshll.u32 s1, $0x11  }
0xbb: {  	s0 =	sor.u32 s1, s0  }
0xbc: {  	s0 =	sadd.s32 $0x8F2B, s0  }
0xbd: {  	[sflag:s0] =	ssyncadd.remote.s32 $0x1  }
0xbe: {  	_ =	sfence.sel $0xFFFF  }
0xbf: {  	[dreg:$0x0] =	wrdreg $0xFFFFFFFF;
	(pc) =	sbr.abs _section_cstart, $3  }
0xc0: {  	[dreg:$0x1] =	wrdreg $0xFFFFFFFF  }
0xc1: {  	_ =	task.clear_ibuf [dreg:s7], $0x2FFFF;
	_ =	strace $0x9FFFFFFF  }
0xc2: {  	(tm) =	ssettm $0x7FFFFFFF  }
0xc3: {  	_ =	shalt  }
tec
execute0_lowered:
.L_overlay_start_1:
0x0: {  	(tag) =	ssettag $0x1  }
0x1: {  	s2 =	rddreg [dreg:$0x0];
	s1 =	srdreg.scid  }
0x2: {  	s0 =	stileid.u32;
	s5 =	rddreg [dreg:$0x1]  }
0x3: {  	s3 =	simm.s32 $0x0;
	s10 =	simm.s32 $0x7EF400;
	s11 =	simm.s32 $0x6800  }
0x4: {  	s12 =	simm.s32 $0x1;
	s6 =	sand.u32 $0x1, s1;
	s4 =	sshll.u32 s0, $0x1  }
0x5: {  	s13 =	simm.s32 $0xD000;
	s14 =	simm.s32 $0x13800;
	s4 =	sor.u32 s6, s4  }
0x6: {  	s15 =	simm.s32 $0x2;
	s1 =	rddreg [dreg:$0x2];
	s7 =	smul.u32 $0x3400, s4  }
.Ltmp0:
0x7: {  	s16 =	simm.s32 $0x0;
	[smem:$0x7FF] =	sst s3;
	(pc) =	sbr.rel .LBB2_1-.Ltmp0, $4  }
0x8: {  	s5 =	sadd.s32 $0xA00, s5;
	s6 =	ssub.s32 $0x2, s6;
	s8 =	smul.u32 $0x680, s4  }
0x9: {  	_ =	strace $0x80000047;
	s9 =	sshrl.u32 s6, $0x1;
	s7 =	sshrl.u32 s7, $0x3  }
0xa: {  	v0 =	vlaneseq.u32;
	s9 =	ssub.s32 s6, s9;
	s6 =	sadd.s32 s2, s8;
	s7 =	sadd.s32 s2, s7  }
0xb: {  	v0 =	vmul.u32 $0x10, v0;
	s8 =	smax.u32 s9, $0x1;
	s9 =	simm.s32 $0x3400;
	s7 =	sadd.s32 $0xD000, s7  }
.LBB2_9:
0xc: {  	s16 =	sadd.s32 $0x1, s16  }
0xd: {  	_ =	swait.ge [sflag:s15], $0x6800;
	p0 =	sne.s32 s16, s8  }
.Ltmp1:
0xe: {  	[sflag:s15] =	ssyncset.done $0x0;
	(pc) =	sbr.rel @!p0 .LBB2_10-.Ltmp1, $4  }
0xf: {  	[sflag:s15] =	ssyncadd.s32 $0xFFFF9800  }
0x10: {  	_ =	swait.ge [sflag:s15], $0x6800  }
0x11: {  	[sflag:s15] =	ssyncset.done $0x0  }
0x12: {  	[sflag:s15] =	ssyncadd.s32 $0xFFFF9800  }
.LBB2_1:
.Ltmp2:
0x13: {  	(pc) =	sbr.rel .LBB2_2-.Ltmp2, $4  }
0x14: {  	_ = 	snop  }
0x15: {  	[tilespmem:s3], [sflag:$0x1] =	stream.strided.gather [hbm4b:s6+s9], $0x6800, s10, s9, $0x38;
	[tilespmem:$0x1A000] =	vst v63  }
0x16: {  	s17 =	simm.s32 $0x0  }
0x17: {  	[tilespmem:s11], [sflag:$0x1] =	stream.strided.gather [hbm4b:s7+s9], $0x6800, s10, s9, $0x38;
	[tilespmem:$0x1A000] =	vst v63  }
.LBB2_8:
0x18: {  	s17 =	sadd.s32 $0x1, s17  }
0x19: {  	p0 =	sne.s32 s17, $0xA  }
.Ltmp3:
0x1a: {  	_ = 	snop;
	(pc) =	sbr.rel @!p0 .LBB2_9-.Ltmp3, $1  }
0x1b: {  	_ =	sdelay $0x3  }
.LBB2_2:
0x1c: {  	p0 =	seq.s32 s17, $0x0  }
0x1d: {  	s18 =	simm.s32 @!p0 $0x2  }
0x1e: {  	_ =	swait.ge @!p0 [sflag:s18], $0x6800  }
0x1f: {  	[sflag:s18] =	ssyncset.done @!p0 $0x0  }
0x20: {  	[sflag:s18] =	ssyncadd.s32 @!p0 $0xFFFF9800  }
0x21: {  	s18 =	simm.s32 $0x0;
	_ =	swait.ge [sflag:s12], $0x6800  }
0x22: {  	v1 =	vmov s18;
	s19 =	sand.u32 $0x70, s18;
	s20 =	sand.u32 $0x3C00, s18;
	[sflag:s12] =	ssyncset.done $0x0  }
0x23: {  	v1 =	vshll.u32 v1, $0x4;
	s21 =	sor.u32 s19, s20;
	[sflag:s12] =	ssyncadd.s32 $0xFFFF9800  }
0x24: {  	v1 =	vor.u32 v0, v1;
	v2 =	vld [tilespmem:s21+$0x0];
	_ =	sdelay $0x4  }
0x25: {  	[tilespmem:v1+s13+$0x0] =	vst.idx.msk $0xffff, v2  }
0x26: {  	v3 =	vor.u32 $0x1, v1;
	v2 =	vld [tilespmem:s21+$0x80];
	_ =	sdelay $0x4  }
0x27: {  	[tilespmem:v3+s13+$0x0] =	vst.idx.msk $0xffff, v2  }
0x28: {  	v3 =	vor.u32 $0x2, v1;
	v2 =	vld [tilespmem:s21+$0x100];
	_ =	sdelay $0x4  }
0x29: {  	[tilespmem:v3+s13+$0x0] =	vst.idx.msk $0xffff, v2  }
0x2a: {  	v3 =	vor.u32 $0x3, v1;
	v2 =	vld [tilespmem:s21+$0x180];
	_ =	sdelay $0x4  }
0x2b: {  	[tilespmem:v3+s13+$0x0] =	vst.idx.msk $0xffff, v2  }
0x2c: {  	v3 =	vor.u32 $0x4, v1;
	v2 =	vld [tilespmem:s21+$0x200];
	_ =	sdelay $0x4  }
0x2d: {  	[tilespmem:v3+s13+$0x0] =	vst.idx.msk $0xffff, v2  }
0x2e: {  	v3 =	vor.u32 $0x5, v1;
	v2 =	vld [tilespmem:s21+$0x280];
	_ =	sdelay $0x4  }
0x2f: {  	[tilespmem:v3+s13+$0x0] =	vst.idx.msk $0xffff, v2  }
0x30: {  	v3 =	vor.u32 $0x6, v1;
	v2 =	vld [tilespmem:s21+$0x300];
	_ =	sdelay $0x1  }
0x31: {  	s30 =	sand.u32 $0x7, s18  }
0x32: {  	s19 =	sshll.u32 s30, $0x4  }
0x33: {  	s19 =	sadd.s32 $0x0, s19  }
0x34: {  	s19 =	sor.u32 $0x380, s19;
	[tilespmem:v3+s13+$0x0] =	vst.idx.msk $0xffff, v2  }
0x35: {  	v3 =	vor.u32 $0x7, v1;
	v2 =	vld [tilespmem:s19+$0x0];
	_ =	sdelay $0x4  }
0x36: {  	[tilespmem:v3+s13+$0x0] =	vst.idx.msk $0xffff, v2  }
0x37: {  	v3 =	vor.u32 $0x8, v1;
	v2 =	vld [tilespmem:s21+$0x3400];
	_ =	sdelay $0x4  }
0x38: {  	[tilespmem:v3+s13+$0x0] =	vst.idx.msk $0xffff, v2  }
0x39: {  	v3 =	vor.u32 $0x9, v1;
	v2 =	vld [tilespmem:s21+$0x3480];
	_ =	sdelay $0x4  }
0x3a: {  	[tilespmem:v3+s13+$0x0] =	vst.idx.msk $0xffff, v2  }
0x3b: {  	v3 =	vor.u32 $0xA, v1;
	v2 =	vld [tilespmem:s21+$0x3500];
	_ =	sdelay $0x4  }
0x3c: {  	[tilespmem:v3+s13+$0x0] =	vst.idx.msk $0xffff, v2  }
0x3d: {  	v3 =	vor.u32 $0xB, v1;
	v2 =	vld [tilespmem:s21+$0x3580];
	_ =	sdelay $0x4  }
0x3e: {  	[tilespmem:v3+s13+$0x0] =	vst.idx.msk $0xffff, v2  }
0x3f: {  	v3 =	vor.u32 $0xC, v1;
	v2 =	vld [tilespmem:s21+$0x3600];
	_ =	sdelay $0x4  }
0x40: {  	[tilespmem:v3+s13+$0x0] =	vst.idx.msk $0xffff, v2  }
0x41: {  	v3 =	vor.u32 $0xD, v1;
	v2 =	vld [tilespmem:s21+$0x3680];
	_ =	sdelay $0x4  }
0x42: {  	[tilespmem:v3+s13+$0x0] =	vst.idx.msk $0xffff, v2  }
0x43: {  	v3 =	vor.u32 $0xE, v1;
	v2 =	vld [tilespmem:s21+$0x3700];
	_ =	sdelay $0x4  }
0x44: {  	[tilespmem:v3+s13+$0x0] =	vst.idx.msk $0xffff, v2  }
0x45: {  	v1 =	vor.u32 $0xF, v1;
	v2 =	vld [tilespmem:s21+$0x3780];
	_ =	sdelay $0x1  }
0x46: {  	s20 =	simm.s32 $0x80  }
0x47: {  	s31 =	sshll.u32 s17, $0x6;
	s22 =	simm.s32 $0x10;
	s23 =	sand.u32 $0x3C00, s20  }
0x48: {  	s19 =	sor.u32 s4, s31;
	v3 =	vmov s22;
	s22 =	sand.u32 $0x70, s22;
	s21 =	simm.s32 $0x20  }
.LBB2_3:
0x49: {  	p1 =	sne.s32 s21, $0x670;
	v3 =	vshll.u32 v3, $0x4;
	s22 =	sor.u32 s22, s23;
	[tilespmem:v1+s13+$0x0] =	vst.idx.msk $0xffff, v2  }
0x4a: {  	v1 =	vor.u32 v0, v3;
	v2 =	vld [tilespmem:s22+$0x0];
	_ =	sdelay $0x4  }
0x4b: {  	[tilespmem:v1+s13+$0x0] =	vst.idx.msk $0xffff, v2  }
0x4c: {  	v3 =	vor.u32 $0x1, v1;
	v2 =	vld [tilespmem:s22+$0x80];
	_ =	sdelay $0x4  }
0x4d: {  	[tilespmem:v3+s13+$0x0] =	vst.idx.msk $0xffff, v2  }
0x4e: {  	v3 =	vor.u32 $0x2, v1;
	v2 =	vld [tilespmem:s22+$0x100];
	_ =	sdelay $0x4  }
0x4f: {  	[tilespmem:v3+s13+$0x0] =	vst.idx.msk $0xffff, v2  }
0x50: {  	v3 =	vor.u32 $0x3, v1;
	v2 =	vld [tilespmem:s22+$0x180];
	_ =	sdelay $0x4  }
0x51: {  	[tilespmem:v3+s13+$0x0] =	vst.idx.msk $0xffff, v2  }
0x52: {  	v3 =	vor.u32 $0x4, v1;
	v2 =	vld [tilespmem:s22+$0x200];
	_ =	sdelay $0x4  }
0x53: {  	[tilespmem:v3+s13+$0x0] =	vst.idx.msk $0xffff, v2  }
0x54: {  	v3 =	vor.u32 $0x5, v1;
	v2 =	vld [tilespmem:s22+$0x280];
	_ =	sdelay $0x4  }
0x55: {  	[tilespmem:v3+s13+$0x0] =	vst.idx.msk $0xffff, v2  }
0x56: {  	v3 =	vor.u32 $0x6, v1;
	v2 =	vld [tilespmem:s22+$0x300]  }
0x57: {  	s18 =	sadd.s32 $0x1, s18  }
0x58: {  	s23 =	sand.u32 $0x7, s18  }
0x59: {  	s23 =	sshll.u32 s23, $0x4  }
0x5a: {  	s23 =	sadd.s32 s23, s20  }
0x5b: {  	s23 =	sor.u32 $0x380, s23;
	[tilespmem:v3+s13+$0x0] =	vst.idx.msk $0xffff, v2  }
0x5c: {  	v3 =	vor.u32 $0x7, v1;
	v2 =	vld [tilespmem:s23+$0x0];
	_ =	sdelay $0x4  }
0x5d: {  	[tilespmem:v3+s13+$0x0] =	vst.idx.msk $0xffff, v2  }
0x5e: {  	v3 =	vor.u32 $0x8, v1;
	v2 =	vld [tilespmem:s22+$0x3400];
	_ =	sdelay $0x4  }
0x5f: {  	[tilespmem:v3+s13+$0x0] =	vst.idx.msk $0xffff, v2  }
0x60: {  	v3 =	vor.u32 $0x9, v1;
	v2 =	vld [tilespmem:s22+$0x3480];
	_ =	sdelay $0x4  }
0x61: {  	[tilespmem:v3+s13+$0x0] =	vst.idx.msk $0xffff, v2  }
0x62: {  	v3 =	vor.u32 $0xA, v1;
	v2 =	vld [tilespmem:s22+$0x3500];
	_ =	sdelay $0x4  }
0x63: {  	[tilespmem:v3+s13+$0x0] =	vst.idx.msk $0xffff, v2  }
0x64: {  	v3 =	vor.u32 $0xB, v1;
	v2 =	vld [tilespmem:s22+$0x3580];
	_ =	sdelay $0x4  }
0x65: {  	[tilespmem:v3+s13+$0x0] =	vst.idx.msk $0xffff, v2  }
0x66: {  	v3 =	vor.u32 $0xC, v1;
	v2 =	vld [tilespmem:s22+$0x3600];
	_ =	sdelay $0x4  }
0x67: {  	[tilespmem:v3+s13+$0x0] =	vst.idx.msk $0xffff, v2  }
0x68: {  	v3 =	vor.u32 $0xD, v1;
	v2 =	vld [tilespmem:s22+$0x3680];
	_ =	sdelay $0x4  }
0x69: {  	[tilespmem:v3+s13+$0x0] =	vst.idx.msk $0xffff, v2  }
0x6a: {  	v3 =	vor.u32 $0xE, v1;
	v2 =	vld [tilespmem:s22+$0x3700];
	_ =	sdelay $0x4  }
0x6b: {  	[tilespmem:v3+s13+$0x0] =	vst.idx.msk $0xffff, v2  }
.Ltmp4:
0x6c: {  	v1 =	vor.u32 $0xF, v1;
	v2 =	vld [tilespmem:s22+$0x3780];
	(pc) =	sbr.rel @p1 .LBB2_3-.Ltmp4, $3  }
0x6d: {  	_ =	sdelay $0x1  }
0x6e: {  	s20 =	sadd.s32 $0x80, s20  }
0x6f: {  	s23 =	sand.u32 $0x3C00, s20;
	v3 =	vmov s21;
	s22 =	sand.u32 $0x70, s21;
	s21 =	sadd.s32 $0x10, s21  }
0x70: {  	_ =	sdelay $0x3  }
0x71: {  	v3 =	vshll.u32 v3, $0x4;
	s21 =	sor.u32 s22, s23;
	[tilespmem:v1+s13+$0x0] =	vst.idx.msk $0xffff, v2  }
0x72: {  	v1 =	vor.u32 v0, v3;
	v2 =	vld [tilespmem:s21+$0x0];
	_ =	sdelay $0x4  }
0x73: {  	[tilespmem:v1+s13+$0x0] =	vst.idx.msk $0xffff, v2  }
0x74: {  	v3 =	vor.u32 $0x1, v1;
	v2 =	vld [tilespmem:s21+$0x80];
	_ =	sdelay $0x4  }
0x75: {  	[tilespmem:v3+s13+$0x0] =	vst.idx.msk $0xffff, v2  }
0x76: {  	v3 =	vor.u32 $0x2, v1;
	v2 =	vld [tilespmem:s21+$0x100];
	_ =	sdelay $0x4  }
0x77: {  	[tilespmem:v3+s13+$0x0] =	vst.idx.msk $0xffff, v2  }
0x78: {  	v3 =	vor.u32 $0x3, v1;
	v2 =	vld [tilespmem:s21+$0x180];
	_ =	sdelay $0x4  }
0x79: {  	[tilespmem:v3+s13+$0x0] =	vst.idx.msk $0xffff, v2  }
0x7a: {  	v3 =	vor.u32 $0x4, v1;
	v2 =	vld [tilespmem:s21+$0x200];
	_ =	sdelay $0x4  }
0x7b: {  	[tilespmem:v3+s13+$0x0] =	vst.idx.msk $0xffff, v2  }
0x7c: {  	v3 =	vor.u32 $0x5, v1;
	v2 =	vld [tilespmem:s21+$0x280];
	_ =	sdelay $0x4  }
0x7d: {  	[tilespmem:v3+s13+$0x0] =	vst.idx.msk $0xffff, v2  }
0x7e: {  	v3 =	vor.u32 $0x6, v1;
	v2 =	vld [tilespmem:s21+$0x300]  }
0x7f: {  	s18 =	sadd.s32 $0x1, s18  }
0x80: {  	s18 =	sand.u32 $0x7, s18  }
0x81: {  	s18 =	sshll.u32 s18, $0x4  }
0x82: {  	s18 =	sadd.s32 s18, s20  }
0x83: {  	s18 =	sor.u32 $0x380, s18;
	[tilespmem:v3+s13+$0x0] =	vst.idx.msk $0xffff, v2  }
0x84: {  	v3 =	vor.u32 $0x7, v1;
	v2 =	vld [tilespmem:s18+$0x0];
	_ =	sdelay $0x4  }
0x85: {  	[tilespmem:v3+s13+$0x0] =	vst.idx.msk $0xffff, v2  }
0x86: {  	v3 =	vor.u32 $0x8, v1;
	v2 =	vld [tilespmem:s21+$0x3400];
	_ =	sdelay $0x4  }
0x87: {  	[tilespmem:v3+s13+$0x0] =	vst.idx.msk $0xffff, v2  }
0x88: {  	v3 =	vor.u32 $0x9, v1;
	v2 =	vld [tilespmem:s21+$0x3480];
	_ =	sdelay $0x4  }
0x89: {  	[tilespmem:v3+s13+$0x0] =	vst.idx.msk $0xffff, v2  }
0x8a: {  	v3 =	vor.u32 $0xA, v1;
	v2 =	vld [tilespmem:s21+$0x3500];
	_ =	sdelay $0x4  }
0x8b: {  	[tilespmem:v3+s13+$0x0] =	vst.idx.msk $0xffff, v2  }
0x8c: {  	v3 =	vor.u32 $0xB, v1;
	v2 =	vld [tilespmem:s21+$0x3580];
	_ =	sdelay $0x4  }
0x8d: {  	[tilespmem:v3+s13+$0x0] =	vst.idx.msk $0xffff, v2  }
0x8e: {  	v3 =	vor.u32 $0xC, v1;
	v2 =	vld [tilespmem:s21+$0x3600];
	_ =	sdelay $0x4  }
0x8f: {  	[tilespmem:v3+s13+$0x0] =	vst.idx.msk $0xffff, v2  }
0x90: {  	v3 =	vor.u32 $0xD, v1;
	v2 =	vld [tilespmem:s21+$0x3680];
	_ =	sdelay $0x4  }
0x91: {  	[tilespmem:v3+s13+$0x0] =	vst.idx.msk $0xffff, v2  }
0x92: {  	v3 =	vor.u32 $0xE, v1;
	v2 =	vld [tilespmem:s21+$0x3700];
	_ =	sdelay $0x4  }
0x93: {  	[tilespmem:v3+s13+$0x0] =	vst.idx.msk $0xffff, v2  }
0x94: {  	p1 =	sgt.u32 s19, $0x230;
	v1 =	vor.u32 $0xF, v1;
	v2 =	vld [tilespmem:s21+$0x3780]  }
0x95: {  	s18 =	smul.u32 @!p1 $0x3400, s19;
	_ =	sdelay $0x1  }
0x96: {  	s18 =	sshrl.u32 @!p1 s18, $0x3  }
0x97: {  	s22 =	simm.s32 @!p1 $0x0;
	s18 =	sadd.s32 @!p1 s2, s18  }
0x98: {  	s20 =	simm.s32 @!p1 $0x3400;
	s18 =	sadd.s32 @!p1 $0x1A000, s18;
	s21 =	simm.s32 @!p1 $0x7EF400;
	[tilespmem:v1+s13+$0x0] =	vst.idx.msk $0xffff, v2  }
0x99: {  	[tilespmem:s22], [sflag:$0x1] =	stream.strided.gather @!p1 [hbm4b:s18+s20], $0x6800, s21, s20, $0x38;
	[tilespmem:$0x1A000] =	vst v63  }
0x9a: {  	s18 =	sor.u32 $0x20, s19  }
0x9b: {  	p1 =	sgt.u32 s18, $0x270  }
.Ltmp5:
0x9c: {  	_ = 	snop;
	(pc) =	sbr.rel @p1 .LBB2_8-.Ltmp5, $3  }
0x9d: {  	s30 =	smul.u32 $0xD00, s19;
	_ =	sdelay $0x1  }
0x9e: {  	s31 =	sadd.s32 s5, s30  }
0x9f: {  	[hbm4b:s31+s3] =	stream.linear.scatter [tilespmem:s13], [sflag:$0x2], $0x6800, $0x38;
	[tilespmem:$0x1A000] =	vst v63  }
0xa0: {  	s19 =	simm.s32 @!p0 $0x2  }
0xa1: {  	_ =	swait.ge @!p0 [sflag:s19], $0x6800  }
0xa2: {  	[sflag:s19] =	ssyncset.done @!p0 $0x0  }
0xa3: {  	[sflag:s19] =	ssyncadd.s32 @!p0 $0xFFFF9800  }
0xa4: {  	s19 =	simm.s32 $0x0;
	_ =	swait.ge [sflag:s12], $0x6800  }
0xa5: {  	v1 =	vmov s19;
	s20 =	sand.u32 $0x70, s19;
	s21 =	sand.u32 $0x3C00, s19;
	[sflag:s12] =	ssyncset.done $0x0  }
0xa6: {  	v1 =	vshll.u32 v1, $0x4;
	s21 =	sor.u32 s20, s21;
	[sflag:s12] =	ssyncadd.s32 $0xFFFF9800  }
0xa7: {  	v1 =	vor.u32 v0, v1;
	v2 =	vld [tilespmem:s21+$0x6800];
	_ =	sdelay $0x4  }
0xa8: {  	[tilespmem:v1+s14+$0x0] =	vst.idx.msk $0xffff, v2  }
0xa9: {  	v3 =	vor.u32 $0x1, v1;
	v2 =	vld [tilespmem:s21+$0x6880];
	_ =	sdelay $0x4  }
0xaa: {  	[tilespmem:v3+s14+$0x0] =	vst.idx.msk $0xffff, v2  }
0xab: {  	v3 =	vor.u32 $0x2, v1;
	v2 =	vld [tilespmem:s21+$0x6900];
	_ =	sdelay $0x4  }
0xac: {  	[tilespmem:v3+s14+$0x0] =	vst.idx.msk $0xffff, v2  }
0xad: {  	v3 =	vor.u32 $0x3, v1;
	v2 =	vld [tilespmem:s21+$0x6980];
	_ =	sdelay $0x4  }
0xae: {  	[tilespmem:v3+s14+$0x0] =	vst.idx.msk $0xffff, v2  }
0xaf: {  	v3 =	vor.u32 $0x4, v1;
	v2 =	vld [tilespmem:s21+$0x6A00];
	_ =	sdelay $0x4  }
0xb0: {  	[tilespmem:v3+s14+$0x0] =	vst.idx.msk $0xffff, v2  }
0xb1: {  	v3 =	vor.u32 $0x5, v1;
	v2 =	vld [tilespmem:s21+$0x6A80];
	_ =	sdelay $0x4  }
0xb2: {  	[tilespmem:v3+s14+$0x0] =	vst.idx.msk $0xffff, v2  }
0xb3: {  	v3 =	vor.u32 $0x6, v1;
	v2 =	vld [tilespmem:s21+$0x6B00];
	_ =	sdelay $0x1  }
0xb4: {  	s31 =	sand.u32 $0x7, s19  }
0xb5: {  	s20 =	sshll.u32 s31, $0x4  }
0xb6: {  	s20 =	sadd.s32 $0x0, s20  }
0xb7: {  	s20 =	sor.u32 $0x380, s20;
	[tilespmem:v3+s14+$0x0] =	vst.idx.msk $0xffff, v2  }
0xb8: {  	v3 =	vor.u32 $0x7, v1;
	v2 =	vld [tilespmem:s20+$0x6800];
	_ =	sdelay $0x4  }
0xb9: {  	[tilespmem:v3+s14+$0x0] =	vst.idx.msk $0xffff, v2  }
0xba: {  	v3 =	vor.u32 $0x8, v1;
	v2 =	vld [tilespmem:s21+$0x9C00];
	_ =	sdelay $0x4  }
0xbb: {  	[tilespmem:v3+s14+$0x0] =	vst.idx.msk $0xffff, v2  }
0xbc: {  	v3 =	vor.u32 $0x9, v1;
	v2 =	vld [tilespmem:s21+$0x9C80];
	_ =	sdelay $0x4  }
0xbd: {  	[tilespmem:v3+s14+$0x0] =	vst.idx.msk $0xffff, v2  }
0xbe: {  	v3 =	vor.u32 $0xA, v1;
	v2 =	vld [tilespmem:s21+$0x9D00];
	_ =	sdelay $0x4  }
0xbf: {  	[tilespmem:v3+s14+$0x0] =	vst.idx.msk $0xffff, v2  }
0xc0: {  	v3 =	vor.u32 $0xB, v1;
	v2 =	vld [tilespmem:s21+$0x9D80];
	_ =	sdelay $0x4  }
0xc1: {  	[tilespmem:v3+s14+$0x0] =	vst.idx.msk $0xffff, v2  }
0xc2: {  	v3 =	vor.u32 $0xC, v1;
	v2 =	vld [tilespmem:s21+$0x9E00];
	_ =	sdelay $0x4  }
0xc3: {  	[tilespmem:v3+s14+$0x0] =	vst.idx.msk $0xffff, v2  }
0xc4: {  	v3 =	vor.u32 $0xD, v1;
	v2 =	vld [tilespmem:s21+$0x9E80];
	_ =	sdelay $0x4  }
0xc5: {  	[tilespmem:v3+s14+$0x0] =	vst.idx.msk $0xffff, v2  }
0xc6: {  	v3 =	vor.u32 $0xE, v1;
	v2 =	vld [tilespmem:s21+$0x9F00];
	_ =	sdelay $0x4  }
0xc7: {  	[tilespmem:v3+s14+$0x0] =	vst.idx.msk $0xffff, v2  }
0xc8: {  	v1 =	vor.u32 $0xF, v1;
	v2 =	vld [tilespmem:s21+$0x9F80];
	_ =	sdelay $0x2  }
0xc9: {  	s22 =	simm.s32 $0x10;
	s20 =	simm.s32 $0x80  }
0xca: {  	s23 =	sand.u32 $0x3C00, s20;
	v3 =	vmov s22;
	s22 =	sand.u32 $0x70, s22;
	s21 =	simm.s32 $0x20  }
.LBB2_6:
0xcb: {  	p0 =	sne.s32 s21, $0x670;
	v3 =	vshll.u32 v3, $0x4;
	s22 =	sor.u32 s22, s23;
	[tilespmem:v1+s14+$0x0] =	vst.idx.msk $0xffff, v2  }
0xcc: {  	v1 =	vor.u32 v0, v3;
	v2 =	vld [tilespmem:s22+$0x6800];
	_ =	sdelay $0x4  }
0xcd: {  	[tilespmem:v1+s14+$0x0] =	vst.idx.msk $0xffff, v2  }
0xce: {  	v3 =	vor.u32 $0x1, v1;
	v2 =	vld [tilespmem:s22+$0x6880];
	_ =	sdelay $0x4  }
0xcf: {  	[tilespmem:v3+s14+$0x0] =	vst.idx.msk $0xffff, v2  }
0xd0: {  	v3 =	vor.u32 $0x2, v1;
	v2 =	vld [tilespmem:s22+$0x6900];
	_ =	sdelay $0x4  }
0xd1: {  	[tilespmem:v3+s14+$0x0] =	vst.idx.msk $0xffff, v2  }
0xd2: {  	v3 =	vor.u32 $0x3, v1;
	v2 =	vld [tilespmem:s22+$0x6980];
	_ =	sdelay $0x4  }
0xd3: {  	[tilespmem:v3+s14+$0x0] =	vst.idx.msk $0xffff, v2  }
0xd4: {  	v3 =	vor.u32 $0x4, v1;
	v2 =	vld [tilespmem:s22+$0x6A00];
	_ =	sdelay $0x4  }
0xd5: {  	[tilespmem:v3+s14+$0x0] =	vst.idx.msk $0xffff, v2  }
0xd6: {  	v3 =	vor.u32 $0x5, v1;
	v2 =	vld [tilespmem:s22+$0x6A80];
	_ =	sdelay $0x4  }
0xd7: {  	[tilespmem:v3+s14+$0x0] =	vst.idx.msk $0xffff, v2  }
0xd8: {  	v3 =	vor.u32 $0x6, v1;
	v2 =	vld [tilespmem:s22+$0x6B00]  }
0xd9: {  	s19 =	sadd.s32 $0x1, s19  }
0xda: {  	s23 =	sand.u32 $0x7, s19  }
0xdb: {  	s23 =	sshll.u32 s23, $0x4  }
0xdc: {  	s23 =	sadd.s32 s23, s20  }
0xdd: {  	s23 =	sor.u32 $0x380, s23;
	[tilespmem:v3+s14+$0x0] =	vst.idx.msk $0xffff, v2  }
0xde: {  	v3 =	vor.u32 $0x7, v1;
	v2 =	vld [tilespmem:s23+$0x6800];
	_ =	sdelay $0x4  }
0xdf: {  	[tilespmem:v3+s14+$0x0] =	vst.idx.msk $0xffff, v2  }
0xe0: {  	v3 =	vor.u32 $0x8, v1;
	v2 =	vld [tilespmem:s22+$0x9C00];
	_ =	sdelay $0x4  }
0xe1: {  	[tilespmem:v3+s14+$0x0] =	vst.idx.msk $0xffff, v2  }
0xe2: {  	v3 =	vor.u32 $0x9, v1;
	v2 =	vld [tilespmem:s22+$0x9C80];
	_ =	sdelay $0x4  }
0xe3: {  	[tilespmem:v3+s14+$0x0] =	vst.idx.msk $0xffff, v2  }
0xe4: {  	v3 =	vor.u32 $0xA, v1;
	v2 =	vld [tilespmem:s22+$0x9D00];
	_ =	sdelay $0x4  }
0xe5: {  	[tilespmem:v3+s14+$0x0] =	vst.idx.msk $0xffff, v2  }
0xe6: {  	v3 =	vor.u32 $0xB, v1;
	v2 =	vld [tilespmem:s22+$0x9D80];
	_ =	sdelay $0x4  }
0xe7: {  	[tilespmem:v3+s14+$0x0] =	vst.idx.msk $0xffff, v2  }
0xe8: {  	v3 =	vor.u32 $0xC, v1;
	v2 =	vld [tilespmem:s22+$0x9E00];
	_ =	sdelay $0x4  }
0xe9: {  	[tilespmem:v3+s14+$0x0] =	vst.idx.msk $0xffff, v2  }
0xea: {  	v3 =	vor.u32 $0xD, v1;
	v2 =	vld [tilespmem:s22+$0x9E80];
	_ =	sdelay $0x4  }
0xeb: {  	[tilespmem:v3+s14+$0x0] =	vst.idx.msk $0xffff, v2  }
0xec: {  	v3 =	vor.u32 $0xE, v1;
	v2 =	vld [tilespmem:s22+$0x9F00];
	_ =	sdelay $0x4  }
0xed: {  	[tilespmem:v3+s14+$0x0] =	vst.idx.msk $0xffff, v2  }
.Ltmp6:
0xee: {  	v1 =	vor.u32 $0xF, v1;
	v2 =	vld [tilespmem:s22+$0x9F80];
	(pc) =	sbr.rel @p0 .LBB2_6-.Ltmp6, $3  }
0xef: {  	_ =	sdelay $0x1  }
0xf0: {  	s20 =	sadd.s32 $0x80, s20  }
0xf1: {  	s23 =	sand.u32 $0x3C00, s20;
	v3 =	vmov s21;
	s22 =	sand.u32 $0x70, s21;
	s21 =	sadd.s32 $0x10, s21  }
0xf2: {  	_ =	sdelay $0x3  }
0xf3: {  	v3 =	vshll.u32 v3, $0x4;
	s21 =	sor.u32 s22, s23;
	[tilespmem:v1+s14+$0x0] =	vst.idx.msk $0xffff, v2  }
0xf4: {  	v1 =	vor.u32 v0, v3;
	v2 =	vld [tilespmem:s21+$0x6800];
	_ =	sdelay $0x4  }
0xf5: {  	[tilespmem:v1+s14+$0x0] =	vst.idx.msk $0xffff, v2  }
0xf6: {  	v3 =	vor.u32 $0x1, v1;
	v2 =	vld [tilespmem:s21+$0x6880];
	_ =	sdelay $0x4  }
0xf7: {  	[tilespmem:v3+s14+$0x0] =	vst.idx.msk $0xffff, v2  }
0xf8: {  	v3 =	vor.u32 $0x2, v1;
	v2 =	vld [tilespmem:s21+$0x6900];
	_ =	sdelay $0x4  }
0xf9: {  	[tilespmem:v3+s14+$0x0] =	vst.idx.msk $0xffff, v2  }
0xfa: {  	v3 =	vor.u32 $0x3, v1;
	v2 =	vld [tilespmem:s21+$0x6980];
	_ =	sdelay $0x4  }
0xfb: {  	[tilespmem:v3+s14+$0x0] =	vst.idx.msk $0xffff, v2  }
0xfc: {  	v3 =	vor.u32 $0x4, v1;
	v2 =	vld [tilespmem:s21+$0x6A00];
	_ =	sdelay $0x4  }
0xfd: {  	[tilespmem:v3+s14+$0x0] =	vst.idx.msk $0xffff, v2  }
0xfe: {  	v3 =	vor.u32 $0x5, v1;
	v2 =	vld [tilespmem:s21+$0x6A80];
	_ =	sdelay $0x4  }
0xff: {  	[tilespmem:v3+s14+$0x0] =	vst.idx.msk $0xffff, v2  }
0x100: {  	v3 =	vor.u32 $0x6, v1;
	v2 =	vld [tilespmem:s21+$0x6B00]  }
0x101: {  	s19 =	sadd.s32 $0x1, s19  }
0x102: {  	s19 =	sand.u32 $0x7, s19  }
0x103: {  	s19 =	sshll.u32 s19, $0x4  }
0x104: {  	s19 =	sadd.s32 s19, s20  }
0x105: {  	s19 =	sor.u32 $0x380, s19;
	[tilespmem:v3+s14+$0x0] =	vst.idx.msk $0xffff, v2  }
0x106: {  	v3 =	vor.u32 $0x7, v1;
	v2 =	vld [tilespmem:s19+$0x6800];
	_ =	sdelay $0x4  }
0x107: {  	[tilespmem:v3+s14+$0x0] =	vst.idx.msk $0xffff, v2  }
0x108: {  	v3 =	vor.u32 $0x8, v1;
	v2 =	vld [tilespmem:s21+$0x9C00];
	_ =	sdelay $0x4  }
0x109: {  	[tilespmem:v3+s14+$0x0] =	vst.idx.msk $0xffff, v2  }
0x10a: {  	v3 =	vor.u32 $0x9, v1;
	v2 =	vld [tilespmem:s21+$0x9C80];
	_ =	sdelay $0x4  }
0x10b: {  	[tilespmem:v3+s14+$0x0] =	vst.idx.msk $0xffff, v2  }
0x10c: {  	v3 =	vor.u32 $0xA, v1;
	v2 =	vld [tilespmem:s21+$0x9D00];
	_ =	sdelay $0x4  }
0x10d: {  	[tilespmem:v3+s14+$0x0] =	vst.idx.msk $0xffff, v2  }
0x10e: {  	v3 =	vor.u32 $0xB, v1;
	v2 =	vld [tilespmem:s21+$0x9D80];
	_ =	sdelay $0x4  }
0x10f: {  	[tilespmem:v3+s14+$0x0] =	vst.idx.msk $0xffff, v2  }
0x110: {  	v3 =	vor.u32 $0xC, v1;
	v2 =	vld [tilespmem:s21+$0x9E00];
	_ =	sdelay $0x4  }
0x111: {  	[tilespmem:v3+s14+$0x0] =	vst.idx.msk $0xffff, v2  }
0x112: {  	v3 =	vor.u32 $0xD, v1;
	v2 =	vld [tilespmem:s21+$0x9E80];
	_ =	sdelay $0x4  }
0x113: {  	[tilespmem:v3+s14+$0x0] =	vst.idx.msk $0xffff, v2  }
0x114: {  	v3 =	vor.u32 $0xE, v1;
	v2 =	vld [tilespmem:s21+$0x9F00];
	_ =	sdelay $0x4  }
0x115: {  	[tilespmem:v3+s14+$0x0] =	vst.idx.msk $0xffff, v2  }
0x116: {  	p0 =	sgt.u32 s18, $0x230;
	v1 =	vor.u32 $0xF, v1;
	v2 =	vld [tilespmem:s21+$0x9F80]  }
0x117: {  	s19 =	smul.u32 @!p0 $0x3400, s18;
	_ =	sdelay $0x1  }
0x118: {  	s31 =	smul.u32 $0xD00, s18;
	s19 =	sshrl.u32 @!p0 s19, $0x3  }
.Ltmp7:
0x119: {  	s22 =	simm.s32 @!p0 $0x6800;
	s19 =	sadd.s32 @!p0 s2, s19;
	(pc) =	sbr.rel .LBB2_8-.Ltmp7, $4  }
0x11a: {  	s20 =	simm.s32 @!p0 $0x3400;
	s19 =	sadd.s32 @!p0 $0x1A000, s19;
	s21 =	simm.s32 @!p0 $0x7EF400;
	[tilespmem:v1+s14+$0x0] =	vst.idx.msk $0xffff, v2  }
0x11b: {  	[tilespmem:s22], [sflag:$0x1] =	stream.strided.gather @!p0 [hbm4b:s19+s20], $0x6800, s21, s20, $0x38;
	[tilespmem:$0x1A000] =	vst v63  }
0x11c: {  	s18 =	sadd.s32 s5, s31  }
0x11d: {  	[hbm4b:s18+s3] =	stream.linear.scatter [tilespmem:s14], [sflag:$0x2], $0x6800, $0x38;
	[tilespmem:$0x1A000] =	vst v63  }
.LBB2_10:
0x11e: {  	_ =	sfence.sel $0x180000  }
0x11f: {  	[bflag:$0x0] =	sbarrier.arrive $0xFFFF  }
0x120: {  	p0 =	sne.s32 s0, $0x0;
	_ =	strace $0x90000047  }
0x121: {  	s0 =	sadd.s32 @!p0 $0x100000, s1;
	[bflag:$0x2] =	sbarrier.arrive $0xFFFF  }
0x122: {  	[sflag:s0] =	ssyncadd.tile.s32 @!p0 $0x1;
	_ =	shalt  }
.Lfunc_end2:
_tile_overlayer_lowered:
.L_overlay_start_2:
0x123: {  	(tag) =	ssettag $0x2  }
0x124: {  	s0 =	rddreg [dreg:$0x0];
	s2 =	stileid.u32  }
0x125: {  	s1 =	rddreg [dreg:$0x1];
	p0 =	sne.s32 s2, $0x0  }
0x126: {  	s3 =	rddreg [dreg:$0x2];
	[bflag:$0x3] =	sbarrier.arrive $0xFFFF;
	s2 =	simm.s32 @!p0 $0x1C03  }
0x127: {  	[timem:s3], [sflag:s2] =	dma.local @!p0 [hbm:s0], s1  }
0x128: {  	s0 =	simm.s32 @!p0 $0x3  }
0x129: {  	_ =	swait.ge @!p0 [sflag:s0], s1  }
0x12a: {  	s1 =	ssub.s32 @!p0 $0x0, s1;
	[sflag:s0] =	ssyncset.done @!p0 $0x0  }
0x12b: {  	[sflag:s0] =	ssyncadd.s32 @!p0 s1  }
0x12c: {  	[bflag:$0x3] =	sbarrier.arrive $0xFFFF  }
0x12d: {  	_ =	shalt  }

// kernel: kernel.7.cloned.1.call-start
scs
__scs_entry_jumppad:
0x0: {  	(pc) =	sbr.rel $0x88, $3  }
0x1: {  	(tag) =	ssettag $0x0;
	lr =	simm.s32 $0x1  }
0x2: {  	[smem:$0x3F9F] =	sst lr;
	_ =	strace $0xD0000000  }
0x3: {  	_ = 	snop  }
0x4: {  	_ = 	snop  }
0x5: {  	_ = 	snop  }
0x6: {  	_ = 	snop  }
0x7: {  	_ = 	snop  }
__scs_overlays_trampoline_lowered:
0x8: {  	[smem:$0x3FAE] =	sst s0  }
0x9: {  	[smem:$0x3FAF] =	sst s1  }
0xa: {  	[smem:$0x3FB0] =	sst s2  }
0xb: {  	[smem:$0x3FB1] =	sst s3  }
0xc: {  	[smem:$0x3FB2] =	sst s4  }
0xd: {  	[smem:$0x3FB3] =	sst s5  }
0xe: {  	[smem:$0x3FB4] =	sst s6  }
0xf: {  	[smem:$0x3FB5] =	sst s7  }
0x10: {  	[smem:$0x3FB6] =	sst s8  }
0x11: {  	[smem:$0x3FB7] =	sst s9;
	s0 =	simm.s32 @!p0 $0x0  }
0x12: {  	s1 =	sld [smem:$0x3F9D];
	s0 =	simm.s32 @p0 $0x1  }
0x13: {  	[smem:$0x3FB8] =	sst s0;
	s0 =	simm.s32 @!p1 $0x0  }
0x14: {  	s2 =	sld [smem:$0x3F9C];
	s0 =	simm.s32 @p1 $0x1  }
0x15: {  	[smem:$0x3FB9] =	sst s0;
	s0 =	simm.s32 @!p2 $0x0  }
0x16: {  	s3 =	sld [smem:$0x3FDB];
	s0 =	simm.s32 @p2 $0x1  }
0x17: {  	s4 =	simm.s32 $0x1BF5;
	[smem:$0x3FBB] =	sst s0  }
0x18: {  	s0 =	sld [smem:$0x3F9E];
	_ =	swait.ge [sflag:s4], $0x0  }
0x19: {  	s7 =	sld [smem:$0x3F9F]  }
0x1a: {  	s8 =	sadd.s32 $0xFFFFE003, lr  }
0x1b: {  	s9 =	sadd.s32 $0xFFFFFEF7, lr;
	s5 =	simm.s32 $0xFFFFFFFF;
	p2 =	slt.u32 s8, $0xFFFFF086  }
0x1c: {  	p1 =	slt.u32 s9, $0xF7A;
	s5 =	simm.s32 @!p2 $0x0  }
0x1d: {  	s5 =	simm.s32 @p1 $0x1;
	p0 =	seq.s32 s7, s2  }
0x1e: {  	s7 =	smul.u32 @!p0 $0xF7A, s2;
	p2 =	seq.s32 @!p0 s5, $0x0  }
0x1f: {  	s9 =	smul.u32 $0xF7A, s1;
	s8 =	simm.s32 @!p0 $0x1BF5;
	p2 =	por !p2, p0  }
0x20: {  	[sflag:s8] =	ssyncset.s32 @!p0 $0xFFFFF086;
	s6 =	sadd.s32 @!p0 s3, s7;
	s7 =	simm.s32 @!p0 $0x108  }
0x21: {  	s3 =	sadd.s32 s3, s9;
	s6 =	sadd.s32 @!p0 $0x88, s6;
	s7 =	simm.s32 @p2 $0x1082  }
0x22: {  	[simem:s7], [sflag:s8] =	dma.local @!p0 [hbm:s6], $0xF7A  }
0x23: {  	s9 =	sor.u32 $0xD0000000, s2;
	s6 =	simm.s32 $0x108;
	_ =	swait.ge @!p0 [sflag:s8], $0x0  }
0x24: {  	s3 =	sadd.s32 $0x88, s3;
	s6 =	simm.s32 @!p1 $0x1082;
	[sflag:s4] =	ssyncset.s32 $0xFFFFF086  }
0x25: {  	[simem:s6], [sflag:s4] =	dma.local [hbm:s3], $0xF7A  }
0x26: {  	[smem:$0x3F9F] =	sst s1;
	(tag) =	ssettag s2;
	_ =	strace s9  }
0x27: {  	s1 =	sld [smem:$0x3FAF]  }
0x28: {  	s2 =	sld [smem:$0x3FB0]  }
0x29: {  	s4 =	sld [smem:$0x3FB2]  }
0x2a: {  	p0 =	seq.s32 s5, $0x0;
	s5 =	sld [smem:$0x3FB3]  }
0x2b: {  	s6 =	sld [smem:$0x3FB4]  }
0x2c: {  	s7 =	sld [smem:$0x3FB5]  }
0x2d: {  	s3 =	simm.s32 $0x108;
	s8 =	sld [smem:$0x3FB6]  }
0x2e: {  	s3 =	simm.s32 @!p0 $0x1082;
	s9 =	sld [smem:$0x3FB7]  }
0x2f: {  	lr =	sadd.s32 s0, s3;
	s0 =	sld [smem:$0x3FAE]  }
0x30: {  	s3 =	sld [smem:$0x3FB1]  }
0x31: {  	[smem:$0x3FBA] =	sst s10  }
0x32: {  	s10 =	sld [smem:$0x3FB8];
	_ =	sdelay $0x3  }
0x33: {  	p0 =	seq.s32 s10, $0x1;
	s10 =	sld [smem:$0x3FBA];
	_ =	sdelay $0x3  }
0x34: {  	[smem:$0x3FBA] =	sst s10  }
0x35: {  	s10 =	sld [smem:$0x3FB9];
	_ =	sdelay $0x3  }
0x36: {  	p1 =	seq.s32 s10, $0x1;
	s10 =	sld [smem:$0x3FBA];
	_ =	sdelay $0x3  }
0x37: {  	[smem:$0x3FBA] =	sst s10  }
0x38: {  	s10 =	sld [smem:$0x3FBB]  }
0x39: {  	_ = 	snop;
	(pc) =	sbr.ind lr, $3  }
0x3a: {  	_ = 	snop  }
0x3b: {  	_ = 	snop  }
0x3c: {  	p2 =	seq.s32 s10, $0x1;
	s10 =	sld [smem:$0x3FBA]  }
0x3d: {  	_ =	shalt  }
0x3e: {  	_ =	shalt  }
0x3f: {  	_ =	shalt  }
0x40: {  	_ =	shalt  }
0x41: {  	_ =	shalt  }
0x42: {  	_ =	shalt  }
0x43: {  	_ =	shalt  }
0x44: {  	_ =	shalt  }
0x45: {  	_ =	shalt  }
0x46: {  	_ =	shalt  }
0x47: {  	_ =	shalt  }
0x48: {  	_ =	shalt  }
0x49: {  	_ =	shalt  }
0x4a: {  	_ =	shalt  }
0x4b: {  	_ =	shalt  }
0x4c: {  	_ =	shalt  }
0x4d: {  	_ =	shalt  }
0x4e: {  	_ =	shalt  }
0x4f: {  	_ =	shalt  }
0x50: {  	_ =	shalt  }
0x51: {  	_ =	shalt  }
0x52: {  	_ =	shalt  }
0x53: {  	_ =	shalt  }
0x54: {  	_ =	shalt  }
0x55: {  	_ =	shalt  }
0x56: {  	_ =	shalt  }
0x57: {  	_ =	shalt  }
0x58: {  	_ =	shalt  }
0x59: {  	_ =	shalt  }
0x5a: {  	_ =	shalt  }
0x5b: {  	_ =	shalt  }
0x5c: {  	_ =	shalt  }
0x5d: {  	_ =	shalt  }
0x5e: {  	_ =	shalt  }
0x5f: {  	_ =	shalt  }
0x60: {  	_ =	shalt  }
0x61: {  	_ =	shalt  }
0x62: {  	_ =	shalt  }
0x63: {  	_ =	shalt  }
0x64: {  	_ =	shalt  }
0x65: {  	_ =	shalt  }
0x66: {  	_ =	shalt  }
0x67: {  	_ =	shalt  }
0x68: {  	_ =	shalt  }
0x69: {  	_ =	shalt  }
0x6a: {  	_ =	shalt  }
0x6b: {  	_ =	shalt  }
0x6c: {  	_ =	shalt  }
0x6d: {  	_ =	shalt  }
0x6e: {  	_ =	shalt  }
0x6f: {  	_ =	shalt  }
0x70: {  	_ =	shalt  }
0x71: {  	_ =	shalt  }
0x72: {  	_ =	shalt  }
0x73: {  	_ =	shalt  }
0x74: {  	_ =	shalt  }
0x75: {  	_ =	shalt  }
0x76: {  	_ =	shalt  }
0x77: {  	_ =	shalt  }
0x78: {  	_ =	shalt  }
0x79: {  	_ =	shalt  }
0x7a: {  	_ =	shalt  }
0x7b: {  	_ =	shalt  }
0x7c: {  	_ =	shalt  }
0x7d: {  	_ =	shalt  }
0x7e: {  	_ =	shalt  }
0x7f: {  	_ =	shalt  }
0x80: {  	_ =	shalt  }
0x81: {  	_ =	shalt  }
0x82: {  	_ =	shalt  }
0x83: {  	_ =	shalt  }
0x84: {  	_ =	shalt  }
0x85: {  	_ =	shalt  }
0x86: {  	_ =	shalt  }
0x87: {  	_ =	shalt  }
.Lfunc_end0:
.L_simem_size_0:
called_computation.1_lowered:
.L_overlay_start_0:
0x88: {  	s2 =	sld [smem:$0x3FD9]  }
0x89: {  	s3 =	sld [smem:$0x3FFE];
	_ =	sdelay $0x1  }
0x8a: {  	s1 =	srdreg.scid  }
0x8b: {  	s0 =	sand.u32 $0x1, s1  }
0x8c: {  	s17 =	sshll.u32 s0, $0xA;
	s2 =	sadd.s32 s3, s2  }
0x8d: {  	s2 =	sadd.s32 s2, s17  }
0x8e: {  	[smem:$0x3FC6] =	sst s2  }
0x8f: {  	_ = 	snop  }
0x90: {  	s2 =	sld [smem:$0x3FD0];
	(tm) =	ssettm $0x1  }
0x91: {  	s18 =	sld [smem:$0x3FFB];
	_ =	sdelay $0x3  }
0x92: {  	_ =	strace s18  }
0x93: {  	s3 =	sld [smem:$0x3FFC];
	_ =	sdelay $0x3  }
0x94: {  	_ =	strace s3  }
0x95: {  	s3 =	sld [smem:$0x3FFD];
	_ =	sdelay $0x3  }
0x96: {  	_ =	strace s3  }
0x97: {  	_ =	strace $0x8FFFFFFF  }
0x98: {  	s19 =	sld [smem:$0x3FDB];
	_ =	sdelay $0x1  }
0x99: {  	s4 =	simm.s32 $_scs_section_size  }
0x9a: {  	s5 =	simm.s32 $_size__tile_overlayer_lowered;
	s6 =	simm.s32 $_tile_overlayer_lowered  }
0x9b: {  	s22 =	simm.s32 $0x1BFF;
	s21 =	sshll.u32 s6, $0x1;
	s3 =	sadd.s32 s4, s19  }
0x9c: {  	s7 =	simm.s32 $0x0;
	s20 =	sshll.u32 s5, $0x1;
	s5 =	sadd.s32 s21, s3  }
0x9d: {  	[timem:s7], [sflag:s22] =	dma.local [hbm:s5], s20  }
0x9e: {  	_ =	swait.ge [sflag:s22], s20  }
0x9f: {  	s4 =	ssub.s32 $0x0, s20;
	[sflag:s22] =	ssyncset.done $0x0  }
0xa0: {  	[sflag:s22] =	ssyncadd.s32 s4;
	_ =	sdelay $0x1  }
0xa1: {  	s23 =	simm.s32 $0x1B8B  }
0xa2: {  	_ =	swait.ge [sflag:s23], $0x1  }
0xa3: {  	[sflag:s23] =	ssyncset.done $0x0  }
0xa4: {  	s25 =	simm.s32 $0x1B8E;
	s24 =	sld [smem:$0x3FFE];
	[sflag:s23] =	ssyncadd.s32 $0xFFFFFFFF  }
0xa5: {  	s26 =	simm.s32 $execute0_lowered;
	[smem:$0x3FD2] =	sst s25  }
0xa6: {  	s5 =	sshll.u32 s26, $0x1;
	_ =	strace $0x80000049;
	[dreg:$0x1] =	wrdreg $0xFFFFFFFF  }
0xa7: {  	s28 =	simm.s32 $_size_execute0_lowered;
	s3 =	sadd.s32 s3, s5;
	[dreg:$0x0] =	wrdreg $0x0  }
0xa8: {  	s5 =	sshll.u32 s28, $0x1;
	[dreg:$0x2] =	wrdreg s3  }
0xa9: {  	[dreg:$0x3] =	wrdreg s5  }
0xaa: {  	[dreg:$0x4] =	wrdreg $0xC0  }
0xab: {  	_ =	task [dreg:s7], $0x5FFFF  }
0xac: {  	[dreg:$0x1] =	wrdreg $0xFFFFFFFF  }
0xad: {  	[dreg:$0x0] =	wrdreg $0x60  }
0xae: {  	[dreg:$0x2] =	wrdreg s24  }
0xaf: {  	[dreg:$0x3] =	wrdreg s2  }
0xb0: {  	[dreg:$0x4] =	wrdreg $0x9  }
0xb1: {  	_ =	task.clear_ibuf [dreg:s7], $0x5FFFF;
	_ =	strace $0x90000049  }
0xb2: {  	s29 =	simm.s32 $0x9;
	_ =	strace $0x8000004B  }
0xb3: {  	_ =	swait.ge [sflag:s29], $0x1  }
0xb4: {  	[sflag:s29] =	ssyncadd.s32 $0xFFFFFFFF  }
0xb5: {  	_ =	strace $0x9000004B  }
0xb6: {  	_ =	sfence  }
0xb7: {  	s30 =	sld [smem:$0x0];
	_ =	sdelay $0x2  }
0xb8: {  	s31 =	sshll.u32 s1, $0xD;
	s1 =	sshrl.u32 s1, $0x2  }
0xb9: {  	s3 =	sand.u32 $0x4000, s31;
	s1 =	sadd.s32 s1, s30  }
0xba: {  	s0 =	sor.u32 s3, s0;
	s1 =	sshll.u32 s1, $0x11  }
0xbb: {  	s0 =	sor.u32 s1, s0  }
0xbc: {  	s0 =	sadd.s32 $0x8F2B, s0  }
0xbd: {  	[sflag:s0] =	ssyncadd.remote.s32 $0x1  }
0xbe: {  	_ =	sfence.sel $0xFFFF  }
0xbf: {  	[dreg:$0x0] =	wrdreg $0xFFFFFFFF;
	(pc) =	sbr.abs _section_cstart, $3  }
0xc0: {  	[dreg:$0x1] =	wrdreg $0xFFFFFFFF  }
0xc1: {  	_ =	task.clear_ibuf [dreg:s7], $0x2FFFF;
	_ =	strace $0x9FFFFFFF  }
0xc2: {  	(tm) =	ssettm $0x7FFFFFFF  }
0xc3: {  	_ =	shalt  }
tec
execute0_lowered:
.L_overlay_start_1:
0x0: {  	(tag) =	ssettag $0x1  }
0x1: {  	s0 =	rddreg [dreg:$0x0]  }
0x2: {  	s1 =	rddreg [dreg:$0x1]  }
0x3: {  	s2 =	srdreg.scid;
	s3 =	stileid.u32;
	s4 =	simm.s32 $0x0  }
0x4: {  	s11 =	simm.s32 $0x3;
	s12 =	simm.s32 $0x80;
	s28 =	simm.s32 $0x400  }
0x5: {  	v1 =	vlaneseq.u32;
	s13 =	simm.s32 $0x680;
	s29 =	simm.s32 $0xA00;
	s30 =	simm.s32 $0xB380  }
0x6: {  	s31 =	simm.s32 $0xA80;
	s10 =	simm.s32 $0xC380;
	s9 =	simm.s32 $0xC00;
	v0 =	vshrl.u32 v1, $0x3  }
0x7: {  	s14 =	simm.s32 $0xC80;
	s15 =	simm.s32 $0xDB80;
	s16 =	simm.s32 $0x1;
	v0 =	vmul.u32 $0x400, v0  }
0x8: {  	s17 =	simm.s32 $0xE380;
	s18 =	simm.s32 $0x20000;
	s2 =	sand.u32 $0x1, s2;
	v1 =	vand.u32 $0x7, v1  }
0x9: {  	s3 =	sshll.u32 s3, $0x1;
	[smem:$0x7FF] =	sst s4;
	s4 =	sadd.s32 $0x1FC800, s0;
	v1 =	vmul.u32 $0x80, v1;
	v2 =	vor.u32 $0x800, v0  }
0xa: {  	s21 =	simm.s32 $0x0;
	s6 =	sadd.s32 $0x209800, s0;
	s5 =	sor.u32 s2, s3;
	v3 =	vor.u32 $0x1000, v0;
	v4 =	vor.u32 $0x1800, v0;
	v5 =	vor.u32 $0x2000, v0  }
0xb: {  	_ =	strace $0x8000004A;
	[dreg:$0x3] =	wrdreg s6;
	s2 =	ssub.s32 $0x2, s2;
	v6 =	vor.u32 $0x2800, v0;
	v7 =	vor.u32 $0x3000, v0;
	v8 =	vor.u32 $0x3800, v0  }
0xc: {  	s6 =	sadd.s32 $0xA00, s0;
	s3 =	smul.u32 $0x3400, s5;
	s24 =	sshrl.u32 s2, $0x1;
	v9 =	vor.u32 $0x4000, v0;
	v10 =	vor.u32 $0x4800, v0;
	v11 =	vor.u32 $0x5000, v0  }
0xd: {  	s26 =	sshll.u32 s5, $0x9;
	s5 =	simm.s32 $0xB80;
	s0 =	ssub.s32 s2, s24;
	v12 =	vor.u32 $0x5800, v0;
	v13 =	vor.u32 $0x6000, v0;
	v14 =	vor.u32 $0x6800, v0  }
0xe: {  	s8 =	sadd.s32 s1, s26;
	s26 =	simm.s32 $0xAB80;
	s1 =	simm.s32 $0xB00;
	v15 =	vor.u32 $0x7000, v0;
	v16 =	vor.u32 $0x7800, v0;
	v17 =	vor.u32 $0x8000, v0  }
0xf: {  	v18 =	vor.u32 $0x8800, v0;
	v19 =	vor.u32 $0x9000, v0;
	v20 =	vor.u32 $0x9800, v0;
	s2 =	simm.s32 $0xD380;
	s7 =	sshrl.u32 s3, $0x3;
	s0 =	smax.u32 s0, $0x1  }
0x10: {  	v21 =	vor.u32 $0xA000, v0;
	v22 =	vor.u32 $0xA800, v0;
	v23 =	vor.u32 $0xB000, v0;
	s25 =	sadd.s32 s4, s7;
	[dreg:$0x5] =	wrdreg s0;
	s0 =	simm.s32 $0xBB80  }
0x11: {  	v24 =	vor.u32 $0xB800, v0;
	v25 =	vor.u32 $0xC000, v0;
	v26 =	vor.u32 $0xC800, v0;
	s7 =	simm.s32 $0xCB80;
	[dreg:$0x4] =	wrdreg s25;
	s25 =	simm.s32 $0x980  }
.LBB2_1:
0x12: {  	[dreg:$0x6] =	wrdreg s21  }
0x13: {  	s19 =	simm.s32 $0x0;
	s20 =	rddreg [dreg:$0x3];
	s23 =	simm.s32 $0xD00  }
0x14: {  	[tilespmem:s23], [sflag:$0x3] =	stream.linear.gather [hbm4b:s20+s19], $0x680, $0x38;
	[tilespmem:$0x1B380] =	vst v63  }
0x15: {  	_ =	swait.ge [sflag:s11], $0x680  }
0x16: {  	[sflag:s11] =	ssyncset.done $0x0  }
0x17: {  	s24 =	rddreg [dreg:$0x4];
	[sflag:s11] =	ssyncadd.s32 $0xFFFFF980  }
0x18: {  	[tilespmem:s19], [sflag:$0x3] =	stream.linear.gather [hbm4b:s24+s19], $0x680, $0x38;
	[tilespmem:$0x1B380] =	vst v63  }
0x19: {  	_ =	swait.ge [sflag:s11], $0x680  }
0x1a: {  	[sflag:s11] =	ssyncset.done $0x0  }
0x1b: {  	s19 =	simm.s32 $0x0;
	[sflag:s11] =	ssyncadd.s32 $0xFFFFF980  }
0x1c: {  	s20 =	simm.s32 $0x40;
	v27 =	vld [tilespmem:s19+$0xD00]  }
.LBB2_2:
0x1d: {  	p0 =	sne.s32 s20, $0x19C0;
	v28 =	vld [tilespmem:s19+$0x0];
	_ =	sdelay $0x1  }
.Ltmp0:
0x1e: {  	(pc) =	sbr.rel @p0 .LBB2_2-.Ltmp0, $3  }
0x1f: {  	_ =	sdelay $0x1  }
0x20: {  	s21 =	sshra.s32 s20, $0x2;
	v28 =	vadd.s32 v28, v27  }
0x21: {  	s20 =	sadd.s32 $0x40, s20;
	v27 =	vld [tilespmem:s21+$0xD00];
	[tilespmem:s19+$0x0] =	vst v28;
	s19 =	smov.u32 s21  }
0x22: {  	v28 =	vld [tilespmem:s19+$0x0];
	_ =	sdelay $0x4  }
0x23: {  	v27 =	vadd.s32 v28, v27  }
0x24: {  	s20 =	simm.s32 $0x1380;
	[tilespmem:s19+$0x0] =	vst v27;
	s19 =	simm.s32 $0x0  }
0x25: {  	[tilespmem:s20], [sflag:$0x1] =	stream.indirect.gather [hbm4b:s6+s12], $0x10, s19, s12, $0xb8;
	[tilespmem:$0x1B380] =	vst v63  }
0x26: {  	s23 =	simm.s32 $0x1B80  }
0x27: {  	[tilespmem:s23], [sflag:$0x1] =	stream.indirect.gather [hbm4b:s6+s12], $0x10, s12, s12, $0xb8;
	[tilespmem:$0x1B380] =	vst v63  }
0x28: {  	s24 =	simm.s32 $0x100;
	s21 =	simm.s32 $0x2380  }
0x29: {  	[tilespmem:s21], [sflag:$0x1] =	stream.indirect.gather [hbm4b:s6+s12], $0x10, s24, s12, $0xb8;
	[tilespmem:$0x1B380] =	vst v63  }
0x2a: {  	s22 =	simm.s32 $0x2B80;
	s21 =	simm.s32 $0x180  }
0x2b: {  	[tilespmem:s22], [sflag:$0x1] =	stream.indirect.gather [hbm4b:s6+s12], $0x10, s21, s12, $0xb8;
	[tilespmem:$0x1B380] =	vst v63  }
0x2c: {  	s23 =	simm.s32 $0x200;
	s24 =	simm.s32 $0x3380  }
0x2d: {  	[tilespmem:s24], [sflag:$0x1] =	stream.indirect.gather [hbm4b:s6+s12], $0x10, s23, s12, $0xb8;
	[tilespmem:$0x1B380] =	vst v63  }
0x2e: {  	s21 =	simm.s32 $0x280;
	s22 =	simm.s32 $0x3B80  }
0x2f: {  	[tilespmem:s22], [sflag:$0x1] =	stream.indirect.gather [hbm4b:s6+s12], $0x10, s21, s12, $0xb8;
	[tilespmem:$0x1B380] =	vst v63  }
0x30: {  	s23 =	simm.s32 $0x300;
	s24 =	simm.s32 $0x4380  }
0x31: {  	[tilespmem:s24], [sflag:$0x1] =	stream.indirect.gather [hbm4b:s6+s12], $0x10, s23, s12, $0xb8;
	[tilespmem:$0x1B380] =	vst v63  }
0x32: {  	s22 =	simm.s32 $0x380;
	s23 =	simm.s32 $0x4B80  }
0x33: {  	[tilespmem:s23], [sflag:$0x1] =	stream.indirect.gather [hbm4b:s6+s12], $0x10, s22, s12, $0xb8;
	[tilespmem:$0x1B380] =	vst v63  }
0x34: {  	s24 =	simm.s32 $0x5380  }
0x35: {  	[tilespmem:s24], [sflag:$0x1] =	stream.indirect.gather [hbm4b:s6+s12], $0x10, s28, s12, $0xb8;
	[tilespmem:$0x1B380] =	vst v63  }
0x36: {  	s21 =	simm.s32 $0x480;
	s22 =	simm.s32 $0x5B80  }
0x37: {  	[tilespmem:s22], [sflag:$0x1] =	stream.indirect.gather [hbm4b:s6+s12], $0x10, s21, s12, $0xb8;
	[tilespmem:$0x1B380] =	vst v63  }
0x38: {  	s23 =	simm.s32 $0x500;
	s24 =	simm.s32 $0x6380  }
0x39: {  	[tilespmem:s24], [sflag:$0x1] =	stream.indirect.gather [hbm4b:s6+s12], $0x10, s23, s12, $0xb8;
	[tilespmem:$0x1B380] =	vst v63  }
0x3a: {  	s21 =	simm.s32 $0x580;
	s22 =	simm.s32 $0x6B80  }
0x3b: {  	[tilespmem:s22], [sflag:$0x1] =	stream.indirect.gather [hbm4b:s6+s12], $0x10, s21, s12, $0xb8;
	[tilespmem:$0x1B380] =	vst v63  }
0x3c: {  	s20 =	simm.s32 $0x0;
	s23 =	simm.s32 $0x600;
	s24 =	simm.s32 $0x7380  }
0x3d: {  	[tilespmem:s24], [sflag:$0x1] =	stream.indirect.gather [hbm4b:s6+s12], $0x10, s23, s12, $0xb8;
	[tilespmem:$0x1B380] =	vst v63  }
.LBB2_4:
0x3e: {  	s21 =	smul.u32 $0xD00, s20;
	_ =	sdelay $0x1  }
0x3f: {  	s21 =	sadd.s32 s3, s21  }
0x40: {  	s21 =	sshrl.u32 s21, $0x3  }
0x41: {  	s21 =	sadd.s32 s4, s21  }
0x42: {  	s22 =	sadd.s32 $0xD0, s21  }
0x43: {  	[tilespmem:s13], [sflag:$0x3] =	stream.linear.gather [hbm4b:s22+s19], $0x680, $0x38;
	[tilespmem:$0x1B380] =	vst v63  }
0x44: {  	_ =	swait.ge [sflag:s11], $0x680  }
0x45: {  	[sflag:s11] =	ssyncset.done $0x0  }
0x46: {  	s22 =	simm.s32 $0x0;
	[sflag:s11] =	ssyncadd.s32 $0xFFFFF980  }
0x47: {  	s23 =	simm.s32 $0x40;
	v27 =	vld [tilespmem:s22+$0xD00]  }
.LBB2_5:
0x48: {  	p0 =	sne.s32 s23, $0x19C0;
	v28 =	vld [tilespmem:s22+$0x680];
	_ =	sdelay $0x1  }
.Ltmp1:
0x49: {  	(pc) =	sbr.rel @p0 .LBB2_5-.Ltmp1, $3  }
0x4a: {  	_ =	sdelay $0x1  }
0x4b: {  	s24 =	sshra.s32 s23, $0x2;
	v28 =	vadd.s32 v28, v27  }
0x4c: {  	s23 =	sadd.s32 $0x40, s23;
	v27 =	vld [tilespmem:s24+$0xD00];
	[tilespmem:s22+$0x680] =	vst v28;
	s22 =	smov.u32 s24  }
0x4d: {  	v28 =	vld [tilespmem:s22+$0x680];
	_ =	sdelay $0x4  }
0x4e: {  	v27 =	vadd.s32 v28, v27  }
0x4f: {  	s23 =	simm.s32 $0x7B80;
	[tilespmem:s22+$0x680] =	vst v27  }
0x50: {  	[tilespmem:s23], [sflag:$0x1] =	stream.indirect.gather [hbm4b:s6+s12], $0x10, s13, s12, $0xb8;
	[tilespmem:$0x1B380] =	vst v63  }
0x51: {  	s24 =	simm.s32 $0x700;
	s23 =	simm.s32 $0x8380  }
0x52: {  	[tilespmem:s23], [sflag:$0x1] =	stream.indirect.gather [hbm4b:s6+s12], $0x10, s24, s12, $0xb8;
	[tilespmem:$0x1B380] =	vst v63  }
0x53: {  	s23 =	simm.s32 $0x780;
	s24 =	simm.s32 $0x8B80  }
0x54: {  	[tilespmem:s24], [sflag:$0x1] =	stream.indirect.gather [hbm4b:s6+s12], $0x10, s23, s12, $0xb8;
	[tilespmem:$0x1B380] =	vst v63  }
0x55: {  	s23 =	simm.s32 $0x800;
	s24 =	simm.s32 $0x9380  }
0x56: {  	[tilespmem:s24], [sflag:$0x1] =	stream.indirect.gather [hbm4b:s6+s12], $0x10, s23, s12, $0xb8;
	[tilespmem:$0x1B380] =	vst v63  }
0x57: {  	s23 =	simm.s32 $0x880;
	s24 =	simm.s32 $0x9B80  }
0x58: {  	[tilespmem:s24], [sflag:$0x1] =	stream.indirect.gather [hbm4b:s6+s12], $0x10, s23, s12, $0xb8;
	[tilespmem:$0x1B380] =	vst v63  }
0x59: {  	s23 =	simm.s32 $0x900;
	s24 =	simm.s32 $0xA380  }
0x5a: {  	[tilespmem:s24], [sflag:$0x1] =	stream.indirect.gather [hbm4b:s6+s12], $0x10, s23, s12, $0xb8;
	[tilespmem:$0x1B380] =	vst v63  }
0x5b: {  	_ = 	snop  }
0x5c: {  	[tilespmem:s26], [sflag:$0x1] =	stream.indirect.gather [hbm4b:s6+s12], $0x10, s25, s12, $0xb8;
	[tilespmem:$0x1B380] =	vst v63  }
0x5d: {  	_ = 	snop  }
0x5e: {  	[tilespmem:s30], [sflag:$0x1] =	stream.indirect.gather [hbm4b:s6+s12], $0x10, s29, s12, $0xb8;
	[tilespmem:$0x1B380] =	vst v63  }
0x5f: {  	_ = 	snop  }
0x60: {  	[tilespmem:s0], [sflag:$0x1] =	stream.indirect.gather [hbm4b:s6+s12], $0x10, s31, s12, $0xb8;
	[tilespmem:$0x1B380] =	vst v63  }
0x61: {  	_ = 	snop  }
0x62: {  	[tilespmem:s10], [sflag:$0x1] =	stream.indirect.gather [hbm4b:s6+s12], $0x10, s1, s12, $0xb8;
	[tilespmem:$0x1B380] =	vst v63  }
0x63: {  	_ = 	snop  }
0x64: {  	[tilespmem:s7], [sflag:$0x1] =	stream.indirect.gather [hbm4b:s6+s12], $0x10, s5, s12, $0xb8;
	[tilespmem:$0x1B380] =	vst v63  }
0x65: {  	_ = 	snop  }
0x66: {  	[tilespmem:s2], [sflag:$0x1] =	stream.indirect.gather [hbm4b:s6+s12], $0x10, s9, s12, $0xb8;
	[tilespmem:$0x1B380] =	vst v63  }
0x67: {  	_ = 	snop  }
0x68: {  	[tilespmem:s15], [sflag:$0x1] =	stream.indirect.gather [hbm4b:s6+s12], $0x10, s14, s12, $0xb8;
	[tilespmem:$0x1B380] =	vst v63  }
0x69: {  	_ =	swait.ge [sflag:s16], $0x6800  }
0x6a: {  	p0 =	seq.s32 s20, $0x0;
	[sflag:s16] =	ssyncset.done $0x0  }
0x6b: {  	s22 =	simm.s32 @!p0 $0x2;
	[sflag:s16] =	ssyncadd.s32 $0xFFFF9800  }
0x6c: {  	s24 =	simm.s32 $0x0;
	_ =	swait.ge @!p0 [sflag:s22], $0xD000  }
0x6d: {  	v27 =	vor.u32 s24, v1;
	[sflag:s22] =	ssyncset.done @!p0 $0x0  }
0x6e: {  	v27 =	vand.u32 $0x3BF, v27;
	[sflag:s22] =	ssyncadd.s32 @!p0 $0xFFFF3000;
	s22 =	simm.s32 $0x1450  }
0x6f: {  	v29 =	vor.u32 v0, v27;
	v28 =	vld [tilespmem:s22+$0xFFFFFF30];
	_ =	sdelay $0x4  }
0x70: {  	[tilespmem:v29+s17+$0x0] =	vst.idx.msk $0xffff, v28  }
0x71: {  	v29 =	vor.u32 v2, v27;
	v28 =	vld [tilespmem:s22+$0xFFFFFF40];
	_ =	sdelay $0x4  }
0x72: {  	[tilespmem:v29+s17+$0x0] =	vst.idx.msk $0xffff, v28  }
0x73: {  	v29 =	vor.u32 v3, v27;
	v28 =	vld [tilespmem:s22+$0xFFFFFF50];
	_ =	sdelay $0x4  }
0x74: {  	[tilespmem:v29+s17+$0x0] =	vst.idx.msk $0xffff, v28  }
0x75: {  	v29 =	vor.u32 v4, v27;
	v28 =	vld [tilespmem:s22+$0xFFFFFF60];
	_ =	sdelay $0x4  }
0x76: {  	[tilespmem:v29+s17+$0x0] =	vst.idx.msk $0xffff, v28  }
0x77: {  	v29 =	vor.u32 v5, v27;
	v28 =	vld [tilespmem:s22+$0xFFFFFF70];
	_ =	sdelay $0x4  }
0x78: {  	[tilespmem:v29+s17+$0x0] =	vst.idx.msk $0xffff, v28  }
0x79: {  	v29 =	vor.u32 v6, v27;
	v28 =	vld [tilespmem:s22+$0xFFFFFF80];
	_ =	sdelay $0x4  }
0x7a: {  	[tilespmem:v29+s17+$0x0] =	vst.idx.msk $0xffff, v28  }
0x7b: {  	v29 =	vor.u32 v7, v27;
	v28 =	vld [tilespmem:s22+$0xFFFFFF90];
	_ =	sdelay $0x4  }
0x7c: {  	[tilespmem:v29+s17+$0x0] =	vst.idx.msk $0xffff, v28  }
0x7d: {  	v29 =	vor.u32 v8, v27;
	v28 =	vld [tilespmem:s22+$0xFFFFFFA0];
	_ =	sdelay $0x4  }
0x7e: {  	[tilespmem:v29+s17+$0x0] =	vst.idx.msk $0xffff, v28  }
0x7f: {  	v29 =	vor.u32 v9, v27;
	v28 =	vld [tilespmem:s22+$0xFFFFFFB0];
	_ =	sdelay $0x4  }
0x80: {  	[tilespmem:v29+s17+$0x0] =	vst.idx.msk $0xffff, v28  }
0x81: {  	v29 =	vor.u32 v10, v27;
	v28 =	vld [tilespmem:s22+$0xFFFFFFC0];
	_ =	sdelay $0x4  }
0x82: {  	[tilespmem:v29+s17+$0x0] =	vst.idx.msk $0xffff, v28  }
0x83: {  	v29 =	vor.u32 v11, v27;
	v28 =	vld [tilespmem:s22+$0xFFFFFFD0];
	_ =	sdelay $0x4  }
0x84: {  	[tilespmem:v29+s17+$0x0] =	vst.idx.msk $0xffff, v28  }
0x85: {  	v29 =	vor.u32 v12, v27;
	v28 =	vld [tilespmem:s22+$0xFFFFFFE0];
	_ =	sdelay $0x4  }
0x86: {  	[tilespmem:v29+s17+$0x0] =	vst.idx.msk $0xffff, v28  }
0x87: {  	v29 =	vor.u32 v13, v27;
	v28 =	vld [tilespmem:s22+$0xFFFFFFF0];
	_ =	sdelay $0x4  }
0x88: {  	[tilespmem:v29+s17+$0x0] =	vst.idx.msk $0xffff, v28  }
0x89: {  	v29 =	vor.u32 v14, v27;
	v28 =	vld [tilespmem:s22+$0x0];
	_ =	sdelay $0x4  }
0x8a: {  	[tilespmem:v29+s17+$0x0] =	vst.idx.msk $0xffff, v28  }
0x8b: {  	v29 =	vor.u32 v15, v27;
	v28 =	vld [tilespmem:s22+$0x10];
	_ =	sdelay $0x4  }
0x8c: {  	[tilespmem:v29+s17+$0x0] =	vst.idx.msk $0xffff, v28  }
0x8d: {  	v29 =	vor.u32 v16, v27;
	v28 =	vld [tilespmem:s22+$0x20];
	_ =	sdelay $0x4  }
0x8e: {  	[tilespmem:v29+s17+$0x0] =	vst.idx.msk $0xffff, v28  }
0x8f: {  	v29 =	vor.u32 v17, v27;
	v28 =	vld [tilespmem:s22+$0x30];
	_ =	sdelay $0x4  }
0x90: {  	[tilespmem:v29+s17+$0x0] =	vst.idx.msk $0xffff, v28  }
0x91: {  	v29 =	vor.u32 v18, v27;
	v28 =	vld [tilespmem:s22+$0x40];
	_ =	sdelay $0x4  }
0x92: {  	[tilespmem:v29+s17+$0x0] =	vst.idx.msk $0xffff, v28  }
0x93: {  	v29 =	vor.u32 v19, v27;
	v28 =	vld [tilespmem:s22+$0x50];
	_ =	sdelay $0x4  }
0x94: {  	[tilespmem:v29+s17+$0x0] =	vst.idx.msk $0xffff, v28  }
0x95: {  	v29 =	vor.u32 v20, v27;
	v28 =	vld [tilespmem:s22+$0x60];
	_ =	sdelay $0x4  }
0x96: {  	[tilespmem:v29+s17+$0x0] =	vst.idx.msk $0xffff, v28  }
0x97: {  	v29 =	vor.u32 v21, v27;
	v28 =	vld [tilespmem:s22+$0x70];
	_ =	sdelay $0x4  }
0x98: {  	[tilespmem:v29+s17+$0x0] =	vst.idx.msk $0xffff, v28  }
0x99: {  	v29 =	vor.u32 v22, v27;
	v28 =	vld [tilespmem:s22+$0x80];
	_ =	sdelay $0x4  }
0x9a: {  	[tilespmem:v29+s17+$0x0] =	vst.idx.msk $0xffff, v28  }
0x9b: {  	v29 =	vor.u32 v23, v27;
	v28 =	vld [tilespmem:s22+$0x90];
	_ =	sdelay $0x4  }
0x9c: {  	[tilespmem:v29+s17+$0x0] =	vst.idx.msk $0xffff, v28  }
0x9d: {  	v29 =	vor.u32 v24, v27;
	v28 =	vld [tilespmem:s22+$0xA0];
	_ =	sdelay $0x4  }
0x9e: {  	[tilespmem:v29+s17+$0x0] =	vst.idx.msk $0xffff, v28  }
0x9f: {  	v29 =	vor.u32 v25, v27;
	v28 =	vld [tilespmem:s22+$0xB0];
	_ =	sdelay $0x4  }
0xa0: {  	[tilespmem:v29+s17+$0x0] =	vst.idx.msk $0xffff, v28  }
0xa1: {  	v29 =	vor.u32 v26, v27;
	v28 =	vld [tilespmem:s22+$0xC0];
	_ =	sdelay $0x2  }
0xa2: {  	s24 =	simm.s32 $0x1  }
0xa3: {  	s23 =	simm.s32 $0x2;
	v27 =	vor.u32 s24, v1  }
.LBB2_7:
0xa4: {  	p0 =	sne.s32 s23, $0x3F;
	v27 =	vand.u32 $0x3BF, v27;
	[tilespmem:v29+s17+$0x0] =	vst.idx.msk $0xffff, v28;
	s22 =	sadd.s32 $0x1A0, s22  }
0xa5: {  	v28 =	vld [tilespmem:s22+$0xFFFFFF30];
	v29 =	vor.u32 v0, v27;
	_ =	sdelay $0x4  }
0xa6: {  	[tilespmem:v29+s17+$0x0] =	vst.idx.msk $0xffff, v28  }
0xa7: {  	v29 =	vor.u32 v2, v27;
	v28 =	vld [tilespmem:s22+$0xFFFFFF40];
	_ =	sdelay $0x4  }
0xa8: {  	[tilespmem:v29+s17+$0x0] =	vst.idx.msk $0xffff, v28  }
0xa9: {  	v29 =	vor.u32 v3, v27;
	v28 =	vld [tilespmem:s22+$0xFFFFFF50];
	_ =	sdelay $0x4  }
0xaa: {  	[tilespmem:v29+s17+$0x0] =	vst.idx.msk $0xffff, v28  }
0xab: {  	v29 =	vor.u32 v4, v27;
	v28 =	vld [tilespmem:s22+$0xFFFFFF60];
	_ =	sdelay $0x4  }
0xac: {  	[tilespmem:v29+s17+$0x0] =	vst.idx.msk $0xffff, v28  }
0xad: {  	v29 =	vor.u32 v5, v27;
	v28 =	vld [tilespmem:s22+$0xFFFFFF70];
	_ =	sdelay $0x4  }
0xae: {  	[tilespmem:v29+s17+$0x0] =	vst.idx.msk $0xffff, v28  }
0xaf: {  	v29 =	vor.u32 v6, v27;
	v28 =	vld [tilespmem:s22+$0xFFFFFF80];
	_ =	sdelay $0x4  }
0xb0: {  	[tilespmem:v29+s17+$0x0] =	vst.idx.msk $0xffff, v28  }
0xb1: {  	v29 =	vor.u32 v7, v27;
	v28 =	vld [tilespmem:s22+$0xFFFFFF90];
	_ =	sdelay $0x4  }
0xb2: {  	[tilespmem:v29+s17+$0x0] =	vst.idx.msk $0xffff, v28  }
0xb3: {  	v29 =	vor.u32 v8, v27;
	v28 =	vld [tilespmem:s22+$0xFFFFFFA0];
	_ =	sdelay $0x4  }
0xb4: {  	[tilespmem:v29+s17+$0x0] =	vst.idx.msk $0xffff, v28  }
0xb5: {  	v29 =	vor.u32 v9, v27;
	v28 =	vld [tilespmem:s22+$0xFFFFFFB0];
	_ =	sdelay $0x4  }
0xb6: {  	[tilespmem:v29+s17+$0x0] =	vst.idx.msk $0xffff, v28  }
0xb7: {  	v29 =	vor.u32 v10, v27;
	v28 =	vld [tilespmem:s22+$0xFFFFFFC0];
	_ =	sdelay $0x4  }
0xb8: {  	[tilespmem:v29+s17+$0x0] =	vst.idx.msk $0xffff, v28  }
0xb9: {  	v29 =	vor.u32 v11, v27;
	v28 =	vld [tilespmem:s22+$0xFFFFFFD0];
	_ =	sdelay $0x4  }
0xba: {  	[tilespmem:v29+s17+$0x0] =	vst.idx.msk $0xffff, v28  }
0xbb: {  	v29 =	vor.u32 v12, v27;
	v28 =	vld [tilespmem:s22+$0xFFFFFFE0];
	_ =	sdelay $0x4  }
0xbc: {  	[tilespmem:v29+s17+$0x0] =	vst.idx.msk $0xffff, v28  }
0xbd: {  	v29 =	vor.u32 v13, v27;
	v28 =	vld [tilespmem:s22+$0xFFFFFFF0];
	_ =	sdelay $0x4  }
0xbe: {  	[tilespmem:v29+s17+$0x0] =	vst.idx.msk $0xffff, v28  }
0xbf: {  	v29 =	vor.u32 v14, v27;
	v28 =	vld [tilespmem:s22+$0x0];
	_ =	sdelay $0x4  }
0xc0: {  	[tilespmem:v29+s17+$0x0] =	vst.idx.msk $0xffff, v28  }
0xc1: {  	v29 =	vor.u32 v15, v27;
	v28 =	vld [tilespmem:s22+$0x10];
	_ =	sdelay $0x4  }
0xc2: {  	[tilespmem:v29+s17+$0x0] =	vst.idx.msk $0xffff, v28  }
0xc3: {  	v29 =	vor.u32 v16, v27;
	v28 =	vld [tilespmem:s22+$0x20];
	_ =	sdelay $0x4  }
0xc4: {  	[tilespmem:v29+s17+$0x0] =	vst.idx.msk $0xffff, v28  }
0xc5: {  	v29 =	vor.u32 v17, v27;
	v28 =	vld [tilespmem:s22+$0x30];
	_ =	sdelay $0x4  }
0xc6: {  	[tilespmem:v29+s17+$0x0] =	vst.idx.msk $0xffff, v28  }
0xc7: {  	v29 =	vor.u32 v18, v27;
	v28 =	vld [tilespmem:s22+$0x40];
	_ =	sdelay $0x4  }
0xc8: {  	[tilespmem:v29+s17+$0x0] =	vst.idx.msk $0xffff, v28  }
0xc9: {  	v29 =	vor.u32 v19, v27;
	v28 =	vld [tilespmem:s22+$0x50];
	_ =	sdelay $0x4  }
0xca: {  	[tilespmem:v29+s17+$0x0] =	vst.idx.msk $0xffff, v28  }
0xcb: {  	v29 =	vor.u32 v20, v27;
	v28 =	vld [tilespmem:s22+$0x60];
	_ =	sdelay $0x4  }
0xcc: {  	[tilespmem:v29+s17+$0x0] =	vst.idx.msk $0xffff, v28  }
0xcd: {  	v29 =	vor.u32 v21, v27;
	v28 =	vld [tilespmem:s22+$0x70];
	_ =	sdelay $0x4  }
0xce: {  	[tilespmem:v29+s17+$0x0] =	vst.idx.msk $0xffff, v28  }
0xcf: {  	v29 =	vor.u32 v22, v27;
	v28 =	vld [tilespmem:s22+$0x80];
	_ =	sdelay $0x4  }
0xd0: {  	[tilespmem:v29+s17+$0x0] =	vst.idx.msk $0xffff, v28  }
0xd1: {  	v29 =	vor.u32 v23, v27;
	v28 =	vld [tilespmem:s22+$0x90];
	_ =	sdelay $0x4  }
0xd2: {  	[tilespmem:v29+s17+$0x0] =	vst.idx.msk $0xffff, v28  }
0xd3: {  	v29 =	vor.u32 v24, v27;
	v28 =	vld [tilespmem:s22+$0xA0];
	_ =	sdelay $0x4  }
0xd4: {  	[tilespmem:v29+s17+$0x0] =	vst.idx.msk $0xffff, v28  }
0xd5: {  	v29 =	vor.u32 v25, v27;
	v28 =	vld [tilespmem:s22+$0xB0];
	_ =	sdelay $0x4  }
0xd6: {  	[tilespmem:v29+s17+$0x0] =	vst.idx.msk $0xffff, v28  }
.Ltmp2:
0xd7: {  	v29 =	vor.u32 v26, v27;
	v28 =	vld [tilespmem:s22+$0xC0];
	(pc) =	sbr.rel @p0 .LBB2_7-.Ltmp2, $2  }
0xd8: {  	_ =	sdelay $0x2  }
0xd9: {  	v27 =	vor.u32 s23, v1;
	s23 =	sadd.s32 $0x1, s23  }
0xda: {  	_ =	sdelay $0x3  }
0xdb: {  	v27 =	vand.u32 $0x3BF, v27;
	[tilespmem:v29+s17+$0x0] =	vst.idx.msk $0xffff, v28;
	s22 =	sadd.s32 $0x1A0, s22  }
0xdc: {  	v28 =	vld [tilespmem:s22+$0xFFFFFF30];
	v39 =	vor.u32 v0, v27;
	_ =	sdelay $0x4  }
0xdd: {  	[tilespmem:v39+s17+$0x0] =	vst.idx.msk $0xffff, v28  }
0xde: {  	v40 =	vor.u32 v2, v27;
	v28 =	vld [tilespmem:s22+$0xFFFFFF40];
	_ =	sdelay $0x4  }
0xdf: {  	[tilespmem:v40+s17+$0x0] =	vst.idx.msk $0xffff, v28  }
0xe0: {  	v41 =	vor.u32 v3, v27;
	v28 =	vld [tilespmem:s22+$0xFFFFFF50];
	_ =	sdelay $0x4  }
0xe1: {  	[tilespmem:v41+s17+$0x0] =	vst.idx.msk $0xffff, v28  }
0xe2: {  	v42 =	vor.u32 v4, v27;
	v28 =	vld [tilespmem:s22+$0xFFFFFF60];
	_ =	sdelay $0x4  }
0xe3: {  	[tilespmem:v42+s17+$0x0] =	vst.idx.msk $0xffff, v28  }
0xe4: {  	v43 =	vor.u32 v5, v27;
	v28 =	vld [tilespmem:s22+$0xFFFFFF70];
	_ =	sdelay $0x4  }
0xe5: {  	[tilespmem:v43+s17+$0x0] =	vst.idx.msk $0xffff, v28  }
0xe6: {  	v44 =	vor.u32 v6, v27;
	v28 =	vld [tilespmem:s22+$0xFFFFFF80];
	_ =	sdelay $0x4  }
0xe7: {  	[tilespmem:v44+s17+$0x0] =	vst.idx.msk $0xffff, v28  }
0xe8: {  	v45 =	vor.u32 v7, v27;
	v28 =	vld [tilespmem:s22+$0xFFFFFF90];
	_ =	sdelay $0x4  }
0xe9: {  	[tilespmem:v45+s17+$0x0] =	vst.idx.msk $0xffff, v28  }
0xea: {  	v46 =	vor.u32 v8, v27;
	v28 =	vld [tilespmem:s22+$0xFFFFFFA0];
	_ =	sdelay $0x4  }
0xeb: {  	[tilespmem:v46+s17+$0x0] =	vst.idx.msk $0xffff, v28  }
0xec: {  	v47 =	vor.u32 v9, v27;
	v28 =	vld [tilespmem:s22+$0xFFFFFFB0];
	_ =	sdelay $0x4  }
0xed: {  	[tilespmem:v47+s17+$0x0] =	vst.idx.msk $0xffff, v28  }
0xee: {  	v48 =	vor.u32 v10, v27;
	v28 =	vld [tilespmem:s22+$0xFFFFFFC0];
	_ =	sdelay $0x4  }
0xef: {  	[tilespmem:v48+s17+$0x0] =	vst.idx.msk $0xffff, v28  }
0xf0: {  	v49 =	vor.u32 v11, v27;
	v28 =	vld [tilespmem:s22+$0xFFFFFFD0];
	_ =	sdelay $0x4  }
0xf1: {  	[tilespmem:v49+s17+$0x0] =	vst.idx.msk $0xffff, v28  }
0xf2: {  	v50 =	vor.u32 v12, v27;
	v28 =	vld [tilespmem:s22+$0xFFFFFFE0];
	_ =	sdelay $0x4  }
0xf3: {  	[tilespmem:v50+s17+$0x0] =	vst.idx.msk $0xffff, v28  }
0xf4: {  	v51 =	vor.u32 v13, v27;
	v28 =	vld [tilespmem:s22+$0xFFFFFFF0];
	_ =	sdelay $0x4  }
0xf5: {  	[tilespmem:v51+s17+$0x0] =	vst.idx.msk $0xffff, v28  }
0xf6: {  	v52 =	vor.u32 v14, v27;
	v28 =	vld [tilespmem:s22+$0x0];
	_ =	sdelay $0x4  }
0xf7: {  	[tilespmem:v52+s17+$0x0] =	vst.idx.msk $0xffff, v28  }
0xf8: {  	v53 =	vor.u32 v15, v27;
	v28 =	vld [tilespmem:s22+$0x10];
	_ =	sdelay $0x4  }
0xf9: {  	[tilespmem:v53+s17+$0x0] =	vst.idx.msk $0xffff, v28  }
0xfa: {  	v54 =	vor.u32 v16, v27;
	v28 =	vld [tilespmem:s22+$0x20];
	_ =	sdelay $0x4  }
0xfb: {  	[tilespmem:v54+s17+$0x0] =	vst.idx.msk $0xffff, v28  }
0xfc: {  	v55 =	vor.u32 v17, v27;
	v28 =	vld [tilespmem:s22+$0x30];
	_ =	sdelay $0x4  }
0xfd: {  	[tilespmem:v55+s17+$0x0] =	vst.idx.msk $0xffff, v28  }
0xfe: {  	v56 =	vor.u32 v18, v27;
	v28 =	vld [tilespmem:s22+$0x40];
	_ =	sdelay $0x4  }
0xff: {  	[tilespmem:v56+s17+$0x0] =	vst.idx.msk $0xffff, v28  }
0x100: {  	v57 =	vor.u32 v19, v27;
	v28 =	vld [tilespmem:s22+$0x50];
	_ =	sdelay $0x4  }
0x101: {  	[tilespmem:v57+s17+$0x0] =	vst.idx.msk $0xffff, v28  }
0x102: {  	v58 =	vor.u32 v20, v27;
	v28 =	vld [tilespmem:s22+$0x60];
	_ =	sdelay $0x4  }
0x103: {  	[tilespmem:v58+s17+$0x0] =	vst.idx.msk $0xffff, v28  }
0x104: {  	v59 =	vor.u32 v21, v27;
	v28 =	vld [tilespmem:s22+$0x70];
	_ =	sdelay $0x4  }
0x105: {  	[tilespmem:v59+s17+$0x0] =	vst.idx.msk $0xffff, v28  }
0x106: {  	v60 =	vor.u32 v22, v27;
	v28 =	vld [tilespmem:s22+$0x80];
	_ =	sdelay $0x4  }
0x107: {  	[tilespmem:v60+s17+$0x0] =	vst.idx.msk $0xffff, v28  }
0x108: {  	v61 =	vor.u32 v23, v27;
	v28 =	vld [tilespmem:s22+$0x90];
	_ =	sdelay $0x4  }
0x109: {  	[tilespmem:v61+s17+$0x0] =	vst.idx.msk $0xffff, v28  }
0x10a: {  	v62 =	vor.u32 v24, v27;
	v28 =	vld [tilespmem:s22+$0xA0];
	_ =	sdelay $0x4  }
0x10b: {  	[tilespmem:v62+s17+$0x0] =	vst.idx.msk $0xffff, v28  }
0x10c: {  	v63 =	vor.u32 v25, v27;
	v28 =	vld [tilespmem:s22+$0xB0];
	_ =	sdelay $0x4  }
0x10d: {  	[tilespmem:v63+s17+$0x0] =	vst.idx.msk $0xffff, v28  }
0x10e: {  	p0 =	seq.s32 s20, $0x3;
	v27 =	vor.u32 v26, v27;
	v28 =	vld [tilespmem:s22+$0xC0]  }
.Ltmp3:
0x10f: {  	_ = 	snop;
	(pc) =	sbr.rel @p0 .LBB2_12-.Ltmp3, $2  }
0x110: {  	_ =	sdelay $0x2  }
0x111: {  	[tilespmem:v27+s17+$0x0] =	vst.idx.msk $0xffff, v28  }
0x112: {  	s21 =	sadd.s32 $0x1A0, s21;
	s22 =	simm.s32 $0x0  }
0x113: {  	[tilespmem:s22], [sflag:$0x3] =	stream.linear.gather [hbm4b:s21+s22], $0x680, $0x38;
	[tilespmem:$0x1B380] =	vst v63  }
0x114: {  	_ =	swait.ge [sflag:s11], $0x680  }
0x115: {  	[sflag:s11] =	ssyncset.done $0x0  }
0x116: {  	s21 =	simm.s32 $0x0;
	[sflag:s11] =	ssyncadd.s32 $0xFFFFF980  }
0x117: {  	s22 =	simm.s32 $0x40;
	v27 =	vld [tilespmem:s21+$0xD00]  }
.LBB2_10:
0x118: {  	p0 =	sne.s32 s22, $0x19C0;
	v28 =	vld [tilespmem:s21+$0x0];
	_ =	sdelay $0x1  }
.Ltmp4:
0x119: {  	(pc) =	sbr.rel @p0 .LBB2_10-.Ltmp4, $3  }
0x11a: {  	_ =	sdelay $0x1  }
0x11b: {  	s23 =	sshra.s32 s22, $0x2;
	v28 =	vadd.s32 v28, v27  }
0x11c: {  	s22 =	sadd.s32 $0x40, s22;
	v27 =	vld [tilespmem:s23+$0xD00];
	[tilespmem:s21+$0x0] =	vst v28;
	s21 =	smov.u32 s23  }
0x11d: {  	v28 =	vld [tilespmem:s21+$0x0];
	_ =	sdelay $0x4  }
0x11e: {  	v27 =	vadd.s32 v28, v27  }
0x11f: {  	s24 =	simm.s32 $0x0;
	s22 =	simm.s32 $0x1380;
	[tilespmem:s21+$0x0] =	vst v27  }
0x120: {  	[tilespmem:s22], [sflag:$0x1] =	stream.indirect.gather [hbm4b:s6+s12], $0x10, s24, s12, $0xb8;
	[tilespmem:$0x1B380] =	vst v63  }
0x121: {  	s22 =	simm.s32 $0x1B80  }
0x122: {  	[tilespmem:s22], [sflag:$0x1] =	stream.indirect.gather [hbm4b:s6+s12], $0x10, s12, s12, $0xb8;
	[tilespmem:$0x1B380] =	vst v63  }
0x123: {  	s23 =	simm.s32 $0x100;
	s24 =	simm.s32 $0x2380  }
0x124: {  	[tilespmem:s24], [sflag:$0x1] =	stream.indirect.gather [hbm4b:s6+s12], $0x10, s23, s12, $0xb8;
	[tilespmem:$0x1B380] =	vst v63  }
0x125: {  	s23 =	simm.s32 $0x180;
	s24 =	simm.s32 $0x2B80  }
0x126: {  	[tilespmem:s24], [sflag:$0x1] =	stream.indirect.gather [hbm4b:s6+s12], $0x10, s23, s12, $0xb8;
	[tilespmem:$0x1B380] =	vst v63  }
0x127: {  	s23 =	simm.s32 $0x200;
	s24 =	simm.s32 $0x3380  }
0x128: {  	[tilespmem:s24], [sflag:$0x1] =	stream.indirect.gather [hbm4b:s6+s12], $0x10, s23, s12, $0xb8;
	[tilespmem:$0x1B380] =	vst v63  }
0x129: {  	s23 =	simm.s32 $0x280;
	s24 =	simm.s32 $0x3B80  }
0x12a: {  	[tilespmem:s24], [sflag:$0x1] =	stream.indirect.gather [hbm4b:s6+s12], $0x10, s23, s12, $0xb8;
	[tilespmem:$0x1B380] =	vst v63  }
0x12b: {  	s23 =	simm.s32 $0x300;
	s24 =	simm.s32 $0x4380  }
0x12c: {  	[tilespmem:s24], [sflag:$0x1] =	stream.indirect.gather [hbm4b:s6+s12], $0x10, s23, s12, $0xb8;
	[tilespmem:$0x1B380] =	vst v63  }
0x12d: {  	s23 =	simm.s32 $0x380;
	s24 =	simm.s32 $0x4B80  }
0x12e: {  	[tilespmem:s24], [sflag:$0x1] =	stream.indirect.gather [hbm4b:s6+s12], $0x10, s23, s12, $0xb8;
	[tilespmem:$0x1B380] =	vst v63  }
0x12f: {  	s22 =	simm.s32 $0x5380  }
0x130: {  	[tilespmem:s22], [sflag:$0x1] =	stream.indirect.gather [hbm4b:s6+s12], $0x10, s28, s12, $0xb8;
	[tilespmem:$0x1B380] =	vst v63  }
0x131: {  	s23 =	simm.s32 $0x480;
	s24 =	simm.s32 $0x5B80  }
0x132: {  	[tilespmem:s24], [sflag:$0x1] =	stream.indirect.gather [hbm4b:s6+s12], $0x10, s23, s12, $0xb8;
	[tilespmem:$0x1B380] =	vst v63  }
0x133: {  	s23 =	simm.s32 $0x500;
	s24 =	simm.s32 $0x6380  }
0x134: {  	[tilespmem:s24], [sflag:$0x1] =	stream.indirect.gather [hbm4b:s6+s12], $0x10, s23, s12, $0xb8;
	[tilespmem:$0x1B380] =	vst v63  }
0x135: {  	s23 =	simm.s32 $0x580;
	s24 =	simm.s32 $0x6B80  }
0x136: {  	[tilespmem:s24], [sflag:$0x1] =	stream.indirect.gather [hbm4b:s6+s12], $0x10, s23, s12, $0xb8;
	[tilespmem:$0x1B380] =	vst v63  }
0x137: {  	s23 =	simm.s32 $0x600;
	s24 =	simm.s32 $0x7380  }
0x138: {  	[tilespmem:s24], [sflag:$0x1] =	stream.indirect.gather [hbm4b:s6+s12], $0x10, s23, s12, $0xb8;
	[tilespmem:$0x1B380] =	vst v63  }
.LBB2_12:
0x139: {  	_ =	swait.ge [sflag:s16], $0x6800;
	s21 =	simm.s32 $0x40  }
0x13a: {  	[sflag:s16] =	ssyncset.done $0x0;
	v27 =	vor.u32 s21, v1  }
0x13b: {  	s22 =	simm.s32 $0x7C50;
	[sflag:s16] =	ssyncadd.s32 $0xFFFF9800;
	v27 =	vand.u32 $0x3FF, v27  }
0x13c: {  	v28 =	vld [tilespmem:s22+$0xFFFFFF30];
	v29 =	vor.u32 v0, v27;
	_ =	sdelay $0x4  }
0x13d: {  	[tilespmem:v29+s17+$0x0] =	vst.idx.msk $0xffff, v28  }
0x13e: {  	v29 =	vor.u32 v2, v27;
	v28 =	vld [tilespmem:s22+$0xFFFFFF40];
	_ =	sdelay $0x4  }
0x13f: {  	[tilespmem:v29+s17+$0x0] =	vst.idx.msk $0xffff, v28  }
0x140: {  	v29 =	vor.u32 v3, v27;
	v28 =	vld [tilespmem:s22+$0xFFFFFF50];
	_ =	sdelay $0x4  }
0x141: {  	[tilespmem:v29+s17+$0x0] =	vst.idx.msk $0xffff, v28  }
0x142: {  	v29 =	vor.u32 v4, v27;
	v28 =	vld [tilespmem:s22+$0xFFFFFF60];
	_ =	sdelay $0x4  }
0x143: {  	[tilespmem:v29+s17+$0x0] =	vst.idx.msk $0xffff, v28  }
0x144: {  	v29 =	vor.u32 v5, v27;
	v28 =	vld [tilespmem:s22+$0xFFFFFF70];
	_ =	sdelay $0x4  }
0x145: {  	[tilespmem:v29+s17+$0x0] =	vst.idx.msk $0xffff, v28  }
0x146: {  	v29 =	vor.u32 v6, v27;
	v28 =	vld [tilespmem:s22+$0xFFFFFF80];
	_ =	sdelay $0x4  }
0x147: {  	[tilespmem:v29+s17+$0x0] =	vst.idx.msk $0xffff, v28  }
0x148: {  	v29 =	vor.u32 v7, v27;
	v28 =	vld [tilespmem:s22+$0xFFFFFF90];
	_ =	sdelay $0x4  }
0x149: {  	[tilespmem:v29+s17+$0x0] =	vst.idx.msk $0xffff, v28  }
0x14a: {  	v29 =	vor.u32 v8, v27;
	v28 =	vld [tilespmem:s22+$0xFFFFFFA0];
	_ =	sdelay $0x4  }
0x14b: {  	[tilespmem:v29+s17+$0x0] =	vst.idx.msk $0xffff, v28  }
0x14c: {  	v29 =	vor.u32 v9, v27;
	v28 =	vld [tilespmem:s22+$0xFFFFFFB0];
	_ =	sdelay $0x4  }
0x14d: {  	[tilespmem:v29+s17+$0x0] =	vst.idx.msk $0xffff, v28  }
0x14e: {  	v29 =	vor.u32 v10, v27;
	v28 =	vld [tilespmem:s22+$0xFFFFFFC0];
	_ =	sdelay $0x4  }
0x14f: {  	[tilespmem:v29+s17+$0x0] =	vst.idx.msk $0xffff, v28  }
0x150: {  	v29 =	vor.u32 v11, v27;
	v28 =	vld [tilespmem:s22+$0xFFFFFFD0];
	_ =	sdelay $0x4  }
0x151: {  	[tilespmem:v29+s17+$0x0] =	vst.idx.msk $0xffff, v28  }
0x152: {  	v29 =	vor.u32 v12, v27;
	v28 =	vld [tilespmem:s22+$0xFFFFFFE0];
	_ =	sdelay $0x4  }
0x153: {  	[tilespmem:v29+s17+$0x0] =	vst.idx.msk $0xffff, v28  }
0x154: {  	v29 =	vor.u32 v13, v27;
	v28 =	vld [tilespmem:s22+$0xFFFFFFF0];
	_ =	sdelay $0x4  }
0x155: {  	[tilespmem:v29+s17+$0x0] =	vst.idx.msk $0xffff, v28  }
0x156: {  	v29 =	vor.u32 v14, v27;
	v28 =	vld [tilespmem:s22+$0x0];
	_ =	sdelay $0x4  }
0x157: {  	[tilespmem:v29+s17+$0x0] =	vst.idx.msk $0xffff, v28  }
0x158: {  	v29 =	vor.u32 v15, v27;
	v28 =	vld [tilespmem:s22+$0x10];
	_ =	sdelay $0x4  }
0x159: {  	[tilespmem:v29+s17+$0x0] =	vst.idx.msk $0xffff, v28  }
0x15a: {  	v29 =	vor.u32 v16, v27;
	v28 =	vld [tilespmem:s22+$0x20];
	_ =	sdelay $0x4  }
0x15b: {  	[tilespmem:v29+s17+$0x0] =	vst.idx.msk $0xffff, v28  }
0x15c: {  	v29 =	vor.u32 v17, v27;
	v28 =	vld [tilespmem:s22+$0x30];
	_ =	sdelay $0x4  }
0x15d: {  	[tilespmem:v29+s17+$0x0] =	vst.idx.msk $0xffff, v28  }
0x15e: {  	v29 =	vor.u32 v18, v27;
	v28 =	vld [tilespmem:s22+$0x40];
	_ =	sdelay $0x4  }
0x15f: {  	[tilespmem:v29+s17+$0x0] =	vst.idx.msk $0xffff, v28  }
0x160: {  	v29 =	vor.u32 v19, v27;
	v28 =	vld [tilespmem:s22+$0x50];
	_ =	sdelay $0x4  }
0x161: {  	[tilespmem:v29+s17+$0x0] =	vst.idx.msk $0xffff, v28  }
0x162: {  	v29 =	vor.u32 v20, v27;
	v28 =	vld [tilespmem:s22+$0x60];
	_ =	sdelay $0x4  }
0x163: {  	[tilespmem:v29+s17+$0x0] =	vst.idx.msk $0xffff, v28  }
0x164: {  	v29 =	vor.u32 v21, v27;
	v28 =	vld [tilespmem:s22+$0x70];
	_ =	sdelay $0x4  }
0x165: {  	[tilespmem:v29+s17+$0x0] =	vst.idx.msk $0xffff, v28  }
0x166: {  	v29 =	vor.u32 v22, v27;
	v28 =	vld [tilespmem:s22+$0x80];
	_ =	sdelay $0x4  }
0x167: {  	[tilespmem:v29+s17+$0x0] =	vst.idx.msk $0xffff, v28  }
0x168: {  	v29 =	vor.u32 v23, v27;
	v28 =	vld [tilespmem:s22+$0x90];
	_ =	sdelay $0x4  }
0x169: {  	[tilespmem:v29+s17+$0x0] =	vst.idx.msk $0xffff, v28  }
0x16a: {  	v29 =	vor.u32 v24, v27;
	v28 =	vld [tilespmem:s22+$0xA0];
	_ =	sdelay $0x4  }
0x16b: {  	[tilespmem:v29+s17+$0x0] =	vst.idx.msk $0xffff, v28  }
0x16c: {  	v29 =	vor.u32 v25, v27;
	v28 =	vld [tilespmem:s22+$0xB0];
	_ =	sdelay $0x4  }
0x16d: {  	[tilespmem:v29+s17+$0x0] =	vst.idx.msk $0xffff, v28  }
0x16e: {  	v29 =	vor.u32 v26, v27;
	v28 =	vld [tilespmem:s22+$0xC0];
	_ =	sdelay $0x2  }
0x16f: {  	s23 =	simm.s32 $0x41  }
0x170: {  	s21 =	sadd.s32 $0x1, s20;
	v27 =	vor.u32 s23, v1;
	s23 =	simm.s32 $0x42  }
.LBB2_13:
0x171: {  	p0 =	sne.s32 s23, $0x7F;
	v27 =	vand.u32 $0x3FF, v27;
	[tilespmem:v29+s17+$0x0] =	vst.idx.msk $0xffff, v28;
	s22 =	sadd.s32 $0x1A0, s22  }
0x172: {  	v28 =	vld [tilespmem:s22+$0xFFFFFF30];
	v29 =	vor.u32 v0, v27;
	_ =	sdelay $0x4  }
0x173: {  	[tilespmem:v29+s17+$0x0] =	vst.idx.msk $0xffff, v28  }
0x174: {  	v29 =	vor.u32 v2, v27;
	v28 =	vld [tilespmem:s22+$0xFFFFFF40];
	_ =	sdelay $0x4  }
0x175: {  	[tilespmem:v29+s17+$0x0] =	vst.idx.msk $0xffff, v28  }
0x176: {  	v29 =	vor.u32 v3, v27;
	v28 =	vld [tilespmem:s22+$0xFFFFFF50];
	_ =	sdelay $0x4  }
0x177: {  	[tilespmem:v29+s17+$0x0] =	vst.idx.msk $0xffff, v28  }
0x178: {  	v29 =	vor.u32 v4, v27;
	v28 =	vld [tilespmem:s22+$0xFFFFFF60];
	_ =	sdelay $0x4  }
0x179: {  	[tilespmem:v29+s17+$0x0] =	vst.idx.msk $0xffff, v28  }
0x17a: {  	v29 =	vor.u32 v5, v27;
	v28 =	vld [tilespmem:s22+$0xFFFFFF70];
	_ =	sdelay $0x4  }
0x17b: {  	[tilespmem:v29+s17+$0x0] =	vst.idx.msk $0xffff, v28  }
0x17c: {  	v29 =	vor.u32 v6, v27;
	v28 =	vld [tilespmem:s22+$0xFFFFFF80];
	_ =	sdelay $0x4  }
0x17d: {  	[tilespmem:v29+s17+$0x0] =	vst.idx.msk $0xffff, v28  }
0x17e: {  	v29 =	vor.u32 v7, v27;
	v28 =	vld [tilespmem:s22+$0xFFFFFF90];
	_ =	sdelay $0x4  }
0x17f: {  	[tilespmem:v29+s17+$0x0] =	vst.idx.msk $0xffff, v28  }
0x180: {  	v29 =	vor.u32 v8, v27;
	v28 =	vld [tilespmem:s22+$0xFFFFFFA0];
	_ =	sdelay $0x4  }
0x181: {  	[tilespmem:v29+s17+$0x0] =	vst.idx.msk $0xffff, v28  }
0x182: {  	v29 =	vor.u32 v9, v27;
	v28 =	vld [tilespmem:s22+$0xFFFFFFB0];
	_ =	sdelay $0x4  }
0x183: {  	[tilespmem:v29+s17+$0x0] =	vst.idx.msk $0xffff, v28  }
0x184: {  	v29 =	vor.u32 v10, v27;
	v28 =	vld [tilespmem:s22+$0xFFFFFFC0];
	_ =	sdelay $0x4  }
0x185: {  	[tilespmem:v29+s17+$0x0] =	vst.idx.msk $0xffff, v28  }
0x186: {  	v29 =	vor.u32 v11, v27;
	v28 =	vld [tilespmem:s22+$0xFFFFFFD0];
	_ =	sdelay $0x4  }
0x187: {  	[tilespmem:v29+s17+$0x0] =	vst.idx.msk $0xffff, v28  }
0x188: {  	v29 =	vor.u32 v12, v27;
	v28 =	vld [tilespmem:s22+$0xFFFFFFE0];
	_ =	sdelay $0x4  }
0x189: {  	[tilespmem:v29+s17+$0x0] =	vst.idx.msk $0xffff, v28  }
0x18a: {  	v29 =	vor.u32 v13, v27;
	v28 =	vld [tilespmem:s22+$0xFFFFFFF0];
	_ =	sdelay $0x4  }
0x18b: {  	[tilespmem:v29+s17+$0x0] =	vst.idx.msk $0xffff, v28  }
0x18c: {  	v29 =	vor.u32 v14, v27;
	v28 =	vld [tilespmem:s22+$0x0];
	_ =	sdelay $0x4  }
0x18d: {  	[tilespmem:v29+s17+$0x0] =	vst.idx.msk $0xffff, v28  }
0x18e: {  	v29 =	vor.u32 v15, v27;
	v28 =	vld [tilespmem:s22+$0x10];
	_ =	sdelay $0x4  }
0x18f: {  	[tilespmem:v29+s17+$0x0] =	vst.idx.msk $0xffff, v28  }
0x190: {  	v29 =	vor.u32 v16, v27;
	v28 =	vld [tilespmem:s22+$0x20];
	_ =	sdelay $0x4  }
0x191: {  	[tilespmem:v29+s17+$0x0] =	vst.idx.msk $0xffff, v28  }
0x192: {  	v29 =	vor.u32 v17, v27;
	v28 =	vld [tilespmem:s22+$0x30];
	_ =	sdelay $0x4  }
0x193: {  	[tilespmem:v29+s17+$0x0] =	vst.idx.msk $0xffff, v28  }
0x194: {  	v29 =	vor.u32 v18, v27;
	v28 =	vld [tilespmem:s22+$0x40];
	_ =	sdelay $0x4  }
0x195: {  	[tilespmem:v29+s17+$0x0] =	vst.idx.msk $0xffff, v28  }
0x196: {  	v29 =	vor.u32 v19, v27;
	v28 =	vld [tilespmem:s22+$0x50];
	_ =	sdelay $0x4  }
0x197: {  	[tilespmem:v29+s17+$0x0] =	vst.idx.msk $0xffff, v28  }
0x198: {  	v29 =	vor.u32 v20, v27;
	v28 =	vld [tilespmem:s22+$0x60];
	_ =	sdelay $0x4  }
0x199: {  	[tilespmem:v29+s17+$0x0] =	vst.idx.msk $0xffff, v28  }
0x19a: {  	v29 =	vor.u32 v21, v27;
	v28 =	vld [tilespmem:s22+$0x70];
	_ =	sdelay $0x4  }
0x19b: {  	[tilespmem:v29+s17+$0x0] =	vst.idx.msk $0xffff, v28  }
0x19c: {  	v29 =	vor.u32 v22, v27;
	v28 =	vld [tilespmem:s22+$0x80];
	_ =	sdelay $0x4  }
0x19d: {  	[tilespmem:v29+s17+$0x0] =	vst.idx.msk $0xffff, v28  }
0x19e: {  	v29 =	vor.u32 v23, v27;
	v28 =	vld [tilespmem:s22+$0x90];
	_ =	sdelay $0x4  }
0x19f: {  	[tilespmem:v29+s17+$0x0] =	vst.idx.msk $0xffff, v28  }
0x1a0: {  	v29 =	vor.u32 v24, v27;
	v28 =	vld [tilespmem:s22+$0xA0];
	_ =	sdelay $0x4  }
0x1a1: {  	[tilespmem:v29+s17+$0x0] =	vst.idx.msk $0xffff, v28  }
0x1a2: {  	v29 =	vor.u32 v25, v27;
	v28 =	vld [tilespmem:s22+$0xB0];
	_ =	sdelay $0x4  }
0x1a3: {  	[tilespmem:v29+s17+$0x0] =	vst.idx.msk $0xffff, v28  }
.Ltmp5:
0x1a4: {  	v29 =	vor.u32 v26, v27;
	v28 =	vld [tilespmem:s22+$0xC0];
	(pc) =	sbr.rel @p0 .LBB2_13-.Ltmp5, $2  }
0x1a5: {  	_ =	sdelay $0x2  }
0x1a6: {  	v27 =	vor.u32 s23, v1;
	s23 =	sadd.s32 $0x1, s23  }
0x1a7: {  	_ =	sdelay $0x3  }
0x1a8: {  	v27 =	vand.u32 $0x3FF, v27;
	[tilespmem:v29+s17+$0x0] =	vst.idx.msk $0xffff, v28;
	s22 =	sadd.s32 $0x1A0, s22  }
0x1a9: {  	v28 =	vld [tilespmem:s22+$0xFFFFFF30];
	v39 =	vor.u32 v0, v27;
	_ =	sdelay $0x4  }
0x1aa: {  	[tilespmem:v39+s17+$0x0] =	vst.idx.msk $0xffff, v28  }
0x1ab: {  	v40 =	vor.u32 v2, v27;
	v28 =	vld [tilespmem:s22+$0xFFFFFF40];
	_ =	sdelay $0x4  }
0x1ac: {  	[tilespmem:v40+s17+$0x0] =	vst.idx.msk $0xffff, v28  }
0x1ad: {  	v41 =	vor.u32 v3, v27;
	v28 =	vld [tilespmem:s22+$0xFFFFFF50];
	_ =	sdelay $0x4  }
0x1ae: {  	[tilespmem:v41+s17+$0x0] =	vst.idx.msk $0xffff, v28  }
0x1af: {  	v42 =	vor.u32 v4, v27;
	v28 =	vld [tilespmem:s22+$0xFFFFFF60];
	_ =	sdelay $0x4  }
0x1b0: {  	[tilespmem:v42+s17+$0x0] =	vst.idx.msk $0xffff, v28  }
0x1b1: {  	v43 =	vor.u32 v5, v27;
	v28 =	vld [tilespmem:s22+$0xFFFFFF70];
	_ =	sdelay $0x4  }
0x1b2: {  	[tilespmem:v43+s17+$0x0] =	vst.idx.msk $0xffff, v28  }
0x1b3: {  	v44 =	vor.u32 v6, v27;
	v28 =	vld [tilespmem:s22+$0xFFFFFF80];
	_ =	sdelay $0x4  }
0x1b4: {  	[tilespmem:v44+s17+$0x0] =	vst.idx.msk $0xffff, v28  }
0x1b5: {  	v45 =	vor.u32 v7, v27;
	v28 =	vld [tilespmem:s22+$0xFFFFFF90];
	_ =	sdelay $0x4  }
0x1b6: {  	[tilespmem:v45+s17+$0x0] =	vst.idx.msk $0xffff, v28  }
0x1b7: {  	v46 =	vor.u32 v8, v27;
	v28 =	vld [tilespmem:s22+$0xFFFFFFA0];
	_ =	sdelay $0x4  }
0x1b8: {  	[tilespmem:v46+s17+$0x0] =	vst.idx.msk $0xffff, v28  }
0x1b9: {  	v47 =	vor.u32 v9, v27;
	v28 =	vld [tilespmem:s22+$0xFFFFFFB0];
	_ =	sdelay $0x4  }
0x1ba: {  	[tilespmem:v47+s17+$0x0] =	vst.idx.msk $0xffff, v28  }
0x1bb: {  	v48 =	vor.u32 v10, v27;
	v28 =	vld [tilespmem:s22+$0xFFFFFFC0];
	_ =	sdelay $0x4  }
0x1bc: {  	[tilespmem:v48+s17+$0x0] =	vst.idx.msk $0xffff, v28  }
0x1bd: {  	v49 =	vor.u32 v11, v27;
	v28 =	vld [tilespmem:s22+$0xFFFFFFD0];
	_ =	sdelay $0x4  }
0x1be: {  	[tilespmem:v49+s17+$0x0] =	vst.idx.msk $0xffff, v28  }
0x1bf: {  	v50 =	vor.u32 v12, v27;
	v28 =	vld [tilespmem:s22+$0xFFFFFFE0];
	_ =	sdelay $0x4  }
0x1c0: {  	[tilespmem:v50+s17+$0x0] =	vst.idx.msk $0xffff, v28  }
0x1c1: {  	v51 =	vor.u32 v13, v27;
	v28 =	vld [tilespmem:s22+$0xFFFFFFF0];
	_ =	sdelay $0x4  }
0x1c2: {  	[tilespmem:v51+s17+$0x0] =	vst.idx.msk $0xffff, v28  }
0x1c3: {  	v52 =	vor.u32 v14, v27;
	v28 =	vld [tilespmem:s22+$0x0];
	_ =	sdelay $0x4  }
0x1c4: {  	[tilespmem:v52+s17+$0x0] =	vst.idx.msk $0xffff, v28  }
0x1c5: {  	v53 =	vor.u32 v15, v27;
	v28 =	vld [tilespmem:s22+$0x10];
	_ =	sdelay $0x4  }
0x1c6: {  	[tilespmem:v53+s17+$0x0] =	vst.idx.msk $0xffff, v28  }
0x1c7: {  	v54 =	vor.u32 v16, v27;
	v28 =	vld [tilespmem:s22+$0x20];
	_ =	sdelay $0x4  }
0x1c8: {  	[tilespmem:v54+s17+$0x0] =	vst.idx.msk $0xffff, v28  }
0x1c9: {  	v55 =	vor.u32 v17, v27;
	v28 =	vld [tilespmem:s22+$0x30];
	_ =	sdelay $0x4  }
0x1ca: {  	[tilespmem:v55+s17+$0x0] =	vst.idx.msk $0xffff, v28  }
0x1cb: {  	v56 =	vor.u32 v18, v27;
	v28 =	vld [tilespmem:s22+$0x40];
	_ =	sdelay $0x4  }
0x1cc: {  	[tilespmem:v56+s17+$0x0] =	vst.idx.msk $0xffff, v28  }
0x1cd: {  	v57 =	vor.u32 v19, v27;
	v28 =	vld [tilespmem:s22+$0x50];
	_ =	sdelay $0x4  }
0x1ce: {  	[tilespmem:v57+s17+$0x0] =	vst.idx.msk $0xffff, v28  }
0x1cf: {  	v58 =	vor.u32 v20, v27;
	v28 =	vld [tilespmem:s22+$0x60];
	_ =	sdelay $0x4  }
0x1d0: {  	[tilespmem:v58+s17+$0x0] =	vst.idx.msk $0xffff, v28  }
0x1d1: {  	v59 =	vor.u32 v21, v27;
	v28 =	vld [tilespmem:s22+$0x70];
	_ =	sdelay $0x4  }
0x1d2: {  	[tilespmem:v59+s17+$0x0] =	vst.idx.msk $0xffff, v28  }
0x1d3: {  	v60 =	vor.u32 v22, v27;
	v28 =	vld [tilespmem:s22+$0x80];
	_ =	sdelay $0x4  }
0x1d4: {  	[tilespmem:v60+s17+$0x0] =	vst.idx.msk $0xffff, v28  }
0x1d5: {  	v61 =	vor.u32 v23, v27;
	v28 =	vld [tilespmem:s22+$0x90];
	_ =	sdelay $0x4  }
0x1d6: {  	[tilespmem:v61+s17+$0x0] =	vst.idx.msk $0xffff, v28  }
0x1d7: {  	v62 =	vor.u32 v24, v27;
	v28 =	vld [tilespmem:s22+$0xA0];
	_ =	sdelay $0x4  }
0x1d8: {  	[tilespmem:v62+s17+$0x0] =	vst.idx.msk $0xffff, v28  }
0x1d9: {  	v63 =	vor.u32 v25, v27;
	v28 =	vld [tilespmem:s22+$0xB0];
	_ =	sdelay $0x4  }
0x1da: {  	[tilespmem:v63+s17+$0x0] =	vst.idx.msk $0xffff, v28  }
0x1db: {  	v27 =	vor.u32 v26, v27;
	v28 =	vld [tilespmem:s22+$0xC0];
	_ =	sdelay $0x1  }
0x1dc: {  	p0 =	sne.s32 s21, $0x4  }
.Ltmp6:
0x1dd: {  	_ = 	snop;
	(pc) =	sbr.rel @p0 .LBB2_4-.Ltmp6, $4  }
0x1de: {  	s20 =	sshll.u32 s20, $0x7  }
0x1df: {  	s20 =	sadd.s32 s20, s8;
	[tilespmem:v27+s17+$0x0] =	vst.idx.msk $0xffff, v28  }
0x1e0: {  	[hbm4b:s20+s28] =	stream.strided.scatter [tilespmem:s17], [sflag:$0x2], $0xD000, s18, s28, $0x38;
	[tilespmem:$0x1B380] =	vst v63  }
0x1e1: {  	s20 =	smov.u32 s21  }
0x1e2: {  	s20 =	simm.s32 $0x2  }
0x1e3: {  	_ =	swait.ge [sflag:s20], $0xD000  }
0x1e4: {  	s21 =	rddreg [dreg:$0x6]  }
0x1e5: {  	s19 =	rddreg [dreg:$0x5];
	s21 =	sadd.s32 $0x1, s21  }
0x1e6: {  	p0 =	sne.s32 s21, s19  }
.Ltmp7:
0x1e7: {  	_ = 	snop;
	(pc) =	sbr.rel @p0 .LBB2_1-.Ltmp7, $3  }
0x1e8: {  	_ =	sdelay $0x1  }
0x1e9: {  	[sflag:s20] =	ssyncset.done $0x0  }
0x1ea: {  	[sflag:s20] =	ssyncadd.s32 $0xFFFF3000  }
0x1eb: {  	_ =	sfence.sel $0x180000  }
0x1ec: {  	[bflag:$0x0] =	sbarrier.arrive $0xFFFF  }
0x1ed: {  	_ =	strace $0x9000004A  }
0x1ee: {  	s0 =	stileid.u32;
	[bflag:$0x2] =	sbarrier.arrive $0xFFFF  }
0x1ef: {  	p0 =	sne.s32 s0, $0x0;
	s0 =	rddreg [dreg:$0x2]  }
0x1f0: {  	s0 =	sadd.s32 @!p0 $0x100000, s0  }
0x1f1: {  	[sflag:s0] =	ssyncadd.tile.s32 @!p0 $0x1;
	_ =	shalt  }
.Lfunc_end2:
_tile_overlayer_lowered:
.L_overlay_start_2:
0x1f2: {  	(tag) =	ssettag $0x2  }
0x1f3: {  	s0 =	rddreg [dreg:$0x0];
	s2 =	stileid.u32  }
0x1f4: {  	s1 =	rddreg [dreg:$0x1];
	p0 =	sne.s32 s2, $0x0  }
0x1f5: {  	s3 =	rddreg [dreg:$0x2];
	[bflag:$0x3] =	sbarrier.arrive $0xFFFF;
	s2 =	simm.s32 @!p0 $0x1C03  }
0x1f6: {  	[timem:s3], [sflag:s2] =	dma.local @!p0 [hbm:s0], s1  }
0x1f7: {  	s0 =	simm.s32 @!p0 $0x3  }
0x1f8: {  	_ =	swait.ge @!p0 [sflag:s0], s1  }
0x1f9: {  	s1 =	ssub.s32 @!p0 $0x0, s1;
	[sflag:s0] =	ssyncset.done @!p0 $0x0  }
0x1fa: {  	[sflag:s0] =	ssyncadd.s32 @!p0 s1  }
0x1fb: {  	[bflag:$0x3] =	sbarrier.arrive $0xFFFF  }
0x1fc: {  	_ =	shalt  }

</sc_bundles>
